<compile_context>
chip_gen: v7x
topology: tpu7x:2x2x1
jax: 0.10.2.dev20260603
libtpu: 0.0.44.dev20260713+nightly
codegen_flags: <defaults>
</compile_context>

<pallas_src>
import functools

import jax
import jax.numpy as jnp
from jax import lax
from jax.experimental import pallas as pl
from jax.experimental.pallas import tpu as pltpu
from jax.experimental.pallas import tpu_sc as plsc

NC = 2
NS = 16
CHUNK = 128



def _make_sc_agg(n, w, e):
    blk = 32
    assert e % (NC * NS * CHUNK * blk) == 0
    per_w = e // (NC * NS)
    n_iter = per_w // CHUNK
    n_blk = n_iter // blk
    assert n % (8 * NS) == 0
    rows_per_tile = n // NS

    mesh = plsc.VectorSubcoreMesh(core_axis_name="c", subcore_axis_name="s")

    @functools.partial(
        pl.kernel,
        out_type=jax.ShapeDtypeStruct((NC, n, w), jnp.float32),
        mesh=mesh,
        scratch_types=[
            pltpu.VMEM((blk, CHUNK), jnp.int32),
            pltpu.VMEM((blk, CHUNK), jnp.int32),
            pltpu.VMEM((blk, CHUNK), jnp.int32),
            pltpu.VMEM((blk, CHUNK), jnp.int32),
            pltpu.VMEM((CHUNK,), jnp.int32),
            pltpu.VMEM((CHUNK, w), jnp.float32),
            pltpu.VMEM((CHUNK, w), jnp.float32),
            pltpu.VMEM_SHARED((n, w), jnp.float32),
            pltpu.SemaphoreType.DMA,
            pltpu.SemaphoreType.DMA,
            pltpu.SemaphoreType.DMA,
        ],
    )
    def sc_agg(x_hbm, src_hbm, dst_hbm, out_hbm, sidx0, didx0, sidx1, didx1,
               dcur, rows0, rows1, acc, sem0, sem1, sem_s):

        def copy_idx_row(src2d, j, dst1d):
            for i in range(CHUNK // 16):
                dst1d[pl.ds(i * 16, 16)] = src2d[j, pl.ds(i * 16, 16)]

        c = lax.axis_index("c")
        s = lax.axis_index("s")
        wid = s * NC + c

        idx_bufs = [(sidx0, didx0), (sidx1, didx1)]

        def stage(b, sidx, didx):
            b0 = pl.multiple_of(wid * n_iter + b * blk, 8)
            pltpu.async_copy(src_hbm.at[pl.ds(b0, blk)], sidx, sem_s)
            pltpu.async_copy(dst_hbm.at[pl.ds(b0, blk)], didx, sem_s)

        def stage_wait(b, sidx, didx):
            b0 = pl.multiple_of(wid * n_iter + b * blk, 8)
            pltpu.make_async_copy(src_hbm.at[pl.ds(b0, blk)], sidx,
                                  sem_s).wait()
            pltpu.make_async_copy(dst_hbm.at[pl.ds(b0, blk)], didx,
                                  sem_s).wait()

        stage(0, sidx0, didx0)

        r0 = pl.multiple_of(s * rows_per_tile, 8)
        pltpu.sync_copy(x_hbm.at[pl.ds(r0, rows_per_tile)],
                        acc.at[pl.ds(r0, rows_per_tile)])
        plsc.subcore_barrier()

        for b in range(n_blk):
            sidx, didx = idx_bufs[b % 2]
            stage_wait(b, sidx, didx)
            if b + 1 < n_blk:
                stage(b + 1, *idx_bufs[(b + 1) % 2])

            pltpu.async_copy(x_hbm.at[sidx.at[0]], rows0, sem0)
            pltpu.async_copy(x_hbm.at[sidx.at[1]], rows1, sem1)

            def body(k, carry2, sidx=sidx, didx=didx):
                j0 = k * 2
                pltpu.make_async_copy(x_hbm.at[sidx.at[j0]], rows0,
                                      sem0).wait()
                copy_idx_row(didx, j0, dcur)
                pltpu.sync_copy(rows0, acc.at[dcur], add=True)

                @pl.when(j0 + 2 < blk)
                def _():
                    pltpu.async_copy(x_hbm.at[sidx.at[j0 + 2]], rows0, sem0)

                pltpu.make_async_copy(x_hbm.at[sidx.at[j0 + 1]], rows1,
                                      sem1).wait()
                copy_idx_row(didx, j0 + 1, dcur)
                pltpu.sync_copy(rows1, acc.at[dcur], add=True)

                @pl.when(j0 + 3 < blk)
                def _():
                    pltpu.async_copy(x_hbm.at[sidx.at[j0 + 3]], rows1, sem1)

                return carry2

            lax.fori_loop(0, blk // 2, body, 0)

        plsc.subcore_barrier()

        pltpu.sync_copy(acc.at[pl.ds(r0, rows_per_tile)],
                        out_hbm.at[c, pl.ds(r0, rows_per_tile)])

    return sc_agg



def _tail_body(g, n, p_ref, x_ref, w1_ref, b1_ref, w2_ref, b2_ref, gamma_ref,
               beta_ref, batch_ref, lw_ref, lb_ref, xt_ref, pooled_ref):
    n_pad = x_ref.shape[0]
    hid = p_ref[0] + p_ref[1] - x_ref[...]
    hid = jnp.dot(hid, w1_ref[...], preferred_element_type=jnp.float32)
    hid = jnp.maximum(hid + b1_ref[...], 0.0)
    hid = jnp.dot(hid, w2_ref[...], preferred_element_type=jnp.float32)
    hid = jnp.maximum(hid + b2_ref[...], 0.0)
    row_ok = lax.broadcasted_iota(jnp.int32, (n_pad, 1), 0) < n
    hid = jnp.where(row_ok, hid, 0.0)
    s1 = jnp.sum(hid, axis=0, keepdims=True)
    s2 = jnp.sum(hid * hid, axis=0, keepdims=True)
    mean = s1 / n
    var = s2 / n - mean * mean
    inv = lax.rsqrt(var + 1e-5)
    hid = (hid - mean) * (inv * gamma_ref[...]) + beta_ref[...]
    hid = jnp.maximum(hid, 0.0)
    onehot = (batch_ref[...] ==
              lax.broadcasted_iota(jnp.int32, (1, g), 1)).astype(jnp.float32)
    sums = lax.dot_general(onehot, hid, (((0,), (0,)), ((), ())),
                           preferred_element_type=jnp.float32)
    ones = jnp.ones((n_pad, 1), jnp.float32)
    counts = lax.dot_general(onehot, ones, (((0,), (0,)), ((), ())),
                             preferred_element_type=jnp.float32)
    pooled = sums / jnp.maximum(counts, 1.0)
    xt = jnp.dot(pooled, lw_ref[...],
                 preferred_element_type=jnp.float32) + lb_ref[...]
    xt_ref[...] = xt
    pooled_ref[...] = pooled



def kernel(x, edge_index, batch, W1, b1, W2, b2, gamma, beta, lin_w, lin_b):
    n, f_in = x.shape
    h = W1.shape[1]
    e = edge_index.shape[1]
    g = 86
    w = 128

    n_pad = ((n + 8 * NS - 1) // (8 * NS)) * (8 * NS)
    x_pad = jnp.pad(x, ((0, n_pad - n), (0, w - f_in)))
    batch_pad = jnp.pad(batch, (0, n_pad - n), constant_values=g)

    e_unit = 32 * NC * NS * CHUNK
    e_pad = ((e + e_unit - 1) // e_unit) * e_unit
    src = edge_index[0]
    dst = edge_index[1]
    if e_pad != e:
        fill = n + jnp.arange(e_pad - e, dtype=jnp.int32) % (n_pad - n)
        src = jnp.concatenate([src, fill])
        dst = jnp.concatenate([dst, fill])

    sc_agg = _make_sc_agg(n_pad, w, e_pad)
    p = sc_agg(x_pad, src.reshape(-1, CHUNK), dst.reshape(-1, CHUNK))

    w1_pad = jnp.pad(W1, ((0, w - f_in), (0, 0)))
    xt, pooled = pl.pallas_call(
        functools.partial(_tail_body, g, n),
        out_shape=(
            jax.ShapeDtypeStruct((g, lin_w.shape[1]), jnp.float32),
            jax.ShapeDtypeStruct((g, h), jnp.float32),
        ),
    )(p, x_pad, w1_pad, b1.reshape(1, h), W2, b2.reshape(1, h),
      gamma.reshape(1, h), beta.reshape(1, h), batch_pad.reshape(n_pad, 1),
      lin_w, lin_b.reshape(1, lin_w.shape[1]))
    return (xt, pooled)

# --- scband reference (transcript-rebuilt; emitter-appended) ---
"""Pipeline reference for scband-gin-88648124991293 (READ-ONLY COPY).

The authoritative reference and input builder live on the scoring server;
editing this copy changes nothing except your own understanding.
"""

import jax, jax.numpy as jnp
import numpy as np

N = 10000
E = 640000
F_IN = 116
H = 64
G = 86


def setup_inputs(seed: int = 0) -> dict:
    key = jax.random.key(seed)
    ks = jax.random.split(key, 12)
    x = jax.random.normal(ks[0], (N, F_IN), dtype=jnp.float32)
    edge_index = jax.random.randint(ks[1], (2, E), 0, N, dtype=jnp.int32)
    batch = jnp.sort(jax.random.randint(ks[2], (N,), 0, G, dtype=jnp.int32))
    W1 = jax.random.normal(ks[3], (F_IN, H), dtype=jnp.float32) * 0.05
    b1 = jnp.zeros((H,), dtype=jnp.float32)
    W2 = jax.random.normal(ks[4], (H, H), dtype=jnp.float32) * 0.05
    b2 = jnp.zeros((H,), dtype=jnp.float32)
    gamma = jnp.ones((H,), dtype=jnp.float32)
    beta = jnp.zeros((H,), dtype=jnp.float32)
    lin_w = jax.random.normal(ks[5], (H, 2), dtype=jnp.float32) * 0.05
    lin_b = jnp.zeros((2,), dtype=jnp.float32)
    return {"x": x, "edge_index": edge_index, "batch": batch, "W1": W1, "b1": b1, "W2": W2, "b2": b2, "gamma": gamma, "beta": beta, "lin_w": lin_w, "lin_b": lin_b}


def reference(x, edge_index, batch, W1, b1, W2, b2, gamma, beta, lin_w, lin_b):
    src = edge_index[0]
    dst = edge_index[1]
    # GINConv (eps=0, train_eps=False): h_i = MLP((1+eps)*x_i + sum_{j->i} x_j)
    agg = jnp.zeros_like(x).at[dst].add(x[src])
    h = x + agg
    h = jax.nn.relu(h @ W1 + b1)
    h = jax.nn.relu(h @ W2 + b2)
    # BatchNorm1d (training-mode batch statistics, biased variance)
    mean = jnp.mean(h, axis=0)
    var = jnp.mean((h - mean) ** 2, axis=0)
    h = (h - mean) / jnp.sqrt(var + 1e-5) * gamma + beta
    # F.relu after conv1
    h = jax.nn.relu(h)
    # global_mean_pool over batch assignment
    sums = jax.ops.segment_sum(h, batch, num_segments=G)
    counts = jax.ops.segment_sum(jnp.ones((h.shape[0],), dtype=h.dtype), batch, num_segments=G)
    pooled = sums / jnp.maximum(counts, 1.0)[:, None]
    # Dropout in eval mode -> identity
    x_t = pooled @ lin_w + lin_b
    return (x_t, pooled)

if __name__ == "__main__":
    import jax
    _d = setup_inputs()
    print(jax.jit(kernel)(*tuple(_d.values())))

</pallas_src>

<mosaic_0001>
#map = affine_map<(d0, d1) -> (0, 0)>
#map1 = affine_map<(d0, d1) -> (0, 0, 0)>
module attributes {stable_mosaic.version = 14 : i64} {
  func.func @sc_agg(%arg0: i32, %arg1: i32, %arg2: memref<10112x128xf32, #tpu.memory_space<hbm>>, %arg3: memref<5120x128xi32, #tpu.memory_space<hbm>>, %arg4: memref<5120x128xi32, #tpu.memory_space<hbm>>, %arg5: memref<2x10112x128xf32, #tpu.memory_space<hbm>>, %arg6: memref<32x128xi32, #tpu.memory_space<vmem>>, %arg7: memref<32x128xi32, #tpu.memory_space<vmem>>, %arg8: memref<32x128xi32, #tpu.memory_space<vmem>>, %arg9: memref<32x128xi32, #tpu.memory_space<vmem>>, %arg10: memref<128xi32, #tpu.memory_space<vmem>>, %arg11: memref<128x128xf32, #tpu.memory_space<vmem>>, %arg12: memref<128x128xf32, #tpu.memory_space<vmem>>, %arg13: memref<10112x128xf32, #tpu.memory_space<vmem_shared>>, %arg14: memref<!tpu.dma_semaphore, #tpu.memory_space<semaphore_mem>>, %arg15: memref<!tpu.dma_semaphore, #tpu.memory_space<semaphore_mem>>, %arg16: memref<!tpu.dma_semaphore, #tpu.memory_space<semaphore_mem>>) attributes {dimension_semantics = [#tpu.dimension_semantics<core_parallel>, #tpu.dimension_semantics<subcore_parallel>], iteration_bounds = array<i64: 2, 16>, scalar_prefetch = 0 : i64, scratch_operands = 11 : i64, tpu.core_type = #tpu.core_type<sc_vector_subcore>, window_params = [{transform_indices = #map}, {transform_indices = #map}, {transform_indices = #map}, {transform_indices = #map1}]} {
    %mul3A = arith.constant 2 : i32
    %mul3A_0 = arith.muli %arg1, %mul3A : i32
    %add3A = arith.addi %mul3A_0, %arg0 : i32
    %mul3A_1 = arith.constant 160 : i32
    %mul3A_2 = arith.muli %add3A, %mul3A_1 : i32
    %add3A_3 = arith.constant 0 : i32
    %add3A_4 = arith.addi %mul3A_2, %add3A_3 : i32
    %multiple_of3A = tpu.assume_multiple %add3A_4, 8 : i32
    %dma_start3A = arith.constant 0 : i32
    %dma_start3A_5 = tpu.memref_slice %arg3[%multiple_of3A, %dma_start3A] : memref<5120x128xi32, #tpu.memory_space<hbm>> -> memref<32x128xi32, #tpu.memory_space<hbm>>
    %dma_start3A_6 = arith.constant 0 : i32
    %dma_start3A_7 = tpu.memref_slice %arg3[%multiple_of3A, %dma_start3A_6] : memref<5120x128xi32, #tpu.memory_space<hbm>> -> memref<32x128xi32, #tpu.memory_space<hbm>>
    tpu.enqueue_dma source(%dma_start3A_7 : memref<32x128xi32, #tpu.memory_space<hbm>>) target(%arg6 : memref<32x128xi32, #tpu.memory_space<vmem>>) target_semaphore(%arg16 : memref<!tpu.dma_semaphore, #tpu.memory_space<semaphore_mem>>)
    %dma_start3A_8 = arith.constant 0 : i32
    %dma_start3A_9 = tpu.memref_slice %arg4[%multiple_of3A, %dma_start3A_8] : memref<5120x128xi32, #tpu.memory_space<hbm>> -> memref<32x128xi32, #tpu.memory_space<hbm>>
    %dma_start3A_10 = arith.constant 0 : i32
    %dma_start3A_11 = tpu.memref_slice %arg4[%multiple_of3A, %dma_start3A_10] : memref<5120x128xi32, #tpu.memory_space<hbm>> -> memref<32x128xi32, #tpu.memory_space<hbm>>
    tpu.enqueue_dma source(%dma_start3A_11 : memref<32x128xi32, #tpu.memory_space<hbm>>) target(%arg7 : memref<32x128xi32, #tpu.memory_space<vmem>>) target_semaphore(%arg16 : memref<!tpu.dma_semaphore, #tpu.memory_space<semaphore_mem>>)
    %mul3A_12 = arith.constant 632 : i32
    %mul3A_13 = arith.muli %arg1, %mul3A_12 : i32
    %multiple_of3A_14 = tpu.assume_multiple %mul3A_13, 8 : i32
    "tpu.region"() ({
      %run_scoped3A = tpu.sem_alloc : memref<!tpu.dma_semaphore, #tpu.memory_space<semaphore_mem>>
      %dma_start3A_231 = arith.constant 0 : i32
      %dma_start3A_232 = tpu.memref_slice %arg13[%multiple_of3A_14, %dma_start3A_231] : memref<10112x128xf32, #tpu.memory_space<vmem_shared>> -> memref<632x128xf32, #tpu.memory_space<vmem_shared>>
      %dma_start3A_233 = arith.constant 0 : i32
      %dma_start3A_234 = tpu.memref_slice %arg2[%multiple_of3A_14, %dma_start3A_233] : memref<10112x128xf32, #tpu.memory_space<hbm>> -> memref<632x128xf32, #tpu.memory_space<hbm>>
      tpu.enqueue_dma source(%dma_start3A_234 : memref<632x128xf32, #tpu.memory_space<hbm>>) target(%dma_start3A_232 : memref<632x128xf32, #tpu.memory_space<vmem_shared>>) target_semaphore(%run_scoped3A : memref<!tpu.dma_semaphore, #tpu.memory_space<semaphore_mem>>)
      %dma_wait3A_235 = arith.constant 0 : i32
      %dma_wait3A_236 = tpu.memref_slice %arg13[%multiple_of3A_14, %dma_wait3A_235] : memref<10112x128xf32, #tpu.memory_space<vmem_shared>> -> memref<632x128xf32, #tpu.memory_space<vmem_shared>>
      %dma_wait3A_237 = arith.constant 0 : i32
      %dma_wait3A_238 = tpu.memref_slice %arg2[%multiple_of3A_14, %dma_wait3A_237] : memref<10112x128xf32, #tpu.memory_space<hbm>> -> memref<632x128xf32, #tpu.memory_space<hbm>>
      tpu.wait_dma2 semaphore(%run_scoped3A : memref<!tpu.dma_semaphore, #tpu.memory_space<semaphore_mem>>) src(%dma_wait3A_238 : memref<632x128xf32, #tpu.memory_space<hbm>>) dst(%dma_wait3A_236 : memref<632x128xf32, #tpu.memory_space<vmem_shared>>)
      tpu.yield
    }) : () -> ()
    %barrier3A = arith.constant 0 : index
    tpu.barrier barrier_id(%barrier3A)
    %mul3A_15 = arith.constant 160 : i32
    %mul3A_16 = arith.muli %add3A, %mul3A_15 : i32
    %add3A_17 = arith.constant 0 : i32
    %add3A_18 = arith.addi %mul3A_16, %add3A_17 : i32
    %multiple_of3A_19 = tpu.assume_multiple %add3A_18, 8 : i32
    %dma_wait3A = arith.constant 0 : i32
    %dma_wait3A_20 = tpu.memref_slice %arg3[%multiple_of3A_19, %dma_wait3A] : memref<5120x128xi32, #tpu.memory_space<hbm>> -> memref<32x128xi32, #tpu.memory_space<hbm>>
    %dma_wait3A_21 = arith.constant 0 : i32
    %dma_wait3A_22 = tpu.memref_slice %arg3[%multiple_of3A_19, %dma_wait3A_21] : memref<5120x128xi32, #tpu.memory_space<hbm>> -> memref<32x128xi32, #tpu.memory_space<hbm>>
    tpu.wait_dma2 semaphore(%arg16 : memref<!tpu.dma_semaphore, #tpu.memory_space<semaphore_mem>>) src(%dma_wait3A_22 : memref<32x128xi32, #tpu.memory_space<hbm>>) dst(%arg6 : memref<32x128xi32, #tpu.memory_space<vmem>>)
    %dma_wait3A_23 = arith.constant 0 : i32
    %dma_wait3A_24 = tpu.memref_slice %arg4[%multiple_of3A_19, %dma_wait3A_23] : memref<5120x128xi32, #tpu.memory_space<hbm>> -> memref<32x128xi32, #tpu.memory_space<hbm>>
    %dma_wait3A_25 = arith.constant 0 : i32
    %dma_wait3A_26 = tpu.memref_slice %arg4[%multiple_of3A_19, %dma_wait3A_25] : memref<5120x128xi32, #tpu.memory_space<hbm>> -> memref<32x128xi32, #tpu.memory_space<hbm>>
    tpu.wait_dma2 semaphore(%arg16 : memref<!tpu.dma_semaphore, #tpu.memory_space<semaphore_mem>>) src(%dma_wait3A_26 : memref<32x128xi32, #tpu.memory_space<hbm>>) dst(%arg7 : memref<32x128xi32, #tpu.memory_space<vmem>>)
    %mul3A_27 = arith.constant 160 : i32
    %mul3A_28 = arith.muli %add3A, %mul3A_27 : i32
    %add3A_29 = arith.constant 32 : i32
    %add3A_30 = arith.addi %mul3A_28, %add3A_29 : i32
    %multiple_of3A_31 = tpu.assume_multiple %add3A_30, 8 : i32
    %dma_start3A_32 = arith.constant 0 : i32
    %dma_start3A_33 = tpu.memref_slice %arg3[%multiple_of3A_31, %dma_start3A_32] : memref<5120x128xi32, #tpu.memory_space<hbm>> -> memref<32x128xi32, #tpu.memory_space<hbm>>
    %dma_start3A_34 = arith.constant 0 : i32
    %dma_start3A_35 = tpu.memref_slice %arg3[%multiple_of3A_31, %dma_start3A_34] : memref<5120x128xi32, #tpu.memory_space<hbm>> -> memref<32x128xi32, #tpu.memory_space<hbm>>
    tpu.enqueue_dma source(%dma_start3A_35 : memref<32x128xi32, #tpu.memory_space<hbm>>) target(%arg8 : memref<32x128xi32, #tpu.memory_space<vmem>>) target_semaphore(%arg16 : memref<!tpu.dma_semaphore, #tpu.memory_space<semaphore_mem>>)
    %dma_start3A_36 = arith.constant 0 : i32
    %dma_start3A_37 = tpu.memref_slice %arg4[%multiple_of3A_31, %dma_start3A_36] : memref<5120x128xi32, #tpu.memory_space<hbm>> -> memref<32x128xi32, #tpu.memory_space<hbm>>
    %dma_start3A_38 = arith.constant 0 : i32
    %dma_start3A_39 = tpu.memref_slice %arg4[%multiple_of3A_31, %dma_start3A_38] : memref<5120x128xi32, #tpu.memory_space<hbm>> -> memref<32x128xi32, #tpu.memory_space<hbm>>
    tpu.enqueue_dma source(%dma_start3A_39 : memref<32x128xi32, #tpu.memory_space<hbm>>) target(%arg9 : memref<32x128xi32, #tpu.memory_space<vmem>>) target_semaphore(%arg16 : memref<!tpu.dma_semaphore, #tpu.memory_space<semaphore_mem>>)
    %dma_start3A_40 = arith.constant 0 : i32
    %dma_start3A_41 = arith.constant 0 : i32
    %dma_start3A_42 = tpu.memref_slice %arg6[%dma_start3A_40, %dma_start3A_41] : memref<32x128xi32, #tpu.memory_space<vmem>> -> memref<1x128xi32, #tpu.memory_space<vmem>>
    %dma_start3A_43 = tpu.memref_squeeze %dma_start3A_42 : memref<1x128xi32, #tpu.memory_space<vmem>> -> memref<128xi32, #tpu.memory_space<vmem>>
    %dma_start3A_44 = arith.constant 0 : i32
    %dma_start3A_45 = arith.constant 0 : i32
    %dma_start3A_46 = tpu.memref_slice %arg2[%dma_start3A_44, %dma_start3A_45] : memref<10112x128xf32, #tpu.memory_space<hbm>> -> memref<10112x128xf32, #tpu.memory_space<hbm>>
    tpu.enqueue_indirect_dma source(%dma_start3A_46 : memref<10112x128xf32, #tpu.memory_space<hbm>>) target(%arg11 : memref<128x128xf32, #tpu.memory_space<vmem>>) offsets(%dma_start3A_43 : memref<128xi32, #tpu.memory_space<vmem>>) semaphore(%arg14 : memref<!tpu.dma_semaphore, #tpu.memory_space<semaphore_mem>>)
    %dma_start3A_47 = arith.constant 1 : i32
    %dma_start3A_48 = arith.constant 0 : i32
    %dma_start3A_49 = tpu.memref_slice %arg6[%dma_start3A_47, %dma_start3A_48] : memref<32x128xi32, #tpu.memory_space<vmem>> -> memref<1x128xi32, #tpu.memory_space<vmem>>
    %dma_start3A_50 = tpu.memref_squeeze %dma_start3A_49 : memref<1x128xi32, #tpu.memory_space<vmem>> -> memref<128xi32, #tpu.memory_space<vmem>>
    %dma_start3A_51 = arith.constant 0 : i32
    %dma_start3A_52 = arith.constant 0 : i32
    %dma_start3A_53 = tpu.memref_slice %arg2[%dma_start3A_51, %dma_start3A_52] : memref<10112x128xf32, #tpu.memory_space<hbm>> -> memref<10112x128xf32, #tpu.memory_space<hbm>>
    tpu.enqueue_indirect_dma source(%dma_start3A_53 : memref<10112x128xf32, #tpu.memory_space<hbm>>) target(%arg12 : memref<128x128xf32, #tpu.memory_space<vmem>>) offsets(%dma_start3A_50 : memref<128xi32, #tpu.memory_space<vmem>>) semaphore(%arg15 : memref<!tpu.dma_semaphore, #tpu.memory_space<semaphore_mem>>)
    %scan3A = arith.constant 0 : i32
    %scan3A_54 = arith.constant 0 : i32
    %scan3A_55 = arith.constant 16 : i32
    %scan3A_56 = arith.addi %scan3A_54, %scan3A_55 : i32
    %scan3A_57 = arith.constant 1 : i32
    scf.for %scan3A_231 = %scan3A_54 to %scan3A_56 step %scan3A_57  : i32 {
      %mul3A_232 = arith.constant 2 : i32
      %mul3A_233 = arith.muli %scan3A_231, %mul3A_232 : i32
      %dma_wait3A_234 = arith.constant 0 : i32
      %dma_wait3A_235 = tpu.memref_slice %arg6[%mul3A_233, %dma_wait3A_234] : memref<32x128xi32, #tpu.memory_space<vmem>> -> memref<1x128xi32, #tpu.memory_space<vmem>>
      %dma_wait3A_236 = tpu.memref_squeeze %dma_wait3A_235 : memref<1x128xi32, #tpu.memory_space<vmem>> -> memref<128xi32, #tpu.memory_space<vmem>>
      %dma_wait3A_237 = arith.constant 0 : i32
      %dma_wait3A_238 = arith.constant 0 : i32
      %dma_wait3A_239 = tpu.memref_slice %arg2[%dma_wait3A_237, %dma_wait3A_238] : memref<10112x128xf32, #tpu.memory_space<hbm>> -> memref<10112x128xf32, #tpu.memory_space<hbm>>
      tpu.wait_indirect_dma semaphore(%arg14 : memref<!tpu.dma_semaphore, #tpu.memory_space<semaphore_mem>>) src(%dma_wait3A_239 : memref<10112x128xf32, #tpu.memory_space<hbm>>) dst(%arg11 : memref<128x128xf32, #tpu.memory_space<vmem>>)
      %get3A = arith.index_cast %mul3A_233 : i32 to index
      %get3A_240 = arith.constant 0 : index
      %get3A_241 = tpu.vector_load %arg7[%get3A, %get3A_240] {strides = array<i32>} : memref<32x128xi32, #tpu.memory_space<vmem>>, vector<1x16xi32>,
      %get3A_242 = vector.shape_cast %get3A_241 : vector<1x16xi32> to vector<16xi32>
      %swap3A = arith.constant 0 : index
      %swap3A_243 = tpu.vector_load %arg10[%swap3A] {strides = array<i32>} : memref<128xi32, #tpu.memory_space<vmem>>, vector<16xi32>,
      %swap3A_244 = vector.shape_cast %swap3A_243 : vector<16xi32> to vector<16xi32>
      %swap3A_245 = vector.shape_cast %get3A_242 : vector<16xi32> to vector<16xi32>
      tpu.vector_store %arg10[%swap3A], %swap3A_245 {strides = array<i32>} : memref<128xi32, #tpu.memory_space<vmem>>, vector<16xi32>,
      %get3A_246 = arith.index_cast %mul3A_233 : i32 to index
      %get3A_247 = arith.constant 16 : index
      %get3A_248 = tpu.vector_load %arg7[%get3A_246, %get3A_247] {strides = array<i32>} : memref<32x128xi32, #tpu.memory_space<vmem>>, vector<1x16xi32>,
      %get3A_249 = vector.shape_cast %get3A_248 : vector<1x16xi32> to vector<16xi32>
      %swap3A_250 = arith.constant 16 : index
      %swap3A_251 = tpu.vector_load %arg10[%swap3A_250] {strides = array<i32>} : memref<128xi32, #tpu.memory_space<vmem>>, vector<16xi32>,
      %swap3A_252 = vector.shape_cast %swap3A_251 : vector<16xi32> to vector<16xi32>
      %swap3A_253 = vector.shape_cast %get3A_249 : vector<16xi32> to vector<16xi32>
      tpu.vector_store %arg10[%swap3A_250], %swap3A_253 {strides = array<i32>} : memref<128xi32, #tpu.memory_space<vmem>>, vector<16xi32>,
      %get3A_254 = arith.index_cast %mul3A_233 : i32 to index
      %get3A_255 = arith.constant 32 : index
      %get3A_256 = tpu.vector_load %arg7[%get3A_254, %get3A_255] {strides = array<i32>} : memref<32x128xi32, #tpu.memory_space<vmem>>, vector<1x16xi32>,
      %get3A_257 = vector.shape_cast %get3A_256 : vector<1x16xi32> to vector<16xi32>
      %swap3A_258 = arith.constant 32 : index
      %swap3A_259 = tpu.vector_load %arg10[%swap3A_258] {strides = array<i32>} : memref<128xi32, #tpu.memory_space<vmem>>, vector<16xi32>,
      %swap3A_260 = vector.shape_cast %swap3A_259 : vector<16xi32> to vector<16xi32>
      %swap3A_261 = vector.shape_cast %get3A_257 : vector<16xi32> to vector<16xi32>
      tpu.vector_store %arg10[%swap3A_258], %swap3A_261 {strides = array<i32>} : memref<128xi32, #tpu.memory_space<vmem>>, vector<16xi32>,
      %get3A_262 = arith.index_cast %mul3A_233 : i32 to index
      %get3A_263 = arith.constant 48 : index
      %get3A_264 = tpu.vector_load %arg7[%get3A_262, %get3A_263] {strides = array<i32>} : memref<32x128xi32, #tpu.memory_space<vmem>>, vector<1x16xi32>,
      %get3A_265 = vector.shape_cast %get3A_264 : vector<1x16xi32> to vector<16xi32>
      %swap3A_266 = arith.constant 48 : index
      %swap3A_267 = tpu.vector_load %arg10[%swap3A_266] {strides = array<i32>} : memref<128xi32, #tpu.memory_space<vmem>>, vector<16xi32>,
      %swap3A_268 = vector.shape_cast %swap3A_267 : vector<16xi32> to vector<16xi32>
      %swap3A_269 = vector.shape_cast %get3A_265 : vector<16xi32> to vector<16xi32>
      tpu.vector_store %arg10[%swap3A_266], %swap3A_269 {strides = array<i32>} : memref<128xi32, #tpu.memory_space<vmem>>, vector<16xi32>,
      %get3A_270 = arith.index_cast %mul3A_233 : i32 to index
      %get3A_271 = arith.constant 64 : index
      %get3A_272 = tpu.vector_load %arg7[%get3A_270, %get3A_271] {strides = array<i32>} : memref<32x128xi32, #tpu.memory_space<vmem>>, vector<1x16xi32>,
      %get3A_273 = vector.shape_cast %get3A_272 : vector<1x16xi32> to vector<16xi32>
      %swap3A_274 = arith.constant 64 : index
      %swap3A_275 = tpu.vector_load %arg10[%swap3A_274] {strides = array<i32>} : memref<128xi32, #tpu.memory_space<vmem>>, vector<16xi32>,
      %swap3A_276 = vector.shape_cast %swap3A_275 : vector<16xi32> to vector<16xi32>
      %swap3A_277 = vector.shape_cast %get3A_273 : vector<16xi32> to vector<16xi32>
      tpu.vector_store %arg10[%swap3A_274], %swap3A_277 {strides = array<i32>} : memref<128xi32, #tpu.memory_space<vmem>>, vector<16xi32>,
      %get3A_278 = arith.index_cast %mul3A_233 : i32 to index
      %get3A_279 = arith.constant 80 : index
      %get3A_280 = tpu.vector_load %arg7[%get3A_278, %get3A_279] {strides = array<i32>} : memref<32x128xi32, #tpu.memory_space<vmem>>, vector<1x16xi32>,
      %get3A_281 = vector.shape_cast %get3A_280 : vector<1x16xi32> to vector<16xi32>
      %swap3A_282 = arith.constant 80 : index
      %swap3A_283 = tpu.vector_load %arg10[%swap3A_282] {strides = array<i32>} : memref<128xi32, #tpu.memory_space<vmem>>, vector<16xi32>,
      %swap3A_284 = vector.shape_cast %swap3A_283 : vector<16xi32> to vector<16xi32>
      %swap3A_285 = vector.shape_cast %get3A_281 : vector<16xi32> to vector<16xi32>
      tpu.vector_store %arg10[%swap3A_282], %swap3A_285 {strides = array<i32>} : memref<128xi32, #tpu.memory_space<vmem>>, vector<16xi32>,
      %get3A_286 = arith.index_cast %mul3A_233 : i32 to index
      %get3A_287 = arith.constant 96 : index
      %get3A_288 = tpu.vector_load %arg7[%get3A_286, %get3A_287] {strides = array<i32>} : memref<32x128xi32, #tpu.memory_space<vmem>>, vector<1x16xi32>,
      %get3A_289 = vector.shape_cast %get3A_288 : vector<1x16xi32> to vector<16xi32>
      %swap3A_290 = arith.constant 96 : index
      %swap3A_291 = tpu.vector_load %arg10[%swap3A_290] {strides = array<i32>} : memref<128xi32, #tpu.memory_space<vmem>>, vector<16xi32>,
      %swap3A_292 = vector.shape_cast %swap3A_291 : vector<16xi32> to vector<16xi32>
      %swap3A_293 = vector.shape_cast %get3A_289 : vector<16xi32> to vector<16xi32>
      tpu.vector_store %arg10[%swap3A_290], %swap3A_293 {strides = array<i32>} : memref<128xi32, #tpu.memory_space<vmem>>, vector<16xi32>,
      %get3A_294 = arith.index_cast %mul3A_233 : i32 to index
      %get3A_295 = arith.constant 112 : index
      %get3A_296 = tpu.vector_load %arg7[%get3A_294, %get3A_295] {strides = array<i32>} : memref<32x128xi32, #tpu.memory_space<vmem>>, vector<1x16xi32>,
      %get3A_297 = vector.shape_cast %get3A_296 : vector<1x16xi32> to vector<16xi32>
      %swap3A_298 = arith.constant 112 : index
      %swap3A_299 = tpu.vector_load %arg10[%swap3A_298] {strides = array<i32>} : memref<128xi32, #tpu.memory_space<vmem>>, vector<16xi32>,
      %swap3A_300 = vector.shape_cast %swap3A_299 : vector<16xi32> to vector<16xi32>
      %swap3A_301 = vector.shape_cast %get3A_297 : vector<16xi32> to vector<16xi32>
      tpu.vector_store %arg10[%swap3A_298], %swap3A_301 {strides = array<i32>} : memref<128xi32, #tpu.memory_space<vmem>>, vector<16xi32>,
      "tpu.region"() ({
        %run_scoped3A = tpu.sem_alloc : memref<!tpu.dma_semaphore, #tpu.memory_space<semaphore_mem>>
        %dma_start3A_387 = arith.constant 0 : i32
        %dma_start3A_388 = arith.constant 0 : i32
        %dma_start3A_389 = tpu.memref_slice %arg13[%dma_start3A_387, %dma_start3A_388] : memref<10112x128xf32, #tpu.memory_space<vmem_shared>> -> memref<10112x128xf32, #tpu.memory_space<vmem_shared>>
        tpu.enqueue_indirect_dma source(%arg11 : memref<128x128xf32, #tpu.memory_space<vmem>>) target(%dma_start3A_389 : memref<10112x128xf32, #tpu.memory_space<vmem_shared>>) offsets(%arg10 : memref<128xi32, #tpu.memory_space<vmem>>) semaphore(%run_scoped3A : memref<!tpu.dma_semaphore, #tpu.memory_space<semaphore_mem>>) {add = true}
        %dma_wait3A_390 = arith.constant 0 : i32
        %dma_wait3A_391 = arith.constant 0 : i32
        %dma_wait3A_392 = tpu.memref_slice %arg13[%dma_wait3A_390, %dma_wait3A_391] : memref<10112x128xf32, #tpu.memory_space<vmem_shared>> -> memref<10112x128xf32, #tpu.memory_space<vmem_shared>>
        tpu.wait_indirect_dma semaphore(%run_scoped3A : memref<!tpu.dma_semaphore, #tpu.memory_space<semaphore_mem>>) src(%arg11 : memref<128x128xf32, #tpu.memory_space<vmem>>) dst(%dma_wait3A_392 : memref<10112x128xf32, #tpu.memory_space<vmem_shared>>)
        tpu.yield
      }) : () -> ()
      %add3A_302 = arith.constant 2 : i32
      %add3A_303 = arith.addi %mul3A_233, %add3A_302 : i32
      %lt3A = arith.constant 32 : i32
      %lt3A_304 = arith.cmpi slt, %add3A_303, %lt3A : i32
      %convert_element_type3A = arith.extui %lt3A_304 : i1 to i32
      %cond3A = arith.constant 0 : i32
      %cond3A_305 = arith.cmpi ne, %convert_element_type3A, %cond3A : i32
      scf.if %cond3A_305 {
        %add3A_387 = arith.constant 2 : i32
        %add3A_388 = arith.addi %mul3A_233, %add3A_387 : i32
        %dma_start3A_389 = arith.constant 0 : i32
        %dma_start3A_390 = tpu.memref_slice %arg6[%add3A_388, %dma_start3A_389] : memref<32x128xi32, #tpu.memory_space<vmem>> -> memref<1x128xi32, #tpu.memory_space<vmem>>
        %dma_start3A_391 = tpu.memref_squeeze %dma_start3A_390 : memref<1x128xi32, #tpu.memory_space<vmem>> -> memref<128xi32, #tpu.memory_space<vmem>>
        %dma_start3A_392 = arith.constant 0 : i32
        %dma_start3A_393 = arith.constant 0 : i32
        %dma_start3A_394 = tpu.memref_slice %arg2[%dma_start3A_392, %dma_start3A_393] : memref<10112x128xf32, #tpu.memory_space<hbm>> -> memref<10112x128xf32, #tpu.memory_space<hbm>>
        tpu.enqueue_indirect_dma source(%dma_start3A_394 : memref<10112x128xf32, #tpu.memory_space<hbm>>) target(%arg11 : memref<128x128xf32, #tpu.memory_space<vmem>>) offsets(%dma_start3A_391 : memref<128xi32, #tpu.memory_space<vmem>>) semaphore(%arg14 : memref<!tpu.dma_semaphore, #tpu.memory_space<semaphore_mem>>)
      } else {
      }
      %add3A_306 = arith.constant 1 : i32
      %add3A_307 = arith.addi %mul3A_233, %add3A_306 : i32
      %dma_wait3A_308 = arith.constant 0 : i32
      %dma_wait3A_309 = tpu.memref_slice %arg6[%add3A_307, %dma_wait3A_308] : memref<32x128xi32, #tpu.memory_space<vmem>> -> memref<1x128xi32, #tpu.memory_space<vmem>>
      %dma_wait3A_310 = tpu.memref_squeeze %dma_wait3A_309 : memref<1x128xi32, #tpu.memory_space<vmem>> -> memref<128xi32, #tpu.memory_space<vmem>>
      %dma_wait3A_311 = arith.constant 0 : i32
      %dma_wait3A_312 = arith.constant 0 : i32
      %dma_wait3A_313 = tpu.memref_slice %arg2[%dma_wait3A_311, %dma_wait3A_312] : memref<10112x128xf32, #tpu.memory_space<hbm>> -> memref<10112x128xf32, #tpu.memory_space<hbm>>
      tpu.wait_indirect_dma semaphore(%arg15 : memref<!tpu.dma_semaphore, #tpu.memory_space<semaphore_mem>>) src(%dma_wait3A_313 : memref<10112x128xf32, #tpu.memory_space<hbm>>) dst(%arg12 : memref<128x128xf32, #tpu.memory_space<vmem>>)
      %add3A_314 = arith.constant 1 : i32
      %add3A_315 = arith.addi %mul3A_233, %add3A_314 : i32
      %get3A_316 = arith.index_cast %add3A_315 : i32 to index
      %get3A_317 = arith.constant 0 : index
      %get3A_318 = tpu.vector_load %arg7[%get3A_316, %get3A_317] {strides = array<i32>} : memref<32x128xi32, #tpu.memory_space<vmem>>, vector<1x16xi32>,
      %get3A_319 = vector.shape_cast %get3A_318 : vector<1x16xi32> to vector<16xi32>
      %swap3A_320 = arith.constant 0 : index
      %swap3A_321 = tpu.vector_load %arg10[%swap3A_320] {strides = array<i32>} : memref<128xi32, #tpu.memory_space<vmem>>, vector<16xi32>,
      %swap3A_322 = vector.shape_cast %swap3A_321 : vector<16xi32> to vector<16xi32>
      %swap3A_323 = vector.shape_cast %get3A_319 : vector<16xi32> to vector<16xi32>
      tpu.vector_store %arg10[%swap3A_320], %swap3A_323 {strides = array<i32>} : memref<128xi32, #tpu.memory_space<vmem>>, vector<16xi32>,
      %get3A_324 = arith.index_cast %add3A_315 : i32 to index
      %get3A_325 = arith.constant 16 : index
      %get3A_326 = tpu.vector_load %arg7[%get3A_324, %get3A_325] {strides = array<i32>} : memref<32x128xi32, #tpu.memory_space<vmem>>, vector<1x16xi32>,
      %get3A_327 = vector.shape_cast %get3A_326 : vector<1x16xi32> to vector<16xi32>
      %swap3A_328 = arith.constant 16 : index
      %swap3A_329 = tpu.vector_load %arg10[%swap3A_328] {strides = array<i32>} : memref<128xi32, #tpu.memory_space<vmem>>, vector<16xi32>,
      %swap3A_330 = vector.shape_cast %swap3A_329 : vector<16xi32> to vector<16xi32>
      %swap3A_331 = vector.shape_cast %get3A_327 : vector<16xi32> to vector<16xi32>
      tpu.vector_store %arg10[%swap3A_328], %swap3A_331 {strides = array<i32>} : memref<128xi32, #tpu.memory_space<vmem>>, vector<16xi32>,
      %get3A_332 = arith.index_cast %add3A_315 : i32 to index
      %get3A_333 = arith.constant 32 : index
      %get3A_334 = tpu.vector_load %arg7[%get3A_332, %get3A_333] {strides = array<i32>} : memref<32x128xi32, #tpu.memory_space<vmem>>, vector<1x16xi32>,
      %get3A_335 = vector.shape_cast %get3A_334 : vector<1x16xi32> to vector<16xi32>
      %swap3A_336 = arith.constant 32 : index
      %swap3A_337 = tpu.vector_load %arg10[%swap3A_336] {strides = array<i32>} : memref<128xi32, #tpu.memory_space<vmem>>, vector<16xi32>,
      %swap3A_338 = vector.shape_cast %swap3A_337 : vector<16xi32> to vector<16xi32>
      %swap3A_339 = vector.shape_cast %get3A_335 : vector<16xi32> to vector<16xi32>
      tpu.vector_store %arg10[%swap3A_336], %swap3A_339 {strides = array<i32>} : memref<128xi32, #tpu.memory_space<vmem>>, vector<16xi32>,
      %get3A_340 = arith.index_cast %add3A_315 : i32 to index
      %get3A_341 = arith.constant 48 : index
      %get3A_342 = tpu.vector_load %arg7[%get3A_340, %get3A_341] {strides = array<i32>} : memref<32x128xi32, #tpu.memory_space<vmem>>, vector<1x16xi32>,
      %get3A_343 = vector.shape_cast %get3A_342 : vector<1x16xi32> to vector<16xi32>
      %swap3A_344 = arith.constant 48 : index
      %swap3A_345 = tpu.vector_load %arg10[%swap3A_344] {strides = array<i32>} : memref<128xi32, #tpu.memory_space<vmem>>, vector<16xi32>,
      %swap3A_346 = vector.shape_cast %swap3A_345 : vector<16xi32> to vector<16xi32>
      %swap3A_347 = vector.shape_cast %get3A_343 : vector<16xi32> to vector<16xi32>
      tpu.vector_store %arg10[%swap3A_344], %swap3A_347 {strides = array<i32>} : memref<128xi32, #tpu.memory_space<vmem>>, vector<16xi32>,
      %get3A_348 = arith.index_cast %add3A_315 : i32 to index
      %get3A_349 = arith.constant 64 : index
      %get3A_350 = tpu.vector_load %arg7[%get3A_348, %get3A_349] {strides = array<i32>} : memref<32x128xi32, #tpu.memory_space<vmem>>, vector<1x16xi32>,
      %get3A_351 = vector.shape_cast %get3A_350 : vector<1x16xi32> to vector<16xi32>
      %swap3A_352 = arith.constant 64 : index
      %swap3A_353 = tpu.vector_load %arg10[%swap3A_352] {strides = array<i32>} : memref<128xi32, #tpu.memory_space<vmem>>, vector<16xi32>,
      %swap3A_354 = vector.shape_cast %swap3A_353 : vector<16xi32> to vector<16xi32>
      %swap3A_355 = vector.shape_cast %get3A_351 : vector<16xi32> to vector<16xi32>
      tpu.vector_store %arg10[%swap3A_352], %swap3A_355 {strides = array<i32>} : memref<128xi32, #tpu.memory_space<vmem>>, vector<16xi32>,
      %get3A_356 = arith.index_cast %add3A_315 : i32 to index
      %get3A_357 = arith.constant 80 : index
      %get3A_358 = tpu.vector_load %arg7[%get3A_356, %get3A_357] {strides = array<i32>} : memref<32x128xi32, #tpu.memory_space<vmem>>, vector<1x16xi32>,
      %get3A_359 = vector.shape_cast %get3A_358 : vector<1x16xi32> to vector<16xi32>
      %swap3A_360 = arith.constant 80 : index
      %swap3A_361 = tpu.vector_load %arg10[%swap3A_360] {strides = array<i32>} : memref<128xi32, #tpu.memory_space<vmem>>, vector<16xi32>,
      %swap3A_362 = vector.shape_cast %swap3A_361 : vector<16xi32> to vector<16xi32>
      %swap3A_363 = vector.shape_cast %get3A_359 : vector<16xi32> to vector<16xi32>
      tpu.vector_store %arg10[%swap3A_360], %swap3A_363 {strides = array<i32>} : memref<128xi32, #tpu.memory_space<vmem>>, vector<16xi32>,
      %get3A_364 = arith.index_cast %add3A_315 : i32 to index
      %get3A_365 = arith.constant 96 : index
      %get3A_366 = tpu.vector_load %arg7[%get3A_364, %get3A_365] {strides = array<i32>} : memref<32x128xi32, #tpu.memory_space<vmem>>, vector<1x16xi32>,
      %get3A_367 = vector.shape_cast %get3A_366 : vector<1x16xi32> to vector<16xi32>
      %swap3A_368 = arith.constant 96 : index
      %swap3A_369 = tpu.vector_load %arg10[%swap3A_368] {strides = array<i32>} : memref<128xi32, #tpu.memory_space<vmem>>, vector<16xi32>,
      %swap3A_370 = vector.shape_cast %swap3A_369 : vector<16xi32> to vector<16xi32>
      %swap3A_371 = vector.shape_cast %get3A_367 : vector<16xi32> to vector<16xi32>
      tpu.vector_store %arg10[%swap3A_368], %swap3A_371 {strides = array<i32>} : memref<128xi32, #tpu.memory_space<vmem>>, vector<16xi32>,
      %get3A_372 = arith.index_cast %add3A_315 : i32 to index
      %get3A_373 = arith.constant 112 : index
      %get3A_374 = tpu.vector_load %arg7[%get3A_372, %get3A_373] {strides = array<i32>} : memref<32x128xi32, #tpu.memory_space<vmem>>, vector<1x16xi32>,
      %get3A_375 = vector.shape_cast %get3A_374 : vector<1x16xi32> to vector<16xi32>
      %swap3A_376 = arith.constant 112 : index
      %swap3A_377 = tpu.vector_load %arg10[%swap3A_376] {strides = array<i32>} : memref<128xi32, #tpu.memory_space<vmem>>, vector<16xi32>,
      %swap3A_378 = vector.shape_cast %swap3A_377 : vector<16xi32> to vector<16xi32>
      %swap3A_379 = vector.shape_cast %get3A_375 : vector<16xi32> to vector<16xi32>
      tpu.vector_store %arg10[%swap3A_376], %swap3A_379 {strides = array<i32>} : memref<128xi32, #tpu.memory_space<vmem>>, vector<16xi32>,
      "tpu.region"() ({
        %run_scoped3A = tpu.sem_alloc : memref<!tpu.dma_semaphore, #tpu.memory_space<semaphore_mem>>
        %dma_start3A_387 = arith.constant 0 : i32
        %dma_start3A_388 = arith.constant 0 : i32
        %dma_start3A_389 = tpu.memref_slice %arg13[%dma_start3A_387, %dma_start3A_388] : memref<10112x128xf32, #tpu.memory_space<vmem_shared>> -> memref<10112x128xf32, #tpu.memory_space<vmem_shared>>
        tpu.enqueue_indirect_dma source(%arg12 : memref<128x128xf32, #tpu.memory_space<vmem>>) target(%dma_start3A_389 : memref<10112x128xf32, #tpu.memory_space<vmem_shared>>) offsets(%arg10 : memref<128xi32, #tpu.memory_space<vmem>>) semaphore(%run_scoped3A : memref<!tpu.dma_semaphore, #tpu.memory_space<semaphore_mem>>) {add = true}
        %dma_wait3A_390 = arith.constant 0 : i32
        %dma_wait3A_391 = arith.constant 0 : i32
        %dma_wait3A_392 = tpu.memref_slice %arg13[%dma_wait3A_390, %dma_wait3A_391] : memref<10112x128xf32, #tpu.memory_space<vmem_shared>> -> memref<10112x128xf32, #tpu.memory_space<vmem_shared>>
        tpu.wait_indirect_dma semaphore(%run_scoped3A : memref<!tpu.dma_semaphore, #tpu.memory_space<semaphore_mem>>) src(%arg12 : memref<128x128xf32, #tpu.memory_space<vmem>>) dst(%dma_wait3A_392 : memref<10112x128xf32, #tpu.memory_space<vmem_shared>>)
        tpu.yield
      }) : () -> ()
      %add3A_380 = arith.constant 3 : i32
      %add3A_381 = arith.addi %mul3A_233, %add3A_380 : i32
      %lt3A_382 = arith.constant 32 : i32
      %lt3A_383 = arith.cmpi slt, %add3A_381, %lt3A_382 : i32
      %convert_element_type3A_384 = arith.extui %lt3A_383 : i1 to i32
      %cond3A_385 = arith.constant 0 : i32
      %cond3A_386 = arith.cmpi ne, %convert_element_type3A_384, %cond3A_385 : i32
      scf.if %cond3A_386 {
        %add3A_387 = arith.constant 3 : i32
        %add3A_388 = arith.addi %mul3A_233, %add3A_387 : i32
        %dma_start3A_389 = arith.constant 0 : i32
        %dma_start3A_390 = tpu.memref_slice %arg6[%add3A_388, %dma_start3A_389] : memref<32x128xi32, #tpu.memory_space<vmem>> -> memref<1x128xi32, #tpu.memory_space<vmem>>
        %dma_start3A_391 = tpu.memref_squeeze %dma_start3A_390 : memref<1x128xi32, #tpu.memory_space<vmem>> -> memref<128xi32, #tpu.memory_space<vmem>>
        %dma_start3A_392 = arith.constant 0 : i32
        %dma_start3A_393 = arith.constant 0 : i32
        %dma_start3A_394 = tpu.memref_slice %arg2[%dma_start3A_392, %dma_start3A_393] : memref<10112x128xf32, #tpu.memory_space<hbm>> -> memref<10112x128xf32, #tpu.memory_space<hbm>>
        tpu.enqueue_indirect_dma source(%dma_start3A_394 : memref<10112x128xf32, #tpu.memory_space<hbm>>) target(%arg12 : memref<128x128xf32, #tpu.memory_space<vmem>>) offsets(%dma_start3A_391 : memref<128xi32, #tpu.memory_space<vmem>>) semaphore(%arg15 : memref<!tpu.dma_semaphore, #tpu.memory_space<semaphore_mem>>)
      } else {
      }
    }
    %scan3A_58 = arith.constant 16 : i32
    %mul3A_59 = arith.constant 160 : i32
    %mul3A_60 = arith.muli %add3A, %mul3A_59 : i32
    %add3A_61 = arith.constant 32 : i32
    %add3A_62 = arith.addi %mul3A_60, %add3A_61 : i32
    %multiple_of3A_63 = tpu.assume_multiple %add3A_62, 8 : i32
    %dma_wait3A_64 = arith.constant 0 : i32
    %dma_wait3A_65 = tpu.memref_slice %arg3[%multiple_of3A_63, %dma_wait3A_64] : memref<5120x128xi32, #tpu.memory_space<hbm>> -> memref<32x128xi32, #tpu.memory_space<hbm>>
    %dma_wait3A_66 = arith.constant 0 : i32
    %dma_wait3A_67 = tpu.memref_slice %arg3[%multiple_of3A_63, %dma_wait3A_66] : memref<5120x128xi32, #tpu.memory_space<hbm>> -> memref<32x128xi32, #tpu.memory_space<hbm>>
    tpu.wait_dma2 semaphore(%arg16 : memref<!tpu.dma_semaphore, #tpu.memory_space<semaphore_mem>>) src(%dma_wait3A_67 : memref<32x128xi32, #tpu.memory_space<hbm>>) dst(%arg8 : memref<32x128xi32, #tpu.memory_space<vmem>>)
    %dma_wait3A_68 = arith.constant 0 : i32
    %dma_wait3A_69 = tpu.memref_slice %arg4[%multiple_of3A_63, %dma_wait3A_68] : memref<5120x128xi32, #tpu.memory_space<hbm>> -> memref<32x128xi32, #tpu.memory_space<hbm>>
    %dma_wait3A_70 = arith.constant 0 : i32
    %dma_wait3A_71 = tpu.memref_slice %arg4[%multiple_of3A_63, %dma_wait3A_70] : memref<5120x128xi32, #tpu.memory_space<hbm>> -> memref<32x128xi32, #tpu.memory_space<hbm>>
    tpu.wait_dma2 semaphore(%arg16 : memref<!tpu.dma_semaphore, #tpu.memory_space<semaphore_mem>>) src(%dma_wait3A_71 : memref<32x128xi32, #tpu.memory_space<hbm>>) dst(%arg9 : memref<32x128xi32, #tpu.memory_space<vmem>>)
    %mul3A_72 = arith.constant 160 : i32
    %mul3A_73 = arith.muli %add3A, %mul3A_72 : i32
    %add3A_74 = arith.constant 64 : i32
    %add3A_75 = arith.addi %mul3A_73, %add3A_74 : i32
    %multiple_of3A_76 = tpu.assume_multiple %add3A_75, 8 : i32
    %dma_start3A_77 = arith.constant 0 : i32
    %dma_start3A_78 = tpu.memref_slice %arg3[%multiple_of3A_76, %dma_start3A_77] : memref<5120x128xi32, #tpu.memory_space<hbm>> -> memref<32x128xi32, #tpu.memory_space<hbm>>
    %dma_start3A_79 = arith.constant 0 : i32
    %dma_start3A_80 = tpu.memref_slice %arg3[%multiple_of3A_76, %dma_start3A_79] : memref<5120x128xi32, #tpu.memory_space<hbm>> -> memref<32x128xi32, #tpu.memory_space<hbm>>
    tpu.enqueue_dma source(%dma_start3A_80 : memref<32x128xi32, #tpu.memory_space<hbm>>) target(%arg6 : memref<32x128xi32, #tpu.memory_space<vmem>>) target_semaphore(%arg16 : memref<!tpu.dma_semaphore, #tpu.memory_space<semaphore_mem>>)
    %dma_start3A_81 = arith.constant 0 : i32
    %dma_start3A_82 = tpu.memref_slice %arg4[%multiple_of3A_76, %dma_start3A_81] : memref<5120x128xi32, #tpu.memory_space<hbm>> -> memref<32x128xi32, #tpu.memory_space<hbm>>
    %dma_start3A_83 = arith.constant 0 : i32
    %dma_start3A_84 = tpu.memref_slice %arg4[%multiple_of3A_76, %dma_start3A_83] : memref<5120x128xi32, #tpu.memory_space<hbm>> -> memref<32x128xi32, #tpu.memory_space<hbm>>
    tpu.enqueue_dma source(%dma_start3A_84 : memref<32x128xi32, #tpu.memory_space<hbm>>) target(%arg7 : memref<32x128xi32, #tpu.memory_space<vmem>>) target_semaphore(%arg16 : memref<!tpu.dma_semaphore, #tpu.memory_space<semaphore_mem>>)
    %dma_start3A_85 = arith.constant 0 : i32
    %dma_start3A_86 = arith.constant 0 : i32
    %dma_start3A_87 = tpu.memref_slice %arg8[%dma_start3A_85, %dma_start3A_86] : memref<32x128xi32, #tpu.memory_space<vmem>> -> memref<1x128xi32, #tpu.memory_space<vmem>>
    %dma_start3A_88 = tpu.memref_squeeze %dma_start3A_87 : memref<1x128xi32, #tpu.memory_space<vmem>> -> memref<128xi32, #tpu.memory_space<vmem>>
    %dma_start3A_89 = arith.constant 0 : i32
    %dma_start3A_90 = arith.constant 0 : i32
    %dma_start3A_91 = tpu.memref_slice %arg2[%dma_start3A_89, %dma_start3A_90] : memref<10112x128xf32, #tpu.memory_space<hbm>> -> memref<10112x128xf32, #tpu.memory_space<hbm>>
    tpu.enqueue_indirect_dma source(%dma_start3A_91 : memref<10112x128xf32, #tpu.memory_space<hbm>>) target(%arg11 : memref<128x128xf32, #tpu.memory_space<vmem>>) offsets(%dma_start3A_88 : memref<128xi32, #tpu.memory_space<vmem>>) semaphore(%arg14 : memref<!tpu.dma_semaphore, #tpu.memory_space<semaphore_mem>>)
    %dma_start3A_92 = arith.constant 1 : i32
    %dma_start3A_93 = arith.constant 0 : i32
    %dma_start3A_94 = tpu.memref_slice %arg8[%dma_start3A_92, %dma_start3A_93] : memref<32x128xi32, #tpu.memory_space<vmem>> -> memref<1x128xi32, #tpu.memory_space<vmem>>
    %dma_start3A_95 = tpu.memref_squeeze %dma_start3A_94 : memref<1x128xi32, #tpu.memory_space<vmem>> -> memref<128xi32, #tpu.memory_space<vmem>>
    %dma_start3A_96 = arith.constant 0 : i32
    %dma_start3A_97 = arith.constant 0 : i32
    %dma_start3A_98 = tpu.memref_slice %arg2[%dma_start3A_96, %dma_start3A_97] : memref<10112x128xf32, #tpu.memory_space<hbm>> -> memref<10112x128xf32, #tpu.memory_space<hbm>>
    tpu.enqueue_indirect_dma source(%dma_start3A_98 : memref<10112x128xf32, #tpu.memory_space<hbm>>) target(%arg12 : memref<128x128xf32, #tpu.memory_space<vmem>>) offsets(%dma_start3A_95 : memref<128xi32, #tpu.memory_space<vmem>>) semaphore(%arg15 : memref<!tpu.dma_semaphore, #tpu.memory_space<semaphore_mem>>)
    %scan3A_99 = arith.constant 0 : i32
    %scan3A_100 = arith.constant 0 : i32
    %scan3A_101 = arith.constant 16 : i32
    %scan3A_102 = arith.addi %scan3A_100, %scan3A_101 : i32
    %scan3A_103 = arith.constant 1 : i32
    scf.for %scan3A_231 = %scan3A_100 to %scan3A_102 step %scan3A_103  : i32 {
      %mul3A_232 = arith.constant 2 : i32
      %mul3A_233 = arith.muli %scan3A_231, %mul3A_232 : i32
      %dma_wait3A_234 = arith.constant 0 : i32
      %dma_wait3A_235 = tpu.memref_slice %arg8[%mul3A_233, %dma_wait3A_234] : memref<32x128xi32, #tpu.memory_space<vmem>> -> memref<1x128xi32, #tpu.memory_space<vmem>>
      %dma_wait3A_236 = tpu.memref_squeeze %dma_wait3A_235 : memref<1x128xi32, #tpu.memory_space<vmem>> -> memref<128xi32, #tpu.memory_space<vmem>>
      %dma_wait3A_237 = arith.constant 0 : i32
      %dma_wait3A_238 = arith.constant 0 : i32
      %dma_wait3A_239 = tpu.memref_slice %arg2[%dma_wait3A_237, %dma_wait3A_238] : memref<10112x128xf32, #tpu.memory_space<hbm>> -> memref<10112x128xf32, #tpu.memory_space<hbm>>
      tpu.wait_indirect_dma semaphore(%arg14 : memref<!tpu.dma_semaphore, #tpu.memory_space<semaphore_mem>>) src(%dma_wait3A_239 : memref<10112x128xf32, #tpu.memory_space<hbm>>) dst(%arg11 : memref<128x128xf32, #tpu.memory_space<vmem>>)
      %get3A = arith.index_cast %mul3A_233 : i32 to index
      %get3A_240 = arith.constant 0 : index
      %get3A_241 = tpu.vector_load %arg9[%get3A, %get3A_240] {strides = array<i32>} : memref<32x128xi32, #tpu.memory_space<vmem>>, vector<1x16xi32>,
      %get3A_242 = vector.shape_cast %get3A_241 : vector<1x16xi32> to vector<16xi32>
      %swap3A = arith.constant 0 : index
      %swap3A_243 = tpu.vector_load %arg10[%swap3A] {strides = array<i32>} : memref<128xi32, #tpu.memory_space<vmem>>, vector<16xi32>,
      %swap3A_244 = vector.shape_cast %swap3A_243 : vector<16xi32> to vector<16xi32>
      %swap3A_245 = vector.shape_cast %get3A_242 : vector<16xi32> to vector<16xi32>
      tpu.vector_store %arg10[%swap3A], %swap3A_245 {strides = array<i32>} : memref<128xi32, #tpu.memory_space<vmem>>, vector<16xi32>,
      %get3A_246 = arith.index_cast %mul3A_233 : i32 to index
      %get3A_247 = arith.constant 16 : index
      %get3A_248 = tpu.vector_load %arg9[%get3A_246, %get3A_247] {strides = array<i32>} : memref<32x128xi32, #tpu.memory_space<vmem>>, vector<1x16xi32>,
      %get3A_249 = vector.shape_cast %get3A_248 : vector<1x16xi32> to vector<16xi32>
      %swap3A_250 = arith.constant 16 : index
      %swap3A_251 = tpu.vector_load %arg10[%swap3A_250] {strides = array<i32>} : memref<128xi32, #tpu.memory_space<vmem>>, vector<16xi32>,
      %swap3A_252 = vector.shape_cast %swap3A_251 : vector<16xi32> to vector<16xi32>
      %swap3A_253 = vector.shape_cast %get3A_249 : vector<16xi32> to vector<16xi32>
      tpu.vector_store %arg10[%swap3A_250], %swap3A_253 {strides = array<i32>} : memref<128xi32, #tpu.memory_space<vmem>>, vector<16xi32>,
      %get3A_254 = arith.index_cast %mul3A_233 : i32 to index
      %get3A_255 = arith.constant 32 : index
      %get3A_256 = tpu.vector_load %arg9[%get3A_254, %get3A_255] {strides = array<i32>} : memref<32x128xi32, #tpu.memory_space<vmem>>, vector<1x16xi32>,
      %get3A_257 = vector.shape_cast %get3A_256 : vector<1x16xi32> to vector<16xi32>
      %swap3A_258 = arith.constant 32 : index
      %swap3A_259 = tpu.vector_load %arg10[%swap3A_258] {strides = array<i32>} : memref<128xi32, #tpu.memory_space<vmem>>, vector<16xi32>,
      %swap3A_260 = vector.shape_cast %swap3A_259 : vector<16xi32> to vector<16xi32>
      %swap3A_261 = vector.shape_cast %get3A_257 : vector<16xi32> to vector<16xi32>
      tpu.vector_store %arg10[%swap3A_258], %swap3A_261 {strides = array<i32>} : memref<128xi32, #tpu.memory_space<vmem>>, vector<16xi32>,
      %get3A_262 = arith.index_cast %mul3A_233 : i32 to index
      %get3A_263 = arith.constant 48 : index
      %get3A_264 = tpu.vector_load %arg9[%get3A_262, %get3A_263] {strides = array<i32>} : memref<32x128xi32, #tpu.memory_space<vmem>>, vector<1x16xi32>,
      %get3A_265 = vector.shape_cast %get3A_264 : vector<1x16xi32> to vector<16xi32>
      %swap3A_266 = arith.constant 48 : index
      %swap3A_267 = tpu.vector_load %arg10[%swap3A_266] {strides = array<i32>} : memref<128xi32, #tpu.memory_space<vmem>>, vector<16xi32>,
      %swap3A_268 = vector.shape_cast %swap3A_267 : vector<16xi32> to vector<16xi32>
      %swap3A_269 = vector.shape_cast %get3A_265 : vector<16xi32> to vector<16xi32>
      tpu.vector_store %arg10[%swap3A_266], %swap3A_269 {strides = array<i32>} : memref<128xi32, #tpu.memory_space<vmem>>, vector<16xi32>,
      %get3A_270 = arith.index_cast %mul3A_233 : i32 to index
      %get3A_271 = arith.constant 64 : index
      %get3A_272 = tpu.vector_load %arg9[%get3A_270, %get3A_271] {strides = array<i32>} : memref<32x128xi32, #tpu.memory_space<vmem>>, vector<1x16xi32>,
      %get3A_273 = vector.shape_cast %get3A_272 : vector<1x16xi32> to vector<16xi32>
      %swap3A_274 = arith.constant 64 : index
      %swap3A_275 = tpu.vector_load %arg10[%swap3A_274] {strides = array<i32>} : memref<128xi32, #tpu.memory_space<vmem>>, vector<16xi32>,
      %swap3A_276 = vector.shape_cast %swap3A_275 : vector<16xi32> to vector<16xi32>
      %swap3A_277 = vector.shape_cast %get3A_273 : vector<16xi32> to vector<16xi32>
      tpu.vector_store %arg10[%swap3A_274], %swap3A_277 {strides = array<i32>} : memref<128xi32, #tpu.memory_space<vmem>>, vector<16xi32>,
      %get3A_278 = arith.index_cast %mul3A_233 : i32 to index
      %get3A_279 = arith.constant 80 : index
      %get3A_280 = tpu.vector_load %arg9[%get3A_278, %get3A_279] {strides = array<i32>} : memref<32x128xi32, #tpu.memory_space<vmem>>, vector<1x16xi32>,
      %get3A_281 = vector.shape_cast %get3A_280 : vector<1x16xi32> to vector<16xi32>
      %swap3A_282 = arith.constant 80 : index
      %swap3A_283 = tpu.vector_load %arg10[%swap3A_282] {strides = array<i32>} : memref<128xi32, #tpu.memory_space<vmem>>, vector<16xi32>,
      %swap3A_284 = vector.shape_cast %swap3A_283 : vector<16xi32> to vector<16xi32>
      %swap3A_285 = vector.shape_cast %get3A_281 : vector<16xi32> to vector<16xi32>
      tpu.vector_store %arg10[%swap3A_282], %swap3A_285 {strides = array<i32>} : memref<128xi32, #tpu.memory_space<vmem>>, vector<16xi32>,
      %get3A_286 = arith.index_cast %mul3A_233 : i32 to index
      %get3A_287 = arith.constant 96 : index
      %get3A_288 = tpu.vector_load %arg9[%get3A_286, %get3A_287] {strides = array<i32>} : memref<32x128xi32, #tpu.memory_space<vmem>>, vector<1x16xi32>,
      %get3A_289 = vector.shape_cast %get3A_288 : vector<1x16xi32> to vector<16xi32>
      %swap3A_290 = arith.constant 96 : index
      %swap3A_291 = tpu.vector_load %arg10[%swap3A_290] {strides = array<i32>} : memref<128xi32, #tpu.memory_space<vmem>>, vector<16xi32>,
      %swap3A_292 = vector.shape_cast %swap3A_291 : vector<16xi32> to vector<16xi32>
      %swap3A_293 = vector.shape_cast %get3A_289 : vector<16xi32> to vector<16xi32>
      tpu.vector_store %arg10[%swap3A_290], %swap3A_293 {strides = array<i32>} : memref<128xi32, #tpu.memory_space<vmem>>, vector<16xi32>,
      %get3A_294 = arith.index_cast %mul3A_233 : i32 to index
      %get3A_295 = arith.constant 112 : index
      %get3A_296 = tpu.vector_load %arg9[%get3A_294, %get3A_295] {strides = array<i32>} : memref<32x128xi32, #tpu.memory_space<vmem>>, vector<1x16xi32>,
      %get3A_297 = vector.shape_cast %get3A_296 : vector<1x16xi32> to vector<16xi32>
      %swap3A_298 = arith.constant 112 : index
      %swap3A_299 = tpu.vector_load %arg10[%swap3A_298] {strides = array<i32>} : memref<128xi32, #tpu.memory_space<vmem>>, vector<16xi32>,
      %swap3A_300 = vector.shape_cast %swap3A_299 : vector<16xi32> to vector<16xi32>
      %swap3A_301 = vector.shape_cast %get3A_297 : vector<16xi32> to vector<16xi32>
      tpu.vector_store %arg10[%swap3A_298], %swap3A_301 {strides = array<i32>} : memref<128xi32, #tpu.memory_space<vmem>>, vector<16xi32>,
      "tpu.region"() ({
        %run_scoped3A = tpu.sem_alloc : memref<!tpu.dma_semaphore, #tpu.memory_space<semaphore_mem>>
        %dma_start3A_387 = arith.constant 0 : i32
        %dma_start3A_388 = arith.constant 0 : i32
        %dma_start3A_389 = tpu.memref_slice %arg13[%dma_start3A_387, %dma_start3A_388] : memref<10112x128xf32, #tpu.memory_space<vmem_shared>> -> memref<10112x128xf32, #tpu.memory_space<vmem_shared>>
        tpu.enqueue_indirect_dma source(%arg11 : memref<128x128xf32, #tpu.memory_space<vmem>>) target(%dma_start3A_389 : memref<10112x128xf32, #tpu.memory_space<vmem_shared>>) offsets(%arg10 : memref<128xi32, #tpu.memory_space<vmem>>) semaphore(%run_scoped3A : memref<!tpu.dma_semaphore, #tpu.memory_space<semaphore_mem>>) {add = true}
        %dma_wait3A_390 = arith.constant 0 : i32
        %dma_wait3A_391 = arith.constant 0 : i32
        %dma_wait3A_392 = tpu.memref_slice %arg13[%dma_wait3A_390, %dma_wait3A_391] : memref<10112x128xf32, #tpu.memory_space<vmem_shared>> -> memref<10112x128xf32, #tpu.memory_space<vmem_shared>>
        tpu.wait_indirect_dma semaphore(%run_scoped3A : memref<!tpu.dma_semaphore, #tpu.memory_space<semaphore_mem>>) src(%arg11 : memref<128x128xf32, #tpu.memory_space<vmem>>) dst(%dma_wait3A_392 : memref<10112x128xf32, #tpu.memory_space<vmem_shared>>)
        tpu.yield
      }) : () -> ()
      %add3A_302 = arith.constant 2 : i32
      %add3A_303 = arith.addi %mul3A_233, %add3A_302 : i32
      %lt3A = arith.constant 32 : i32
      %lt3A_304 = arith.cmpi slt, %add3A_303, %lt3A : i32
      %convert_element_type3A = arith.extui %lt3A_304 : i1 to i32
      %cond3A = arith.constant 0 : i32
      %cond3A_305 = arith.cmpi ne, %convert_element_type3A, %cond3A : i32
      scf.if %cond3A_305 {
        %add3A_387 = arith.constant 2 : i32
        %add3A_388 = arith.addi %mul3A_233, %add3A_387 : i32
        %dma_start3A_389 = arith.constant 0 : i32
        %dma_start3A_390 = tpu.memref_slice %arg8[%add3A_388, %dma_start3A_389] : memref<32x128xi32, #tpu.memory_space<vmem>> -> memref<1x128xi32, #tpu.memory_space<vmem>>
        %dma_start3A_391 = tpu.memref_squeeze %dma_start3A_390 : memref<1x128xi32, #tpu.memory_space<vmem>> -> memref<128xi32, #tpu.memory_space<vmem>>
        %dma_start3A_392 = arith.constant 0 : i32
        %dma_start3A_393 = arith.constant 0 : i32
        %dma_start3A_394 = tpu.memref_slice %arg2[%dma_start3A_392, %dma_start3A_393] : memref<10112x128xf32, #tpu.memory_space<hbm>> -> memref<10112x128xf32, #tpu.memory_space<hbm>>
        tpu.enqueue_indirect_dma source(%dma_start3A_394 : memref<10112x128xf32, #tpu.memory_space<hbm>>) target(%arg11 : memref<128x128xf32, #tpu.memory_space<vmem>>) offsets(%dma_start3A_391 : memref<128xi32, #tpu.memory_space<vmem>>) semaphore(%arg14 : memref<!tpu.dma_semaphore, #tpu.memory_space<semaphore_mem>>)
      } else {
      }
      %add3A_306 = arith.constant 1 : i32
      %add3A_307 = arith.addi %mul3A_233, %add3A_306 : i32
      %dma_wait3A_308 = arith.constant 0 : i32
      %dma_wait3A_309 = tpu.memref_slice %arg8[%add3A_307, %dma_wait3A_308] : memref<32x128xi32, #tpu.memory_space<vmem>> -> memref<1x128xi32, #tpu.memory_space<vmem>>
      %dma_wait3A_310 = tpu.memref_squeeze %dma_wait3A_309 : memref<1x128xi32, #tpu.memory_space<vmem>> -> memref<128xi32, #tpu.memory_space<vmem>>
      %dma_wait3A_311 = arith.constant 0 : i32
      %dma_wait3A_312 = arith.constant 0 : i32
      %dma_wait3A_313 = tpu.memref_slice %arg2[%dma_wait3A_311, %dma_wait3A_312] : memref<10112x128xf32, #tpu.memory_space<hbm>> -> memref<10112x128xf32, #tpu.memory_space<hbm>>
      tpu.wait_indirect_dma semaphore(%arg15 : memref<!tpu.dma_semaphore, #tpu.memory_space<semaphore_mem>>) src(%dma_wait3A_313 : memref<10112x128xf32, #tpu.memory_space<hbm>>) dst(%arg12 : memref<128x128xf32, #tpu.memory_space<vmem>>)
      %add3A_314 = arith.constant 1 : i32
      %add3A_315 = arith.addi %mul3A_233, %add3A_314 : i32
      %get3A_316 = arith.index_cast %add3A_315 : i32 to index
      %get3A_317 = arith.constant 0 : index
      %get3A_318 = tpu.vector_load %arg9[%get3A_316, %get3A_317] {strides = array<i32>} : memref<32x128xi32, #tpu.memory_space<vmem>>, vector<1x16xi32>,
      %get3A_319 = vector.shape_cast %get3A_318 : vector<1x16xi32> to vector<16xi32>
      %swap3A_320 = arith.constant 0 : index
      %swap3A_321 = tpu.vector_load %arg10[%swap3A_320] {strides = array<i32>} : memref<128xi32, #tpu.memory_space<vmem>>, vector<16xi32>,
      %swap3A_322 = vector.shape_cast %swap3A_321 : vector<16xi32> to vector<16xi32>
      %swap3A_323 = vector.shape_cast %get3A_319 : vector<16xi32> to vector<16xi32>
      tpu.vector_store %arg10[%swap3A_320], %swap3A_323 {strides = array<i32>} : memref<128xi32, #tpu.memory_space<vmem>>, vector<16xi32>,
      %get3A_324 = arith.index_cast %add3A_315 : i32 to index
      %get3A_325 = arith.constant 16 : index
      %get3A_326 = tpu.vector_load %arg9[%get3A_324, %get3A_325] {strides = array<i32>} : memref<32x128xi32, #tpu.memory_space<vmem>>, vector<1x16xi32>,
      %get3A_327 = vector.shape_cast %get3A_326 : vector<1x16xi32> to vector<16xi32>
      %swap3A_328 = arith.constant 16 : index
      %swap3A_329 = tpu.vector_load %arg10[%swap3A_328] {strides = array<i32>} : memref<128xi32, #tpu.memory_space<vmem>>, vector<16xi32>,
      %swap3A_330 = vector.shape_cast %swap3A_329 : vector<16xi32> to vector<16xi32>
      %swap3A_331 = vector.shape_cast %get3A_327 : vector<16xi32> to vector<16xi32>
      tpu.vector_store %arg10[%swap3A_328], %swap3A_331 {strides = array<i32>} : memref<128xi32, #tpu.memory_space<vmem>>, vector<16xi32>,
      %get3A_332 = arith.index_cast %add3A_315 : i32 to index
      %get3A_333 = arith.constant 32 : index
      %get3A_334 = tpu.vector_load %arg9[%get3A_332, %get3A_333] {strides = array<i32>} : memref<32x128xi32, #tpu.memory_space<vmem>>, vector<1x16xi32>,
      %get3A_335 = vector.shape_cast %get3A_334 : vector<1x16xi32> to vector<16xi32>
      %swap3A_336 = arith.constant 32 : index
      %swap3A_337 = tpu.vector_load %arg10[%swap3A_336] {strides = array<i32>} : memref<128xi32, #tpu.memory_space<vmem>>, vector<16xi32>,
      %swap3A_338 = vector.shape_cast %swap3A_337 : vector<16xi32> to vector<16xi32>
      %swap3A_339 = vector.shape_cast %get3A_335 : vector<16xi32> to vector<16xi32>
      tpu.vector_store %arg10[%swap3A_336], %swap3A_339 {strides = array<i32>} : memref<128xi32, #tpu.memory_space<vmem>>, vector<16xi32>,
      %get3A_340 = arith.index_cast %add3A_315 : i32 to index
      %get3A_341 = arith.constant 48 : index
      %get3A_342 = tpu.vector_load %arg9[%get3A_340, %get3A_341] {strides = array<i32>} : memref<32x128xi32, #tpu.memory_space<vmem>>, vector<1x16xi32>,
      %get3A_343 = vector.shape_cast %get3A_342 : vector<1x16xi32> to vector<16xi32>
      %swap3A_344 = arith.constant 48 : index
      %swap3A_345 = tpu.vector_load %arg10[%swap3A_344] {strides = array<i32>} : memref<128xi32, #tpu.memory_space<vmem>>, vector<16xi32>,
      %swap3A_346 = vector.shape_cast %swap3A_345 : vector<16xi32> to vector<16xi32>
      %swap3A_347 = vector.shape_cast %get3A_343 : vector<16xi32> to vector<16xi32>
      tpu.vector_store %arg10[%swap3A_344], %swap3A_347 {strides = array<i32>} : memref<128xi32, #tpu.memory_space<vmem>>, vector<16xi32>,
      %get3A_348 = arith.index_cast %add3A_315 : i32 to index
      %get3A_349 = arith.constant 64 : index
      %get3A_350 = tpu.vector_load %arg9[%get3A_348, %get3A_349] {strides = array<i32>} : memref<32x128xi32, #tpu.memory_space<vmem>>, vector<1x16xi32>,
      %get3A_351 = vector.shape_cast %get3A_350 : vector<1x16xi32> to vector<16xi32>
      %swap3A_352 = arith.constant 64 : index
      %swap3A_353 = tpu.vector_load %arg10[%swap3A_352] {strides = array<i32>} : memref<128xi32, #tpu.memory_space<vmem>>, vector<16xi32>,
      %swap3A_354 = vector.shape_cast %swap3A_353 : vector<16xi32> to vector<16xi32>
      %swap3A_355 = vector.shape_cast %get3A_351 : vector<16xi32> to vector<16xi32>
      tpu.vector_store %arg10[%swap3A_352], %swap3A_355 {strides = array<i32>} : memref<128xi32, #tpu.memory_space<vmem>>, vector<16xi32>,
      %get3A_356 = arith.index_cast %add3A_315 : i32 to index
      %get3A_357 = arith.constant 80 : index
      %get3A_358 = tpu.vector_load %arg9[%get3A_356, %get3A_357] {strides = array<i32>} : memref<32x128xi32, #tpu.memory_space<vmem>>, vector<1x16xi32>,
      %get3A_359 = vector.shape_cast %get3A_358 : vector<1x16xi32> to vector<16xi32>
      %swap3A_360 = arith.constant 80 : index
      %swap3A_361 = tpu.vector_load %arg10[%swap3A_360] {strides = array<i32>} : memref<128xi32, #tpu.memory_space<vmem>>, vector<16xi32>,
      %swap3A_362 = vector.shape_cast %swap3A_361 : vector<16xi32> to vector<16xi32>
      %swap3A_363 = vector.shape_cast %get3A_359 : vector<16xi32> to vector<16xi32>
      tpu.vector_store %arg10[%swap3A_360], %swap3A_363 {strides = array<i32>} : memref<128xi32, #tpu.memory_space<vmem>>, vector<16xi32>,
      %get3A_364 = arith.index_cast %add3A_315 : i32 to index
      %get3A_365 = arith.constant 96 : index
      %get3A_366 = tpu.vector_load %arg9[%get3A_364, %get3A_365] {strides = array<i32>} : memref<32x128xi32, #tpu.memory_space<vmem>>, vector<1x16xi32>,
      %get3A_367 = vector.shape_cast %get3A_366 : vector<1x16xi32> to vector<16xi32>
      %swap3A_368 = arith.constant 96 : index
      %swap3A_369 = tpu.vector_load %arg10[%swap3A_368] {strides = array<i32>} : memref<128xi32, #tpu.memory_space<vmem>>, vector<16xi32>,
      %swap3A_370 = vector.shape_cast %swap3A_369 : vector<16xi32> to vector<16xi32>
      %swap3A_371 = vector.shape_cast %get3A_367 : vector<16xi32> to vector<16xi32>
      tpu.vector_store %arg10[%swap3A_368], %swap3A_371 {strides = array<i32>} : memref<128xi32, #tpu.memory_space<vmem>>, vector<16xi32>,
      %get3A_372 = arith.index_cast %add3A_315 : i32 to index
      %get3A_373 = arith.constant 112 : index
      %get3A_374 = tpu.vector_load %arg9[%get3A_372, %get3A_373] {strides = array<i32>} : memref<32x128xi32, #tpu.memory_space<vmem>>, vector<1x16xi32>,
      %get3A_375 = vector.shape_cast %get3A_374 : vector<1x16xi32> to vector<16xi32>
      %swap3A_376 = arith.constant 112 : index
      %swap3A_377 = tpu.vector_load %arg10[%swap3A_376] {strides = array<i32>} : memref<128xi32, #tpu.memory_space<vmem>>, vector<16xi32>,
      %swap3A_378 = vector.shape_cast %swap3A_377 : vector<16xi32> to vector<16xi32>
      %swap3A_379 = vector.shape_cast %get3A_375 : vector<16xi32> to vector<16xi32>
      tpu.vector_store %arg10[%swap3A_376], %swap3A_379 {strides = array<i32>} : memref<128xi32, #tpu.memory_space<vmem>>, vector<16xi32>,
      "tpu.region"() ({
        %run_scoped3A = tpu.sem_alloc : memref<!tpu.dma_semaphore, #tpu.memory_space<semaphore_mem>>
        %dma_start3A_387 = arith.constant 0 : i32
        %dma_start3A_388 = arith.constant 0 : i32
        %dma_start3A_389 = tpu.memref_slice %arg13[%dma_start3A_387, %dma_start3A_388] : memref<10112x128xf32, #tpu.memory_space<vmem_shared>> -> memref<10112x128xf32, #tpu.memory_space<vmem_shared>>
        tpu.enqueue_indirect_dma source(%arg12 : memref<128x128xf32, #tpu.memory_space<vmem>>) target(%dma_start3A_389 : memref<10112x128xf32, #tpu.memory_space<vmem_shared>>) offsets(%arg10 : memref<128xi32, #tpu.memory_space<vmem>>) semaphore(%run_scoped3A : memref<!tpu.dma_semaphore, #tpu.memory_space<semaphore_mem>>) {add = true}
        %dma_wait3A_390 = arith.constant 0 : i32
        %dma_wait3A_391 = arith.constant 0 : i32
        %dma_wait3A_392 = tpu.memref_slice %arg13[%dma_wait3A_390, %dma_wait3A_391] : memref<10112x128xf32, #tpu.memory_space<vmem_shared>> -> memref<10112x128xf32, #tpu.memory_space<vmem_shared>>
        tpu.wait_indirect_dma semaphore(%run_scoped3A : memref<!tpu.dma_semaphore, #tpu.memory_space<semaphore_mem>>) src(%arg12 : memref<128x128xf32, #tpu.memory_space<vmem>>) dst(%dma_wait3A_392 : memref<10112x128xf32, #tpu.memory_space<vmem_shared>>)
        tpu.yield
      }) : () -> ()
      %add3A_380 = arith.constant 3 : i32
      %add3A_381 = arith.addi %mul3A_233, %add3A_380 : i32
      %lt3A_382 = arith.constant 32 : i32
      %lt3A_383 = arith.cmpi slt, %add3A_381, %lt3A_382 : i32
      %convert_element_type3A_384 = arith.extui %lt3A_383 : i1 to i32
      %cond3A_385 = arith.constant 0 : i32
      %cond3A_386 = arith.cmpi ne, %convert_element_type3A_384, %cond3A_385 : i32
      scf.if %cond3A_386 {
        %add3A_387 = arith.constant 3 : i32
        %add3A_388 = arith.addi %mul3A_233, %add3A_387 : i32
        %dma_start3A_389 = arith.constant 0 : i32
        %dma_start3A_390 = tpu.memref_slice %arg8[%add3A_388, %dma_start3A_389] : memref<32x128xi32, #tpu.memory_space<vmem>> -> memref<1x128xi32, #tpu.memory_space<vmem>>
        %dma_start3A_391 = tpu.memref_squeeze %dma_start3A_390 : memref<1x128xi32, #tpu.memory_space<vmem>> -> memref<128xi32, #tpu.memory_space<vmem>>
        %dma_start3A_392 = arith.constant 0 : i32
        %dma_start3A_393 = arith.constant 0 : i32
        %dma_start3A_394 = tpu.memref_slice %arg2[%dma_start3A_392, %dma_start3A_393] : memref<10112x128xf32, #tpu.memory_space<hbm>> -> memref<10112x128xf32, #tpu.memory_space<hbm>>
        tpu.enqueue_indirect_dma source(%dma_start3A_394 : memref<10112x128xf32, #tpu.memory_space<hbm>>) target(%arg12 : memref<128x128xf32, #tpu.memory_space<vmem>>) offsets(%dma_start3A_391 : memref<128xi32, #tpu.memory_space<vmem>>) semaphore(%arg15 : memref<!tpu.dma_semaphore, #tpu.memory_space<semaphore_mem>>)
      } else {
      }
    }
    %scan3A_104 = arith.constant 16 : i32
    %mul3A_105 = arith.constant 160 : i32
    %mul3A_106 = arith.muli %add3A, %mul3A_105 : i32
    %add3A_107 = arith.constant 64 : i32
    %add3A_108 = arith.addi %mul3A_106, %add3A_107 : i32
    %multiple_of3A_109 = tpu.assume_multiple %add3A_108, 8 : i32
    %dma_wait3A_110 = arith.constant 0 : i32
    %dma_wait3A_111 = tpu.memref_slice %arg3[%multiple_of3A_109, %dma_wait3A_110] : memref<5120x128xi32, #tpu.memory_space<hbm>> -> memref<32x128xi32, #tpu.memory_space<hbm>>
    %dma_wait3A_112 = arith.constant 0 : i32
    %dma_wait3A_113 = tpu.memref_slice %arg3[%multiple_of3A_109, %dma_wait3A_112] : memref<5120x128xi32, #tpu.memory_space<hbm>> -> memref<32x128xi32, #tpu.memory_space<hbm>>
    tpu.wait_dma2 semaphore(%arg16 : memref<!tpu.dma_semaphore, #tpu.memory_space<semaphore_mem>>) src(%dma_wait3A_113 : memref<32x128xi32, #tpu.memory_space<hbm>>) dst(%arg6 : memref<32x128xi32, #tpu.memory_space<vmem>>)
    %dma_wait3A_114 = arith.constant 0 : i32
    %dma_wait3A_115 = tpu.memref_slice %arg4[%multiple_of3A_109, %dma_wait3A_114] : memref<5120x128xi32, #tpu.memory_space<hbm>> -> memref<32x128xi32, #tpu.memory_space<hbm>>
    %dma_wait3A_116 = arith.constant 0 : i32
    %dma_wait3A_117 = tpu.memref_slice %arg4[%multiple_of3A_109, %dma_wait3A_116] : memref<5120x128xi32, #tpu.memory_space<hbm>> -> memref<32x128xi32, #tpu.memory_space<hbm>>
    tpu.wait_dma2 semaphore(%arg16 : memref<!tpu.dma_semaphore, #tpu.memory_space<semaphore_mem>>) src(%dma_wait3A_117 : memref<32x128xi32, #tpu.memory_space<hbm>>) dst(%arg7 : memref<32x128xi32, #tpu.memory_space<vmem>>)
    %mul3A_118 = arith.constant 160 : i32
    %mul3A_119 = arith.muli %add3A, %mul3A_118 : i32
    %add3A_120 = arith.constant 96 : i32
    %add3A_121 = arith.addi %mul3A_119, %add3A_120 : i32
    %multiple_of3A_122 = tpu.assume_multiple %add3A_121, 8 : i32
    %dma_start3A_123 = arith.constant 0 : i32
    %dma_start3A_124 = tpu.memref_slice %arg3[%multiple_of3A_122, %dma_start3A_123] : memref<5120x128xi32, #tpu.memory_space<hbm>> -> memref<32x128xi32, #tpu.memory_space<hbm>>
    %dma_start3A_125 = arith.constant 0 : i32
    %dma_start3A_126 = tpu.memref_slice %arg3[%multiple_of3A_122, %dma_start3A_125] : memref<5120x128xi32, #tpu.memory_space<hbm>> -> memref<32x128xi32, #tpu.memory_space<hbm>>
    tpu.enqueue_dma source(%dma_start3A_126 : memref<32x128xi32, #tpu.memory_space<hbm>>) target(%arg8 : memref<32x128xi32, #tpu.memory_space<vmem>>) target_semaphore(%arg16 : memref<!tpu.dma_semaphore, #tpu.memory_space<semaphore_mem>>)
    %dma_start3A_127 = arith.constant 0 : i32
    %dma_start3A_128 = tpu.memref_slice %arg4[%multiple_of3A_122, %dma_start3A_127] : memref<5120x128xi32, #tpu.memory_space<hbm>> -> memref<32x128xi32, #tpu.memory_space<hbm>>
    %dma_start3A_129 = arith.constant 0 : i32
    %dma_start3A_130 = tpu.memref_slice %arg4[%multiple_of3A_122, %dma_start3A_129] : memref<5120x128xi32, #tpu.memory_space<hbm>> -> memref<32x128xi32, #tpu.memory_space<hbm>>
    tpu.enqueue_dma source(%dma_start3A_130 : memref<32x128xi32, #tpu.memory_space<hbm>>) target(%arg9 : memref<32x128xi32, #tpu.memory_space<vmem>>) target_semaphore(%arg16 : memref<!tpu.dma_semaphore, #tpu.memory_space<semaphore_mem>>)
    %dma_start3A_131 = arith.constant 0 : i32
    %dma_start3A_132 = arith.constant 0 : i32
    %dma_start3A_133 = tpu.memref_slice %arg6[%dma_start3A_131, %dma_start3A_132] : memref<32x128xi32, #tpu.memory_space<vmem>> -> memref<1x128xi32, #tpu.memory_space<vmem>>
    %dma_start3A_134 = tpu.memref_squeeze %dma_start3A_133 : memref<1x128xi32, #tpu.memory_space<vmem>> -> memref<128xi32, #tpu.memory_space<vmem>>
    %dma_start3A_135 = arith.constant 0 : i32
    %dma_start3A_136 = arith.constant 0 : i32
    %dma_start3A_137 = tpu.memref_slice %arg2[%dma_start3A_135, %dma_start3A_136] : memref<10112x128xf32, #tpu.memory_space<hbm>> -> memref<10112x128xf32, #tpu.memory_space<hbm>>
    tpu.enqueue_indirect_dma source(%dma_start3A_137 : memref<10112x128xf32, #tpu.memory_space<hbm>>) target(%arg11 : memref<128x128xf32, #tpu.memory_space<vmem>>) offsets(%dma_start3A_134 : memref<128xi32, #tpu.memory_space<vmem>>) semaphore(%arg14 : memref<!tpu.dma_semaphore, #tpu.memory_space<semaphore_mem>>)
    %dma_start3A_138 = arith.constant 1 : i32
    %dma_start3A_139 = arith.constant 0 : i32
    %dma_start3A_140 = tpu.memref_slice %arg6[%dma_start3A_138, %dma_start3A_139] : memref<32x128xi32, #tpu.memory_space<vmem>> -> memref<1x128xi32, #tpu.memory_space<vmem>>
    %dma_start3A_141 = tpu.memref_squeeze %dma_start3A_140 : memref<1x128xi32, #tpu.memory_space<vmem>> -> memref<128xi32, #tpu.memory_space<vmem>>
    %dma_start3A_142 = arith.constant 0 : i32
    %dma_start3A_143 = arith.constant 0 : i32
    %dma_start3A_144 = tpu.memref_slice %arg2[%dma_start3A_142, %dma_start3A_143] : memref<10112x128xf32, #tpu.memory_space<hbm>> -> memref<10112x128xf32, #tpu.memory_space<hbm>>
    tpu.enqueue_indirect_dma source(%dma_start3A_144 : memref<10112x128xf32, #tpu.memory_space<hbm>>) target(%arg12 : memref<128x128xf32, #tpu.memory_space<vmem>>) offsets(%dma_start3A_141 : memref<128xi32, #tpu.memory_space<vmem>>) semaphore(%arg15 : memref<!tpu.dma_semaphore, #tpu.memory_space<semaphore_mem>>)
    %scan3A_145 = arith.constant 0 : i32
    %scan3A_146 = arith.constant 0 : i32
    %scan3A_147 = arith.constant 16 : i32
    %scan3A_148 = arith.addi %scan3A_146, %scan3A_147 : i32
    %scan3A_149 = arith.constant 1 : i32
    scf.for %scan3A_231 = %scan3A_146 to %scan3A_148 step %scan3A_149  : i32 {
      %mul3A_232 = arith.constant 2 : i32
      %mul3A_233 = arith.muli %scan3A_231, %mul3A_232 : i32
      %dma_wait3A_234 = arith.constant 0 : i32
      %dma_wait3A_235 = tpu.memref_slice %arg6[%mul3A_233, %dma_wait3A_234] : memref<32x128xi32, #tpu.memory_space<vmem>> -> memref<1x128xi32, #tpu.memory_space<vmem>>
      %dma_wait3A_236 = tpu.memref_squeeze %dma_wait3A_235 : memref<1x128xi32, #tpu.memory_space<vmem>> -> memref<128xi32, #tpu.memory_space<vmem>>
      %dma_wait3A_237 = arith.constant 0 : i32
      %dma_wait3A_238 = arith.constant 0 : i32
      %dma_wait3A_239 = tpu.memref_slice %arg2[%dma_wait3A_237, %dma_wait3A_238] : memref<10112x128xf32, #tpu.memory_space<hbm>> -> memref<10112x128xf32, #tpu.memory_space<hbm>>
      tpu.wait_indirect_dma semaphore(%arg14 : memref<!tpu.dma_semaphore, #tpu.memory_space<semaphore_mem>>) src(%dma_wait3A_239 : memref<10112x128xf32, #tpu.memory_space<hbm>>) dst(%arg11 : memref<128x128xf32, #tpu.memory_space<vmem>>)
      %get3A = arith.index_cast %mul3A_233 : i32 to index
      %get3A_240 = arith.constant 0 : index
      %get3A_241 = tpu.vector_load %arg7[%get3A, %get3A_240] {strides = array<i32>} : memref<32x128xi32, #tpu.memory_space<vmem>>, vector<1x16xi32>,
      %get3A_242 = vector.shape_cast %get3A_241 : vector<1x16xi32> to vector<16xi32>
      %swap3A = arith.constant 0 : index
      %swap3A_243 = tpu.vector_load %arg10[%swap3A] {strides = array<i32>} : memref<128xi32, #tpu.memory_space<vmem>>, vector<16xi32>,
      %swap3A_244 = vector.shape_cast %swap3A_243 : vector<16xi32> to vector<16xi32>
      %swap3A_245 = vector.shape_cast %get3A_242 : vector<16xi32> to vector<16xi32>
      tpu.vector_store %arg10[%swap3A], %swap3A_245 {strides = array<i32>} : memref<128xi32, #tpu.memory_space<vmem>>, vector<16xi32>,
      %get3A_246 = arith.index_cast %mul3A_233 : i32 to index
      %get3A_247 = arith.constant 16 : index
      %get3A_248 = tpu.vector_load %arg7[%get3A_246, %get3A_247] {strides = array<i32>} : memref<32x128xi32, #tpu.memory_space<vmem>>, vector<1x16xi32>,
      %get3A_249 = vector.shape_cast %get3A_248 : vector<1x16xi32> to vector<16xi32>
      %swap3A_250 = arith.constant 16 : index
      %swap3A_251 = tpu.vector_load %arg10[%swap3A_250] {strides = array<i32>} : memref<128xi32, #tpu.memory_space<vmem>>, vector<16xi32>,
      %swap3A_252 = vector.shape_cast %swap3A_251 : vector<16xi32> to vector<16xi32>
      %swap3A_253 = vector.shape_cast %get3A_249 : vector<16xi32> to vector<16xi32>
      tpu.vector_store %arg10[%swap3A_250], %swap3A_253 {strides = array<i32>} : memref<128xi32, #tpu.memory_space<vmem>>, vector<16xi32>,
      %get3A_254 = arith.index_cast %mul3A_233 : i32 to index
      %get3A_255 = arith.constant 32 : index
      %get3A_256 = tpu.vector_load %arg7[%get3A_254, %get3A_255] {strides = array<i32>} : memref<32x128xi32, #tpu.memory_space<vmem>>, vector<1x16xi32>,
      %get3A_257 = vector.shape_cast %get3A_256 : vector<1x16xi32> to vector<16xi32>
      %swap3A_258 = arith.constant 32 : index
      %swap3A_259 = tpu.vector_load %arg10[%swap3A_258] {strides = array<i32>} : memref<128xi32, #tpu.memory_space<vmem>>, vector<16xi32>,
      %swap3A_260 = vector.shape_cast %swap3A_259 : vector<16xi32> to vector<16xi32>
      %swap3A_261 = vector.shape_cast %get3A_257 : vector<16xi32> to vector<16xi32>
      tpu.vector_store %arg10[%swap3A_258], %swap3A_261 {strides = array<i32>} : memref<128xi32, #tpu.memory_space<vmem>>, vector<16xi32>,
      %get3A_262 = arith.index_cast %mul3A_233 : i32 to index
      %get3A_263 = arith.constant 48 : index
      %get3A_264 = tpu.vector_load %arg7[%get3A_262, %get3A_263] {strides = array<i32>} : memref<32x128xi32, #tpu.memory_space<vmem>>, vector<1x16xi32>,
      %get3A_265 = vector.shape_cast %get3A_264 : vector<1x16xi32> to vector<16xi32>
      %swap3A_266 = arith.constant 48 : index
      %swap3A_267 = tpu.vector_load %arg10[%swap3A_266] {strides = array<i32>} : memref<128xi32, #tpu.memory_space<vmem>>, vector<16xi32>,
      %swap3A_268 = vector.shape_cast %swap3A_267 : vector<16xi32> to vector<16xi32>
      %swap3A_269 = vector.shape_cast %get3A_265 : vector<16xi32> to vector<16xi32>
      tpu.vector_store %arg10[%swap3A_266], %swap3A_269 {strides = array<i32>} : memref<128xi32, #tpu.memory_space<vmem>>, vector<16xi32>,
      %get3A_270 = arith.index_cast %mul3A_233 : i32 to index
      %get3A_271 = arith.constant 64 : index
      %get3A_272 = tpu.vector_load %arg7[%get3A_270, %get3A_271] {strides = array<i32>} : memref<32x128xi32, #tpu.memory_space<vmem>>, vector<1x16xi32>,
      %get3A_273 = vector.shape_cast %get3A_272 : vector<1x16xi32> to vector<16xi32>
      %swap3A_274 = arith.constant 64 : index
      %swap3A_275 = tpu.vector_load %arg10[%swap3A_274] {strides = array<i32>} : memref<128xi32, #tpu.memory_space<vmem>>, vector<16xi32>,
      %swap3A_276 = vector.shape_cast %swap3A_275 : vector<16xi32> to vector<16xi32>
      %swap3A_277 = vector.shape_cast %get3A_273 : vector<16xi32> to vector<16xi32>
      tpu.vector_store %arg10[%swap3A_274], %swap3A_277 {strides = array<i32>} : memref<128xi32, #tpu.memory_space<vmem>>, vector<16xi32>,
      %get3A_278 = arith.index_cast %mul3A_233 : i32 to index
      %get3A_279 = arith.constant 80 : index
      %get3A_280 = tpu.vector_load %arg7[%get3A_278, %get3A_279] {strides = array<i32>} : memref<32x128xi32, #tpu.memory_space<vmem>>, vector<1x16xi32>,
      %get3A_281 = vector.shape_cast %get3A_280 : vector<1x16xi32> to vector<16xi32>
      %swap3A_282 = arith.constant 80 : index
      %swap3A_283 = tpu.vector_load %arg10[%swap3A_282] {strides = array<i32>} : memref<128xi32, #tpu.memory_space<vmem>>, vector<16xi32>,
      %swap3A_284 = vector.shape_cast %swap3A_283 : vector<16xi32> to vector<16xi32>
      %swap3A_285 = vector.shape_cast %get3A_281 : vector<16xi32> to vector<16xi32>
      tpu.vector_store %arg10[%swap3A_282], %swap3A_285 {strides = array<i32>} : memref<128xi32, #tpu.memory_space<vmem>>, vector<16xi32>,
      %get3A_286 = arith.index_cast %mul3A_233 : i32 to index
      %get3A_287 = arith.constant 96 : index
      %get3A_288 = tpu.vector_load %arg7[%get3A_286, %get3A_287] {strides = array<i32>} : memref<32x128xi32, #tpu.memory_space<vmem>>, vector<1x16xi32>,
      %get3A_289 = vector.shape_cast %get3A_288 : vector<1x16xi32> to vector<16xi32>
      %swap3A_290 = arith.constant 96 : index
      %swap3A_291 = tpu.vector_load %arg10[%swap3A_290] {strides = array<i32>} : memref<128xi32, #tpu.memory_space<vmem>>, vector<16xi32>,
      %swap3A_292 = vector.shape_cast %swap3A_291 : vector<16xi32> to vector<16xi32>
      %swap3A_293 = vector.shape_cast %get3A_289 : vector<16xi32> to vector<16xi32>
      tpu.vector_store %arg10[%swap3A_290], %swap3A_293 {strides = array<i32>} : memref<128xi32, #tpu.memory_space<vmem>>, vector<16xi32>,
      %get3A_294 = arith.index_cast %mul3A_233 : i32 to index
      %get3A_295 = arith.constant 112 : index
      %get3A_296 = tpu.vector_load %arg7[%get3A_294, %get3A_295] {strides = array<i32>} : memref<32x128xi32, #tpu.memory_space<vmem>>, vector<1x16xi32>,
      %get3A_297 = vector.shape_cast %get3A_296 : vector<1x16xi32> to vector<16xi32>
      %swap3A_298 = arith.constant 112 : index
      %swap3A_299 = tpu.vector_load %arg10[%swap3A_298] {strides = array<i32>} : memref<128xi32, #tpu.memory_space<vmem>>, vector<16xi32>,
      %swap3A_300 = vector.shape_cast %swap3A_299 : vector<16xi32> to vector<16xi32>
      %swap3A_301 = vector.shape_cast %get3A_297 : vector<16xi32> to vector<16xi32>
      tpu.vector_store %arg10[%swap3A_298], %swap3A_301 {strides = array<i32>} : memref<128xi32, #tpu.memory_space<vmem>>, vector<16xi32>,
      "tpu.region"() ({
        %run_scoped3A = tpu.sem_alloc : memref<!tpu.dma_semaphore, #tpu.memory_space<semaphore_mem>>
        %dma_start3A_387 = arith.constant 0 : i32
        %dma_start3A_388 = arith.constant 0 : i32
        %dma_start3A_389 = tpu.memref_slice %arg13[%dma_start3A_387, %dma_start3A_388] : memref<10112x128xf32, #tpu.memory_space<vmem_shared>> -> memref<10112x128xf32, #tpu.memory_space<vmem_shared>>
        tpu.enqueue_indirect_dma source(%arg11 : memref<128x128xf32, #tpu.memory_space<vmem>>) target(%dma_start3A_389 : memref<10112x128xf32, #tpu.memory_space<vmem_shared>>) offsets(%arg10 : memref<128xi32, #tpu.memory_space<vmem>>) semaphore(%run_scoped3A : memref<!tpu.dma_semaphore, #tpu.memory_space<semaphore_mem>>) {add = true}
        %dma_wait3A_390 = arith.constant 0 : i32
        %dma_wait3A_391 = arith.constant 0 : i32
        %dma_wait3A_392 = tpu.memref_slice %arg13[%dma_wait3A_390, %dma_wait3A_391] : memref<10112x128xf32, #tpu.memory_space<vmem_shared>> -> memref<10112x128xf32, #tpu.memory_space<vmem_shared>>
        tpu.wait_indirect_dma semaphore(%run_scoped3A : memref<!tpu.dma_semaphore, #tpu.memory_space<semaphore_mem>>) src(%arg11 : memref<128x128xf32, #tpu.memory_space<vmem>>) dst(%dma_wait3A_392 : memref<10112x128xf32, #tpu.memory_space<vmem_shared>>)
        tpu.yield
      }) : () -> ()
      %add3A_302 = arith.constant 2 : i32
      %add3A_303 = arith.addi %mul3A_233, %add3A_302 : i32
      %lt3A = arith.constant 32 : i32
      %lt3A_304 = arith.cmpi slt, %add3A_303, %lt3A : i32
      %convert_element_type3A = arith.extui %lt3A_304 : i1 to i32
      %cond3A = arith.constant 0 : i32
      %cond3A_305 = arith.cmpi ne, %convert_element_type3A, %cond3A : i32
      scf.if %cond3A_305 {
        %add3A_387 = arith.constant 2 : i32
        %add3A_388 = arith.addi %mul3A_233, %add3A_387 : i32
        %dma_start3A_389 = arith.constant 0 : i32
        %dma_start3A_390 = tpu.memref_slice %arg6[%add3A_388, %dma_start3A_389] : memref<32x128xi32, #tpu.memory_space<vmem>> -> memref<1x128xi32, #tpu.memory_space<vmem>>
        %dma_start3A_391 = tpu.memref_squeeze %dma_start3A_390 : memref<1x128xi32, #tpu.memory_space<vmem>> -> memref<128xi32, #tpu.memory_space<vmem>>
        %dma_start3A_392 = arith.constant 0 : i32
        %dma_start3A_393 = arith.constant 0 : i32
        %dma_start3A_394 = tpu.memref_slice %arg2[%dma_start3A_392, %dma_start3A_393] : memref<10112x128xf32, #tpu.memory_space<hbm>> -> memref<10112x128xf32, #tpu.memory_space<hbm>>
        tpu.enqueue_indirect_dma source(%dma_start3A_394 : memref<10112x128xf32, #tpu.memory_space<hbm>>) target(%arg11 : memref<128x128xf32, #tpu.memory_space<vmem>>) offsets(%dma_start3A_391 : memref<128xi32, #tpu.memory_space<vmem>>) semaphore(%arg14 : memref<!tpu.dma_semaphore, #tpu.memory_space<semaphore_mem>>)
      } else {
      }
      %add3A_306 = arith.constant 1 : i32
      %add3A_307 = arith.addi %mul3A_233, %add3A_306 : i32
      %dma_wait3A_308 = arith.constant 0 : i32
      %dma_wait3A_309 = tpu.memref_slice %arg6[%add3A_307, %dma_wait3A_308] : memref<32x128xi32, #tpu.memory_space<vmem>> -> memref<1x128xi32, #tpu.memory_space<vmem>>
      %dma_wait3A_310 = tpu.memref_squeeze %dma_wait3A_309 : memref<1x128xi32, #tpu.memory_space<vmem>> -> memref<128xi32, #tpu.memory_space<vmem>>
      %dma_wait3A_311 = arith.constant 0 : i32
      %dma_wait3A_312 = arith.constant 0 : i32
      %dma_wait3A_313 = tpu.memref_slice %arg2[%dma_wait3A_311, %dma_wait3A_312] : memref<10112x128xf32, #tpu.memory_space<hbm>> -> memref<10112x128xf32, #tpu.memory_space<hbm>>
      tpu.wait_indirect_dma semaphore(%arg15 : memref<!tpu.dma_semaphore, #tpu.memory_space<semaphore_mem>>) src(%dma_wait3A_313 : memref<10112x128xf32, #tpu.memory_space<hbm>>) dst(%arg12 : memref<128x128xf32, #tpu.memory_space<vmem>>)
      %add3A_314 = arith.constant 1 : i32
      %add3A_315 = arith.addi %mul3A_233, %add3A_314 : i32
      %get3A_316 = arith.index_cast %add3A_315 : i32 to index
      %get3A_317 = arith.constant 0 : index
      %get3A_318 = tpu.vector_load %arg7[%get3A_316, %get3A_317] {strides = array<i32>} : memref<32x128xi32, #tpu.memory_space<vmem>>, vector<1x16xi32>,
      %get3A_319 = vector.shape_cast %get3A_318 : vector<1x16xi32> to vector<16xi32>
      %swap3A_320 = arith.constant 0 : index
      %swap3A_321 = tpu.vector_load %arg10[%swap3A_320] {strides = array<i32>} : memref<128xi32, #tpu.memory_space<vmem>>, vector<16xi32>,
      %swap3A_322 = vector.shape_cast %swap3A_321 : vector<16xi32> to vector<16xi32>
      %swap3A_323 = vector.shape_cast %get3A_319 : vector<16xi32> to vector<16xi32>
      tpu.vector_store %arg10[%swap3A_320], %swap3A_323 {strides = array<i32>} : memref<128xi32, #tpu.memory_space<vmem>>, vector<16xi32>,
      %get3A_324 = arith.index_cast %add3A_315 : i32 to index
      %get3A_325 = arith.constant 16 : index
      %get3A_326 = tpu.vector_load %arg7[%get3A_324, %get3A_325] {strides = array<i32>} : memref<32x128xi32, #tpu.memory_space<vmem>>, vector<1x16xi32>,
      %get3A_327 = vector.shape_cast %get3A_326 : vector<1x16xi32> to vector<16xi32>
      %swap3A_328 = arith.constant 16 : index
      %swap3A_329 = tpu.vector_load %arg10[%swap3A_328] {strides = array<i32>} : memref<128xi32, #tpu.memory_space<vmem>>, vector<16xi32>,
      %swap3A_330 = vector.shape_cast %swap3A_329 : vector<16xi32> to vector<16xi32>
      %swap3A_331 = vector.shape_cast %get3A_327 : vector<16xi32> to vector<16xi32>
      tpu.vector_store %arg10[%swap3A_328], %swap3A_331 {strides = array<i32>} : memref<128xi32, #tpu.memory_space<vmem>>, vector<16xi32>,
      %get3A_332 = arith.index_cast %add3A_315 : i32 to index
      %get3A_333 = arith.constant 32 : index
      %get3A_334 = tpu.vector_load %arg7[%get3A_332, %get3A_333] {strides = array<i32>} : memref<32x128xi32, #tpu.memory_space<vmem>>, vector<1x16xi32>,
      %get3A_335 = vector.shape_cast %get3A_334 : vector<1x16xi32> to vector<16xi32>
      %swap3A_336 = arith.constant 32 : index
      %swap3A_337 = tpu.vector_load %arg10[%swap3A_336] {strides = array<i32>} : memref<128xi32, #tpu.memory_space<vmem>>, vector<16xi32>,
      %swap3A_338 = vector.shape_cast %swap3A_337 : vector<16xi32> to vector<16xi32>
      %swap3A_339 = vector.shape_cast %get3A_335 : vector<16xi32> to vector<16xi32>
      tpu.vector_store %arg10[%swap3A_336], %swap3A_339 {strides = array<i32>} : memref<128xi32, #tpu.memory_space<vmem>>, vector<16xi32>,
      %get3A_340 = arith.index_cast %add3A_315 : i32 to index
      %get3A_341 = arith.constant 48 : index
      %get3A_342 = tpu.vector_load %arg7[%get3A_340, %get3A_341] {strides = array<i32>} : memref<32x128xi32, #tpu.memory_space<vmem>>, vector<1x16xi32>,
      %get3A_343 = vector.shape_cast %get3A_342 : vector<1x16xi32> to vector<16xi32>
      %swap3A_344 = arith.constant 48 : index
      %swap3A_345 = tpu.vector_load %arg10[%swap3A_344] {strides = array<i32>} : memref<128xi32, #tpu.memory_space<vmem>>, vector<16xi32>,
      %swap3A_346 = vector.shape_cast %swap3A_345 : vector<16xi32> to vector<16xi32>
      %swap3A_347 = vector.shape_cast %get3A_343 : vector<16xi32> to vector<16xi32>
      tpu.vector_store %arg10[%swap3A_344], %swap3A_347 {strides = array<i32>} : memref<128xi32, #tpu.memory_space<vmem>>, vector<16xi32>,
      %get3A_348 = arith.index_cast %add3A_315 : i32 to index
      %get3A_349 = arith.constant 64 : index
      %get3A_350 = tpu.vector_load %arg7[%get3A_348, %get3A_349] {strides = array<i32>} : memref<32x128xi32, #tpu.memory_space<vmem>>, vector<1x16xi32>,
      %get3A_351 = vector.shape_cast %get3A_350 : vector<1x16xi32> to vector<16xi32>
      %swap3A_352 = arith.constant 64 : index
      %swap3A_353 = tpu.vector_load %arg10[%swap3A_352] {strides = array<i32>} : memref<128xi32, #tpu.memory_space<vmem>>, vector<16xi32>,
      %swap3A_354 = vector.shape_cast %swap3A_353 : vector<16xi32> to vector<16xi32>
      %swap3A_355 = vector.shape_cast %get3A_351 : vector<16xi32> to vector<16xi32>
      tpu.vector_store %arg10[%swap3A_352], %swap3A_355 {strides = array<i32>} : memref<128xi32, #tpu.memory_space<vmem>>, vector<16xi32>,
      %get3A_356 = arith.index_cast %add3A_315 : i32 to index
      %get3A_357 = arith.constant 80 : index
      %get3A_358 = tpu.vector_load %arg7[%get3A_356, %get3A_357] {strides = array<i32>} : memref<32x128xi32, #tpu.memory_space<vmem>>, vector<1x16xi32>,
      %get3A_359 = vector.shape_cast %get3A_358 : vector<1x16xi32> to vector<16xi32>
      %swap3A_360 = arith.constant 80 : index
      %swap3A_361 = tpu.vector_load %arg10[%swap3A_360] {strides = array<i32>} : memref<128xi32, #tpu.memory_space<vmem>>, vector<16xi32>,
      %swap3A_362 = vector.shape_cast %swap3A_361 : vector<16xi32> to vector<16xi32>
      %swap3A_363 = vector.shape_cast %get3A_359 : vector<16xi32> to vector<16xi32>
      tpu.vector_store %arg10[%swap3A_360], %swap3A_363 {strides = array<i32>} : memref<128xi32, #tpu.memory_space<vmem>>, vector<16xi32>,
      %get3A_364 = arith.index_cast %add3A_315 : i32 to index
      %get3A_365 = arith.constant 96 : index
      %get3A_366 = tpu.vector_load %arg7[%get3A_364, %get3A_365] {strides = array<i32>} : memref<32x128xi32, #tpu.memory_space<vmem>>, vector<1x16xi32>,
      %get3A_367 = vector.shape_cast %get3A_366 : vector<1x16xi32> to vector<16xi32>
      %swap3A_368 = arith.constant 96 : index
      %swap3A_369 = tpu.vector_load %arg10[%swap3A_368] {strides = array<i32>} : memref<128xi32, #tpu.memory_space<vmem>>, vector<16xi32>,
      %swap3A_370 = vector.shape_cast %swap3A_369 : vector<16xi32> to vector<16xi32>
      %swap3A_371 = vector.shape_cast %get3A_367 : vector<16xi32> to vector<16xi32>
      tpu.vector_store %arg10[%swap3A_368], %swap3A_371 {strides = array<i32>} : memref<128xi32, #tpu.memory_space<vmem>>, vector<16xi32>,
      %get3A_372 = arith.index_cast %add3A_315 : i32 to index
      %get3A_373 = arith.constant 112 : index
      %get3A_374 = tpu.vector_load %arg7[%get3A_372, %get3A_373] {strides = array<i32>} : memref<32x128xi32, #tpu.memory_space<vmem>>, vector<1x16xi32>,
      %get3A_375 = vector.shape_cast %get3A_374 : vector<1x16xi32> to vector<16xi32>
      %swap3A_376 = arith.constant 112 : index
      %swap3A_377 = tpu.vector_load %arg10[%swap3A_376] {strides = array<i32>} : memref<128xi32, #tpu.memory_space<vmem>>, vector<16xi32>,
      %swap3A_378 = vector.shape_cast %swap3A_377 : vector<16xi32> to vector<16xi32>
      %swap3A_379 = vector.shape_cast %get3A_375 : vector<16xi32> to vector<16xi32>
      tpu.vector_store %arg10[%swap3A_376], %swap3A_379 {strides = array<i32>} : memref<128xi32, #tpu.memory_space<vmem>>, vector<16xi32>,
      "tpu.region"() ({
        %run_scoped3A = tpu.sem_alloc : memref<!tpu.dma_semaphore, #tpu.memory_space<semaphore_mem>>
        %dma_start3A_387 = arith.constant 0 : i32
        %dma_start3A_388 = arith.constant 0 : i32
        %dma_start3A_389 = tpu.memref_slice %arg13[%dma_start3A_387, %dma_start3A_388] : memref<10112x128xf32, #tpu.memory_space<vmem_shared>> -> memref<10112x128xf32, #tpu.memory_space<vmem_shared>>
        tpu.enqueue_indirect_dma source(%arg12 : memref<128x128xf32, #tpu.memory_space<vmem>>) target(%dma_start3A_389 : memref<10112x128xf32, #tpu.memory_space<vmem_shared>>) offsets(%arg10 : memref<128xi32, #tpu.memory_space<vmem>>) semaphore(%run_scoped3A : memref<!tpu.dma_semaphore, #tpu.memory_space<semaphore_mem>>) {add = true}
        %dma_wait3A_390 = arith.constant 0 : i32
        %dma_wait3A_391 = arith.constant 0 : i32
        %dma_wait3A_392 = tpu.memref_slice %arg13[%dma_wait3A_390, %dma_wait3A_391] : memref<10112x128xf32, #tpu.memory_space<vmem_shared>> -> memref<10112x128xf32, #tpu.memory_space<vmem_shared>>
        tpu.wait_indirect_dma semaphore(%run_scoped3A : memref<!tpu.dma_semaphore, #tpu.memory_space<semaphore_mem>>) src(%arg12 : memref<128x128xf32, #tpu.memory_space<vmem>>) dst(%dma_wait3A_392 : memref<10112x128xf32, #tpu.memory_space<vmem_shared>>)
        tpu.yield
      }) : () -> ()
      %add3A_380 = arith.constant 3 : i32
      %add3A_381 = arith.addi %mul3A_233, %add3A_380 : i32
      %lt3A_382 = arith.constant 32 : i32
      %lt3A_383 = arith.cmpi slt, %add3A_381, %lt3A_382 : i32
      %convert_element_type3A_384 = arith.extui %lt3A_383 : i1 to i32
      %cond3A_385 = arith.constant 0 : i32
      %cond3A_386 = arith.cmpi ne, %convert_element_type3A_384, %cond3A_385 : i32
      scf.if %cond3A_386 {
        %add3A_387 = arith.constant 3 : i32
        %add3A_388 = arith.addi %mul3A_233, %add3A_387 : i32
        %dma_start3A_389 = arith.constant 0 : i32
        %dma_start3A_390 = tpu.memref_slice %arg6[%add3A_388, %dma_start3A_389] : memref<32x128xi32, #tpu.memory_space<vmem>> -> memref<1x128xi32, #tpu.memory_space<vmem>>
        %dma_start3A_391 = tpu.memref_squeeze %dma_start3A_390 : memref<1x128xi32, #tpu.memory_space<vmem>> -> memref<128xi32, #tpu.memory_space<vmem>>
        %dma_start3A_392 = arith.constant 0 : i32
        %dma_start3A_393 = arith.constant 0 : i32
        %dma_start3A_394 = tpu.memref_slice %arg2[%dma_start3A_392, %dma_start3A_393] : memref<10112x128xf32, #tpu.memory_space<hbm>> -> memref<10112x128xf32, #tpu.memory_space<hbm>>
        tpu.enqueue_indirect_dma source(%dma_start3A_394 : memref<10112x128xf32, #tpu.memory_space<hbm>>) target(%arg12 : memref<128x128xf32, #tpu.memory_space<vmem>>) offsets(%dma_start3A_391 : memref<128xi32, #tpu.memory_space<vmem>>) semaphore(%arg15 : memref<!tpu.dma_semaphore, #tpu.memory_space<semaphore_mem>>)
      } else {
      }
    }
    %scan3A_150 = arith.constant 16 : i32
    %mul3A_151 = arith.constant 160 : i32
    %mul3A_152 = arith.muli %add3A, %mul3A_151 : i32
    %add3A_153 = arith.constant 96 : i32
    %add3A_154 = arith.addi %mul3A_152, %add3A_153 : i32
    %multiple_of3A_155 = tpu.assume_multiple %add3A_154, 8 : i32
    %dma_wait3A_156 = arith.constant 0 : i32
    %dma_wait3A_157 = tpu.memref_slice %arg3[%multiple_of3A_155, %dma_wait3A_156] : memref<5120x128xi32, #tpu.memory_space<hbm>> -> memref<32x128xi32, #tpu.memory_space<hbm>>
    %dma_wait3A_158 = arith.constant 0 : i32
    %dma_wait3A_159 = tpu.memref_slice %arg3[%multiple_of3A_155, %dma_wait3A_158] : memref<5120x128xi32, #tpu.memory_space<hbm>> -> memref<32x128xi32, #tpu.memory_space<hbm>>
    tpu.wait_dma2 semaphore(%arg16 : memref<!tpu.dma_semaphore, #tpu.memory_space<semaphore_mem>>) src(%dma_wait3A_159 : memref<32x128xi32, #tpu.memory_space<hbm>>) dst(%arg8 : memref<32x128xi32, #tpu.memory_space<vmem>>)
    %dma_wait3A_160 = arith.constant 0 : i32
    %dma_wait3A_161 = tpu.memref_slice %arg4[%multiple_of3A_155, %dma_wait3A_160] : memref<5120x128xi32, #tpu.memory_space<hbm>> -> memref<32x128xi32, #tpu.memory_space<hbm>>
    %dma_wait3A_162 = arith.constant 0 : i32
    %dma_wait3A_163 = tpu.memref_slice %arg4[%multiple_of3A_155, %dma_wait3A_162] : memref<5120x128xi32, #tpu.memory_space<hbm>> -> memref<32x128xi32, #tpu.memory_space<hbm>>
    tpu.wait_dma2 semaphore(%arg16 : memref<!tpu.dma_semaphore, #tpu.memory_space<semaphore_mem>>) src(%dma_wait3A_163 : memref<32x128xi32, #tpu.memory_space<hbm>>) dst(%arg9 : memref<32x128xi32, #tpu.memory_space<vmem>>)
    %mul3A_164 = arith.constant 160 : i32
    %mul3A_165 = arith.muli %add3A, %mul3A_164 : i32
    %add3A_166 = arith.constant 128 : i32
    %add3A_167 = arith.addi %mul3A_165, %add3A_166 : i32
    %multiple_of3A_168 = tpu.assume_multiple %add3A_167, 8 : i32
    %dma_start3A_169 = arith.constant 0 : i32
    %dma_start3A_170 = tpu.memref_slice %arg3[%multiple_of3A_168, %dma_start3A_169] : memref<5120x128xi32, #tpu.memory_space<hbm>> -> memref<32x128xi32, #tpu.memory_space<hbm>>
    %dma_start3A_171 = arith.constant 0 : i32
    %dma_start3A_172 = tpu.memref_slice %arg3[%multiple_of3A_168, %dma_start3A_171] : memref<5120x128xi32, #tpu.memory_space<hbm>> -> memref<32x128xi32, #tpu.memory_space<hbm>>
    tpu.enqueue_dma source(%dma_start3A_172 : memref<32x128xi32, #tpu.memory_space<hbm>>) target(%arg6 : memref<32x128xi32, #tpu.memory_space<vmem>>) target_semaphore(%arg16 : memref<!tpu.dma_semaphore, #tpu.memory_space<semaphore_mem>>)
    %dma_start3A_173 = arith.constant 0 : i32
    %dma_start3A_174 = tpu.memref_slice %arg4[%multiple_of3A_168, %dma_start3A_173] : memref<5120x128xi32, #tpu.memory_space<hbm>> -> memref<32x128xi32, #tpu.memory_space<hbm>>
    %dma_start3A_175 = arith.constant 0 : i32
    %dma_start3A_176 = tpu.memref_slice %arg4[%multiple_of3A_168, %dma_start3A_175] : memref<5120x128xi32, #tpu.memory_space<hbm>> -> memref<32x128xi32, #tpu.memory_space<hbm>>
    tpu.enqueue_dma source(%dma_start3A_176 : memref<32x128xi32, #tpu.memory_space<hbm>>) target(%arg7 : memref<32x128xi32, #tpu.memory_space<vmem>>) target_semaphore(%arg16 : memref<!tpu.dma_semaphore, #tpu.memory_space<semaphore_mem>>)
    %dma_start3A_177 = arith.constant 0 : i32
    %dma_start3A_178 = arith.constant 0 : i32
    %dma_start3A_179 = tpu.memref_slice %arg8[%dma_start3A_177, %dma_start3A_178] : memref<32x128xi32, #tpu.memory_space<vmem>> -> memref<1x128xi32, #tpu.memory_space<vmem>>
    %dma_start3A_180 = tpu.memref_squeeze %dma_start3A_179 : memref<1x128xi32, #tpu.memory_space<vmem>> -> memref<128xi32, #tpu.memory_space<vmem>>
    %dma_start3A_181 = arith.constant 0 : i32
    %dma_start3A_182 = arith.constant 0 : i32
    %dma_start3A_183 = tpu.memref_slice %arg2[%dma_start3A_181, %dma_start3A_182] : memref<10112x128xf32, #tpu.memory_space<hbm>> -> memref<10112x128xf32, #tpu.memory_space<hbm>>
    tpu.enqueue_indirect_dma source(%dma_start3A_183 : memref<10112x128xf32, #tpu.memory_space<hbm>>) target(%arg11 : memref<128x128xf32, #tpu.memory_space<vmem>>) offsets(%dma_start3A_180 : memref<128xi32, #tpu.memory_space<vmem>>) semaphore(%arg14 : memref<!tpu.dma_semaphore, #tpu.memory_space<semaphore_mem>>)
    %dma_start3A_184 = arith.constant 1 : i32
    %dma_start3A_185 = arith.constant 0 : i32
    %dma_start3A_186 = tpu.memref_slice %arg8[%dma_start3A_184, %dma_start3A_185] : memref<32x128xi32, #tpu.memory_space<vmem>> -> memref<1x128xi32, #tpu.memory_space<vmem>>
    %dma_start3A_187 = tpu.memref_squeeze %dma_start3A_186 : memref<1x128xi32, #tpu.memory_space<vmem>> -> memref<128xi32, #tpu.memory_space<vmem>>
    %dma_start3A_188 = arith.constant 0 : i32
    %dma_start3A_189 = arith.constant 0 : i32
    %dma_start3A_190 = tpu.memref_slice %arg2[%dma_start3A_188, %dma_start3A_189] : memref<10112x128xf32, #tpu.memory_space<hbm>> -> memref<10112x128xf32, #tpu.memory_space<hbm>>
    tpu.enqueue_indirect_dma source(%dma_start3A_190 : memref<10112x128xf32, #tpu.memory_space<hbm>>) target(%arg12 : memref<128x128xf32, #tpu.memory_space<vmem>>) offsets(%dma_start3A_187 : memref<128xi32, #tpu.memory_space<vmem>>) semaphore(%arg15 : memref<!tpu.dma_semaphore, #tpu.memory_space<semaphore_mem>>)
    %scan3A_191 = arith.constant 0 : i32
    %scan3A_192 = arith.constant 0 : i32
    %scan3A_193 = arith.constant 16 : i32
    %scan3A_194 = arith.addi %scan3A_192, %scan3A_193 : i32
    %scan3A_195 = arith.constant 1 : i32
    scf.for %scan3A_231 = %scan3A_192 to %scan3A_194 step %scan3A_195  : i32 {
      %mul3A_232 = arith.constant 2 : i32
      %mul3A_233 = arith.muli %scan3A_231, %mul3A_232 : i32
      %dma_wait3A_234 = arith.constant 0 : i32
      %dma_wait3A_235 = tpu.memref_slice %arg8[%mul3A_233, %dma_wait3A_234] : memref<32x128xi32, #tpu.memory_space<vmem>> -> memref<1x128xi32, #tpu.memory_space<vmem>>
      %dma_wait3A_236 = tpu.memref_squeeze %dma_wait3A_235 : memref<1x128xi32, #tpu.memory_space<vmem>> -> memref<128xi32, #tpu.memory_space<vmem>>
      %dma_wait3A_237 = arith.constant 0 : i32
      %dma_wait3A_238 = arith.constant 0 : i32
      %dma_wait3A_239 = tpu.memref_slice %arg2[%dma_wait3A_237, %dma_wait3A_238] : memref<10112x128xf32, #tpu.memory_space<hbm>> -> memref<10112x128xf32, #tpu.memory_space<hbm>>
      tpu.wait_indirect_dma semaphore(%arg14 : memref<!tpu.dma_semaphore, #tpu.memory_space<semaphore_mem>>) src(%dma_wait3A_239 : memref<10112x128xf32, #tpu.memory_space<hbm>>) dst(%arg11 : memref<128x128xf32, #tpu.memory_space<vmem>>)
      %get3A = arith.index_cast %mul3A_233 : i32 to index
      %get3A_240 = arith.constant 0 : index
      %get3A_241 = tpu.vector_load %arg9[%get3A, %get3A_240] {strides = array<i32>} : memref<32x128xi32, #tpu.memory_space<vmem>>, vector<1x16xi32>,
      %get3A_242 = vector.shape_cast %get3A_241 : vector<1x16xi32> to vector<16xi32>
      %swap3A = arith.constant 0 : index
      %swap3A_243 = tpu.vector_load %arg10[%swap3A] {strides = array<i32>} : memref<128xi32, #tpu.memory_space<vmem>>, vector<16xi32>,
      %swap3A_244 = vector.shape_cast %swap3A_243 : vector<16xi32> to vector<16xi32>
      %swap3A_245 = vector.shape_cast %get3A_242 : vector<16xi32> to vector<16xi32>
      tpu.vector_store %arg10[%swap3A], %swap3A_245 {strides = array<i32>} : memref<128xi32, #tpu.memory_space<vmem>>, vector<16xi32>,
      %get3A_246 = arith.index_cast %mul3A_233 : i32 to index
      %get3A_247 = arith.constant 16 : index
      %get3A_248 = tpu.vector_load %arg9[%get3A_246, %get3A_247] {strides = array<i32>} : memref<32x128xi32, #tpu.memory_space<vmem>>, vector<1x16xi32>,
      %get3A_249 = vector.shape_cast %get3A_248 : vector<1x16xi32> to vector<16xi32>
      %swap3A_250 = arith.constant 16 : index
      %swap3A_251 = tpu.vector_load %arg10[%swap3A_250] {strides = array<i32>} : memref<128xi32, #tpu.memory_space<vmem>>, vector<16xi32>,
      %swap3A_252 = vector.shape_cast %swap3A_251 : vector<16xi32> to vector<16xi32>
      %swap3A_253 = vector.shape_cast %get3A_249 : vector<16xi32> to vector<16xi32>
      tpu.vector_store %arg10[%swap3A_250], %swap3A_253 {strides = array<i32>} : memref<128xi32, #tpu.memory_space<vmem>>, vector<16xi32>,
      %get3A_254 = arith.index_cast %mul3A_233 : i32 to index
      %get3A_255 = arith.constant 32 : index
      %get3A_256 = tpu.vector_load %arg9[%get3A_254, %get3A_255] {strides = array<i32>} : memref<32x128xi32, #tpu.memory_space<vmem>>, vector<1x16xi32>,
      %get3A_257 = vector.shape_cast %get3A_256 : vector<1x16xi32> to vector<16xi32>
      %swap3A_258 = arith.constant 32 : index
      %swap3A_259 = tpu.vector_load %arg10[%swap3A_258] {strides = array<i32>} : memref<128xi32, #tpu.memory_space<vmem>>, vector<16xi32>,
      %swap3A_260 = vector.shape_cast %swap3A_259 : vector<16xi32> to vector<16xi32>
      %swap3A_261 = vector.shape_cast %get3A_257 : vector<16xi32> to vector<16xi32>
      tpu.vector_store %arg10[%swap3A_258], %swap3A_261 {strides = array<i32>} : memref<128xi32, #tpu.memory_space<vmem>>, vector<16xi32>,
      %get3A_262 = arith.index_cast %mul3A_233 : i32 to index
      %get3A_263 = arith.constant 48 : index
      %get3A_264 = tpu.vector_load %arg9[%get3A_262, %get3A_263] {strides = array<i32>} : memref<32x128xi32, #tpu.memory_space<vmem>>, vector<1x16xi32>,
      %get3A_265 = vector.shape_cast %get3A_264 : vector<1x16xi32> to vector<16xi32>
      %swap3A_266 = arith.constant 48 : index
      %swap3A_267 = tpu.vector_load %arg10[%swap3A_266] {strides = array<i32>} : memref<128xi32, #tpu.memory_space<vmem>>, vector<16xi32>,
      %swap3A_268 = vector.shape_cast %swap3A_267 : vector<16xi32> to vector<16xi32>
      %swap3A_269 = vector.shape_cast %get3A_265 : vector<16xi32> to vector<16xi32>
      tpu.vector_store %arg10[%swap3A_266], %swap3A_269 {strides = array<i32>} : memref<128xi32, #tpu.memory_space<vmem>>, vector<16xi32>,
      %get3A_270 = arith.index_cast %mul3A_233 : i32 to index
      %get3A_271 = arith.constant 64 : index
      %get3A_272 = tpu.vector_load %arg9[%get3A_270, %get3A_271] {strides = array<i32>} : memref<32x128xi32, #tpu.memory_space<vmem>>, vector<1x16xi32>,
      %get3A_273 = vector.shape_cast %get3A_272 : vector<1x16xi32> to vector<16xi32>
      %swap3A_274 = arith.constant 64 : index
      %swap3A_275 = tpu.vector_load %arg10[%swap3A_274] {strides = array<i32>} : memref<128xi32, #tpu.memory_space<vmem>>, vector<16xi32>,
      %swap3A_276 = vector.shape_cast %swap3A_275 : vector<16xi32> to vector<16xi32>
      %swap3A_277 = vector.shape_cast %get3A_273 : vector<16xi32> to vector<16xi32>
      tpu.vector_store %arg10[%swap3A_274], %swap3A_277 {strides = array<i32>} : memref<128xi32, #tpu.memory_space<vmem>>, vector<16xi32>,
      %get3A_278 = arith.index_cast %mul3A_233 : i32 to index
      %get3A_279 = arith.constant 80 : index
      %get3A_280 = tpu.vector_load %arg9[%get3A_278, %get3A_279] {strides = array<i32>} : memref<32x128xi32, #tpu.memory_space<vmem>>, vector<1x16xi32>,
      %get3A_281 = vector.shape_cast %get3A_280 : vector<1x16xi32> to vector<16xi32>
      %swap3A_282 = arith.constant 80 : index
      %swap3A_283 = tpu.vector_load %arg10[%swap3A_282] {strides = array<i32>} : memref<128xi32, #tpu.memory_space<vmem>>, vector<16xi32>,
      %swap3A_284 = vector.shape_cast %swap3A_283 : vector<16xi32> to vector<16xi32>
      %swap3A_285 = vector.shape_cast %get3A_281 : vector<16xi32> to vector<16xi32>
      tpu.vector_store %arg10[%swap3A_282], %swap3A_285 {strides = array<i32>} : memref<128xi32, #tpu.memory_space<vmem>>, vector<16xi32>,
      %get3A_286 = arith.index_cast %mul3A_233 : i32 to index
      %get3A_287 = arith.constant 96 : index
      %get3A_288 = tpu.vector_load %arg9[%get3A_286, %get3A_287] {strides = array<i32>} : memref<32x128xi32, #tpu.memory_space<vmem>>, vector<1x16xi32>,
      %get3A_289 = vector.shape_cast %get3A_288 : vector<1x16xi32> to vector<16xi32>
      %swap3A_290 = arith.constant 96 : index
      %swap3A_291 = tpu.vector_load %arg10[%swap3A_290] {strides = array<i32>} : memref<128xi32, #tpu.memory_space<vmem>>, vector<16xi32>,
      %swap3A_292 = vector.shape_cast %swap3A_291 : vector<16xi32> to vector<16xi32>
      %swap3A_293 = vector.shape_cast %get3A_289 : vector<16xi32> to vector<16xi32>
      tpu.vector_store %arg10[%swap3A_290], %swap3A_293 {strides = array<i32>} : memref<128xi32, #tpu.memory_space<vmem>>, vector<16xi32>,
      %get3A_294 = arith.index_cast %mul3A_233 : i32 to index
      %get3A_295 = arith.constant 112 : index
      %get3A_296 = tpu.vector_load %arg9[%get3A_294, %get3A_295] {strides = array<i32>} : memref<32x128xi32, #tpu.memory_space<vmem>>, vector<1x16xi32>,
      %get3A_297 = vector.shape_cast %get3A_296 : vector<1x16xi32> to vector<16xi32>
      %swap3A_298 = arith.constant 112 : index
      %swap3A_299 = tpu.vector_load %arg10[%swap3A_298] {strides = array<i32>} : memref<128xi32, #tpu.memory_space<vmem>>, vector<16xi32>,
      %swap3A_300 = vector.shape_cast %swap3A_299 : vector<16xi32> to vector<16xi32>
      %swap3A_301 = vector.shape_cast %get3A_297 : vector<16xi32> to vector<16xi32>
      tpu.vector_store %arg10[%swap3A_298], %swap3A_301 {strides = array<i32>} : memref<128xi32, #tpu.memory_space<vmem>>, vector<16xi32>,
      "tpu.region"() ({
        %run_scoped3A = tpu.sem_alloc : memref<!tpu.dma_semaphore, #tpu.memory_space<semaphore_mem>>
        %dma_start3A_387 = arith.constant 0 : i32
        %dma_start3A_388 = arith.constant 0 : i32
        %dma_start3A_389 = tpu.memref_slice %arg13[%dma_start3A_387, %dma_start3A_388] : memref<10112x128xf32, #tpu.memory_space<vmem_shared>> -> memref<10112x128xf32, #tpu.memory_space<vmem_shared>>
        tpu.enqueue_indirect_dma source(%arg11 : memref<128x128xf32, #tpu.memory_space<vmem>>) target(%dma_start3A_389 : memref<10112x128xf32, #tpu.memory_space<vmem_shared>>) offsets(%arg10 : memref<128xi32, #tpu.memory_space<vmem>>) semaphore(%run_scoped3A : memref<!tpu.dma_semaphore, #tpu.memory_space<semaphore_mem>>) {add = true}
        %dma_wait3A_390 = arith.constant 0 : i32
        %dma_wait3A_391 = arith.constant 0 : i32
        %dma_wait3A_392 = tpu.memref_slice %arg13[%dma_wait3A_390, %dma_wait3A_391] : memref<10112x128xf32, #tpu.memory_space<vmem_shared>> -> memref<10112x128xf32, #tpu.memory_space<vmem_shared>>
        tpu.wait_indirect_dma semaphore(%run_scoped3A : memref<!tpu.dma_semaphore, #tpu.memory_space<semaphore_mem>>) src(%arg11 : memref<128x128xf32, #tpu.memory_space<vmem>>) dst(%dma_wait3A_392 : memref<10112x128xf32, #tpu.memory_space<vmem_shared>>)
        tpu.yield
      }) : () -> ()
      %add3A_302 = arith.constant 2 : i32
      %add3A_303 = arith.addi %mul3A_233, %add3A_302 : i32
      %lt3A = arith.constant 32 : i32
      %lt3A_304 = arith.cmpi slt, %add3A_303, %lt3A : i32
      %convert_element_type3A = arith.extui %lt3A_304 : i1 to i32
      %cond3A = arith.constant 0 : i32
      %cond3A_305 = arith.cmpi ne, %convert_element_type3A, %cond3A : i32
      scf.if %cond3A_305 {
        %add3A_387 = arith.constant 2 : i32
        %add3A_388 = arith.addi %mul3A_233, %add3A_387 : i32
        %dma_start3A_389 = arith.constant 0 : i32
        %dma_start3A_390 = tpu.memref_slice %arg8[%add3A_388, %dma_start3A_389] : memref<32x128xi32, #tpu.memory_space<vmem>> -> memref<1x128xi32, #tpu.memory_space<vmem>>
        %dma_start3A_391 = tpu.memref_squeeze %dma_start3A_390 : memref<1x128xi32, #tpu.memory_space<vmem>> -> memref<128xi32, #tpu.memory_space<vmem>>
        %dma_start3A_392 = arith.constant 0 : i32
        %dma_start3A_393 = arith.constant 0 : i32
        %dma_start3A_394 = tpu.memref_slice %arg2[%dma_start3A_392, %dma_start3A_393] : memref<10112x128xf32, #tpu.memory_space<hbm>> -> memref<10112x128xf32, #tpu.memory_space<hbm>>
        tpu.enqueue_indirect_dma source(%dma_start3A_394 : memref<10112x128xf32, #tpu.memory_space<hbm>>) target(%arg11 : memref<128x128xf32, #tpu.memory_space<vmem>>) offsets(%dma_start3A_391 : memref<128xi32, #tpu.memory_space<vmem>>) semaphore(%arg14 : memref<!tpu.dma_semaphore, #tpu.memory_space<semaphore_mem>>)
      } else {
      }
      %add3A_306 = arith.constant 1 : i32
      %add3A_307 = arith.addi %mul3A_233, %add3A_306 : i32
      %dma_wait3A_308 = arith.constant 0 : i32
      %dma_wait3A_309 = tpu.memref_slice %arg8[%add3A_307, %dma_wait3A_308] : memref<32x128xi32, #tpu.memory_space<vmem>> -> memref<1x128xi32, #tpu.memory_space<vmem>>
      %dma_wait3A_310 = tpu.memref_squeeze %dma_wait3A_309 : memref<1x128xi32, #tpu.memory_space<vmem>> -> memref<128xi32, #tpu.memory_space<vmem>>
      %dma_wait3A_311 = arith.constant 0 : i32
      %dma_wait3A_312 = arith.constant 0 : i32
      %dma_wait3A_313 = tpu.memref_slice %arg2[%dma_wait3A_311, %dma_wait3A_312] : memref<10112x128xf32, #tpu.memory_space<hbm>> -> memref<10112x128xf32, #tpu.memory_space<hbm>>
      tpu.wait_indirect_dma semaphore(%arg15 : memref<!tpu.dma_semaphore, #tpu.memory_space<semaphore_mem>>) src(%dma_wait3A_313 : memref<10112x128xf32, #tpu.memory_space<hbm>>) dst(%arg12 : memref<128x128xf32, #tpu.memory_space<vmem>>)
      %add3A_314 = arith.constant 1 : i32
      %add3A_315 = arith.addi %mul3A_233, %add3A_314 : i32
      %get3A_316 = arith.index_cast %add3A_315 : i32 to index
      %get3A_317 = arith.constant 0 : index
      %get3A_318 = tpu.vector_load %arg9[%get3A_316, %get3A_317] {strides = array<i32>} : memref<32x128xi32, #tpu.memory_space<vmem>>, vector<1x16xi32>,
      %get3A_319 = vector.shape_cast %get3A_318 : vector<1x16xi32> to vector<16xi32>
      %swap3A_320 = arith.constant 0 : index
      %swap3A_321 = tpu.vector_load %arg10[%swap3A_320] {strides = array<i32>} : memref<128xi32, #tpu.memory_space<vmem>>, vector<16xi32>,
      %swap3A_322 = vector.shape_cast %swap3A_321 : vector<16xi32> to vector<16xi32>
      %swap3A_323 = vector.shape_cast %get3A_319 : vector<16xi32> to vector<16xi32>
      tpu.vector_store %arg10[%swap3A_320], %swap3A_323 {strides = array<i32>} : memref<128xi32, #tpu.memory_space<vmem>>, vector<16xi32>,
      %get3A_324 = arith.index_cast %add3A_315 : i32 to index
      %get3A_325 = arith.constant 16 : index
      %get3A_326 = tpu.vector_load %arg9[%get3A_324, %get3A_325] {strides = array<i32>} : memref<32x128xi32, #tpu.memory_space<vmem>>, vector<1x16xi32>,
      %get3A_327 = vector.shape_cast %get3A_326 : vector<1x16xi32> to vector<16xi32>
      %swap3A_328 = arith.constant 16 : index
      %swap3A_329 = tpu.vector_load %arg10[%swap3A_328] {strides = array<i32>} : memref<128xi32, #tpu.memory_space<vmem>>, vector<16xi32>,
      %swap3A_330 = vector.shape_cast %swap3A_329 : vector<16xi32> to vector<16xi32>
      %swap3A_331 = vector.shape_cast %get3A_327 : vector<16xi32> to vector<16xi32>
      tpu.vector_store %arg10[%swap3A_328], %swap3A_331 {strides = array<i32>} : memref<128xi32, #tpu.memory_space<vmem>>, vector<16xi32>,
      %get3A_332 = arith.index_cast %add3A_315 : i32 to index
      %get3A_333 = arith.constant 32 : index
      %get3A_334 = tpu.vector_load %arg9[%get3A_332, %get3A_333] {strides = array<i32>} : memref<32x128xi32, #tpu.memory_space<vmem>>, vector<1x16xi32>,
      %get3A_335 = vector.shape_cast %get3A_334 : vector<1x16xi32> to vector<16xi32>
      %swap3A_336 = arith.constant 32 : index
      %swap3A_337 = tpu.vector_load %arg10[%swap3A_336] {strides = array<i32>} : memref<128xi32, #tpu.memory_space<vmem>>, vector<16xi32>,
      %swap3A_338 = vector.shape_cast %swap3A_337 : vector<16xi32> to vector<16xi32>
      %swap3A_339 = vector.shape_cast %get3A_335 : vector<16xi32> to vector<16xi32>
      tpu.vector_store %arg10[%swap3A_336], %swap3A_339 {strides = array<i32>} : memref<128xi32, #tpu.memory_space<vmem>>, vector<16xi32>,
      %get3A_340 = arith.index_cast %add3A_315 : i32 to index
      %get3A_341 = arith.constant 48 : index
      %get3A_342 = tpu.vector_load %arg9[%get3A_340, %get3A_341] {strides = array<i32>} : memref<32x128xi32, #tpu.memory_space<vmem>>, vector<1x16xi32>,
      %get3A_343 = vector.shape_cast %get3A_342 : vector<1x16xi32> to vector<16xi32>
      %swap3A_344 = arith.constant 48 : index
      %swap3A_345 = tpu.vector_load %arg10[%swap3A_344] {strides = array<i32>} : memref<128xi32, #tpu.memory_space<vmem>>, vector<16xi32>,
      %swap3A_346 = vector.shape_cast %swap3A_345 : vector<16xi32> to vector<16xi32>
      %swap3A_347 = vector.shape_cast %get3A_343 : vector<16xi32> to vector<16xi32>
      tpu.vector_store %arg10[%swap3A_344], %swap3A_347 {strides = array<i32>} : memref<128xi32, #tpu.memory_space<vmem>>, vector<16xi32>,
      %get3A_348 = arith.index_cast %add3A_315 : i32 to index
      %get3A_349 = arith.constant 64 : index
      %get3A_350 = tpu.vector_load %arg9[%get3A_348, %get3A_349] {strides = array<i32>} : memref<32x128xi32, #tpu.memory_space<vmem>>, vector<1x16xi32>,
      %get3A_351 = vector.shape_cast %get3A_350 : vector<1x16xi32> to vector<16xi32>
      %swap3A_352 = arith.constant 64 : index
      %swap3A_353 = tpu.vector_load %arg10[%swap3A_352] {strides = array<i32>} : memref<128xi32, #tpu.memory_space<vmem>>, vector<16xi32>,
      %swap3A_354 = vector.shape_cast %swap3A_353 : vector<16xi32> to vector<16xi32>
      %swap3A_355 = vector.shape_cast %get3A_351 : vector<16xi32> to vector<16xi32>
      tpu.vector_store %arg10[%swap3A_352], %swap3A_355 {strides = array<i32>} : memref<128xi32, #tpu.memory_space<vmem>>, vector<16xi32>,
      %get3A_356 = arith.index_cast %add3A_315 : i32 to index
      %get3A_357 = arith.constant 80 : index
      %get3A_358 = tpu.vector_load %arg9[%get3A_356, %get3A_357] {strides = array<i32>} : memref<32x128xi32, #tpu.memory_space<vmem>>, vector<1x16xi32>,
      %get3A_359 = vector.shape_cast %get3A_358 : vector<1x16xi32> to vector<16xi32>
      %swap3A_360 = arith.constant 80 : index
      %swap3A_361 = tpu.vector_load %arg10[%swap3A_360] {strides = array<i32>} : memref<128xi32, #tpu.memory_space<vmem>>, vector<16xi32>,
      %swap3A_362 = vector.shape_cast %swap3A_361 : vector<16xi32> to vector<16xi32>
      %swap3A_363 = vector.shape_cast %get3A_359 : vector<16xi32> to vector<16xi32>
      tpu.vector_store %arg10[%swap3A_360], %swap3A_363 {strides = array<i32>} : memref<128xi32, #tpu.memory_space<vmem>>, vector<16xi32>,
      %get3A_364 = arith.index_cast %add3A_315 : i32 to index
      %get3A_365 = arith.constant 96 : index
      %get3A_366 = tpu.vector_load %arg9[%get3A_364, %get3A_365] {strides = array<i32>} : memref<32x128xi32, #tpu.memory_space<vmem>>, vector<1x16xi32>,
      %get3A_367 = vector.shape_cast %get3A_366 : vector<1x16xi32> to vector<16xi32>
      %swap3A_368 = arith.constant 96 : index
      %swap3A_369 = tpu.vector_load %arg10[%swap3A_368] {strides = array<i32>} : memref<128xi32, #tpu.memory_space<vmem>>, vector<16xi32>,
      %swap3A_370 = vector.shape_cast %swap3A_369 : vector<16xi32> to vector<16xi32>
      %swap3A_371 = vector.shape_cast %get3A_367 : vector<16xi32> to vector<16xi32>
      tpu.vector_store %arg10[%swap3A_368], %swap3A_371 {strides = array<i32>} : memref<128xi32, #tpu.memory_space<vmem>>, vector<16xi32>,
      %get3A_372 = arith.index_cast %add3A_315 : i32 to index
      %get3A_373 = arith.constant 112 : index
      %get3A_374 = tpu.vector_load %arg9[%get3A_372, %get3A_373] {strides = array<i32>} : memref<32x128xi32, #tpu.memory_space<vmem>>, vector<1x16xi32>,
      %get3A_375 = vector.shape_cast %get3A_374 : vector<1x16xi32> to vector<16xi32>
      %swap3A_376 = arith.constant 112 : index
      %swap3A_377 = tpu.vector_load %arg10[%swap3A_376] {strides = array<i32>} : memref<128xi32, #tpu.memory_space<vmem>>, vector<16xi32>,
      %swap3A_378 = vector.shape_cast %swap3A_377 : vector<16xi32> to vector<16xi32>
      %swap3A_379 = vector.shape_cast %get3A_375 : vector<16xi32> to vector<16xi32>
      tpu.vector_store %arg10[%swap3A_376], %swap3A_379 {strides = array<i32>} : memref<128xi32, #tpu.memory_space<vmem>>, vector<16xi32>,
      "tpu.region"() ({
        %run_scoped3A = tpu.sem_alloc : memref<!tpu.dma_semaphore, #tpu.memory_space<semaphore_mem>>
        %dma_start3A_387 = arith.constant 0 : i32
        %dma_start3A_388 = arith.constant 0 : i32
        %dma_start3A_389 = tpu.memref_slice %arg13[%dma_start3A_387, %dma_start3A_388] : memref<10112x128xf32, #tpu.memory_space<vmem_shared>> -> memref<10112x128xf32, #tpu.memory_space<vmem_shared>>
        tpu.enqueue_indirect_dma source(%arg12 : memref<128x128xf32, #tpu.memory_space<vmem>>) target(%dma_start3A_389 : memref<10112x128xf32, #tpu.memory_space<vmem_shared>>) offsets(%arg10 : memref<128xi32, #tpu.memory_space<vmem>>) semaphore(%run_scoped3A : memref<!tpu.dma_semaphore, #tpu.memory_space<semaphore_mem>>) {add = true}
        %dma_wait3A_390 = arith.constant 0 : i32
        %dma_wait3A_391 = arith.constant 0 : i32
        %dma_wait3A_392 = tpu.memref_slice %arg13[%dma_wait3A_390, %dma_wait3A_391] : memref<10112x128xf32, #tpu.memory_space<vmem_shared>> -> memref<10112x128xf32, #tpu.memory_space<vmem_shared>>
        tpu.wait_indirect_dma semaphore(%run_scoped3A : memref<!tpu.dma_semaphore, #tpu.memory_space<semaphore_mem>>) src(%arg12 : memref<128x128xf32, #tpu.memory_space<vmem>>) dst(%dma_wait3A_392 : memref<10112x128xf32, #tpu.memory_space<vmem_shared>>)
        tpu.yield
      }) : () -> ()
      %add3A_380 = arith.constant 3 : i32
      %add3A_381 = arith.addi %mul3A_233, %add3A_380 : i32
      %lt3A_382 = arith.constant 32 : i32
      %lt3A_383 = arith.cmpi slt, %add3A_381, %lt3A_382 : i32
      %convert_element_type3A_384 = arith.extui %lt3A_383 : i1 to i32
      %cond3A_385 = arith.constant 0 : i32
      %cond3A_386 = arith.cmpi ne, %convert_element_type3A_384, %cond3A_385 : i32
      scf.if %cond3A_386 {
        %add3A_387 = arith.constant 3 : i32
        %add3A_388 = arith.addi %mul3A_233, %add3A_387 : i32
        %dma_start3A_389 = arith.constant 0 : i32
        %dma_start3A_390 = tpu.memref_slice %arg8[%add3A_388, %dma_start3A_389] : memref<32x128xi32, #tpu.memory_space<vmem>> -> memref<1x128xi32, #tpu.memory_space<vmem>>
        %dma_start3A_391 = tpu.memref_squeeze %dma_start3A_390 : memref<1x128xi32, #tpu.memory_space<vmem>> -> memref<128xi32, #tpu.memory_space<vmem>>
        %dma_start3A_392 = arith.constant 0 : i32
        %dma_start3A_393 = arith.constant 0 : i32
        %dma_start3A_394 = tpu.memref_slice %arg2[%dma_start3A_392, %dma_start3A_393] : memref<10112x128xf32, #tpu.memory_space<hbm>> -> memref<10112x128xf32, #tpu.memory_space<hbm>>
        tpu.enqueue_indirect_dma source(%dma_start3A_394 : memref<10112x128xf32, #tpu.memory_space<hbm>>) target(%arg12 : memref<128x128xf32, #tpu.memory_space<vmem>>) offsets(%dma_start3A_391 : memref<128xi32, #tpu.memory_space<vmem>>) semaphore(%arg15 : memref<!tpu.dma_semaphore, #tpu.memory_space<semaphore_mem>>)
      } else {
      }
    }
    %scan3A_196 = arith.constant 16 : i32
    %mul3A_197 = arith.constant 160 : i32
    %mul3A_198 = arith.muli %add3A, %mul3A_197 : i32
    %add3A_199 = arith.constant 128 : i32
    %add3A_200 = arith.addi %mul3A_198, %add3A_199 : i32
    %multiple_of3A_201 = tpu.assume_multiple %add3A_200, 8 : i32
    %dma_wait3A_202 = arith.constant 0 : i32
    %dma_wait3A_203 = tpu.memref_slice %arg3[%multiple_of3A_201, %dma_wait3A_202] : memref<5120x128xi32, #tpu.memory_space<hbm>> -> memref<32x128xi32, #tpu.memory_space<hbm>>
    %dma_wait3A_204 = arith.constant 0 : i32
    %dma_wait3A_205 = tpu.memref_slice %arg3[%multiple_of3A_201, %dma_wait3A_204] : memref<5120x128xi32, #tpu.memory_space<hbm>> -> memref<32x128xi32, #tpu.memory_space<hbm>>
    tpu.wait_dma2 semaphore(%arg16 : memref<!tpu.dma_semaphore, #tpu.memory_space<semaphore_mem>>) src(%dma_wait3A_205 : memref<32x128xi32, #tpu.memory_space<hbm>>) dst(%arg6 : memref<32x128xi32, #tpu.memory_space<vmem>>)
    %dma_wait3A_206 = arith.constant 0 : i32
    %dma_wait3A_207 = tpu.memref_slice %arg4[%multiple_of3A_201, %dma_wait3A_206] : memref<5120x128xi32, #tpu.memory_space<hbm>> -> memref<32x128xi32, #tpu.memory_space<hbm>>
    %dma_wait3A_208 = arith.constant 0 : i32
    %dma_wait3A_209 = tpu.memref_slice %arg4[%multiple_of3A_201, %dma_wait3A_208] : memref<5120x128xi32, #tpu.memory_space<hbm>> -> memref<32x128xi32, #tpu.memory_space<hbm>>
    tpu.wait_dma2 semaphore(%arg16 : memref<!tpu.dma_semaphore, #tpu.memory_space<semaphore_mem>>) src(%dma_wait3A_209 : memref<32x128xi32, #tpu.memory_space<hbm>>) dst(%arg7 : memref<32x128xi32, #tpu.memory_space<vmem>>)
    %dma_start3A_210 = arith.constant 0 : i32
    %dma_start3A_211 = arith.constant 0 : i32
    %dma_start3A_212 = tpu.memref_slice %arg6[%dma_start3A_210, %dma_start3A_211] : memref<32x128xi32, #tpu.memory_space<vmem>> -> memref<1x128xi32, #tpu.memory_space<vmem>>
    %dma_start3A_213 = tpu.memref_squeeze %dma_start3A_212 : memref<1x128xi32, #tpu.memory_space<vmem>> -> memref<128xi32, #tpu.memory_space<vmem>>
    %dma_start3A_214 = arith.constant 0 : i32
    %dma_start3A_215 = arith.constant 0 : i32
    %dma_start3A_216 = tpu.memref_slice %arg2[%dma_start3A_214, %dma_start3A_215] : memref<10112x128xf32, #tpu.memory_space<hbm>> -> memref<10112x128xf32, #tpu.memory_space<hbm>>
    tpu.enqueue_indirect_dma source(%dma_start3A_216 : memref<10112x128xf32, #tpu.memory_space<hbm>>) target(%arg11 : memref<128x128xf32, #tpu.memory_space<vmem>>) offsets(%dma_start3A_213 : memref<128xi32, #tpu.memory_space<vmem>>) semaphore(%arg14 : memref<!tpu.dma_semaphore, #tpu.memory_space<semaphore_mem>>)
    %dma_start3A_217 = arith.constant 1 : i32
    %dma_start3A_218 = arith.constant 0 : i32
    %dma_start3A_219 = tpu.memref_slice %arg6[%dma_start3A_217, %dma_start3A_218] : memref<32x128xi32, #tpu.memory_space<vmem>> -> memref<1x128xi32, #tpu.memory_space<vmem>>
    %dma_start3A_220 = tpu.memref_squeeze %dma_start3A_219 : memref<1x128xi32, #tpu.memory_space<vmem>> -> memref<128xi32, #tpu.memory_space<vmem>>
    %dma_start3A_221 = arith.constant 0 : i32
    %dma_start3A_222 = arith.constant 0 : i32
    %dma_start3A_223 = tpu.memref_slice %arg2[%dma_start3A_221, %dma_start3A_222] : memref<10112x128xf32, #tpu.memory_space<hbm>> -> memref<10112x128xf32, #tpu.memory_space<hbm>>
    tpu.enqueue_indirect_dma source(%dma_start3A_223 : memref<10112x128xf32, #tpu.memory_space<hbm>>) target(%arg12 : memref<128x128xf32, #tpu.memory_space<vmem>>) offsets(%dma_start3A_220 : memref<128xi32, #tpu.memory_space<vmem>>) semaphore(%arg15 : memref<!tpu.dma_semaphore, #tpu.memory_space<semaphore_mem>>)
    %scan3A_224 = arith.constant 0 : i32
    %scan3A_225 = arith.constant 0 : i32
    %scan3A_226 = arith.constant 16 : i32
    %scan3A_227 = arith.addi %scan3A_225, %scan3A_226 : i32
    %scan3A_228 = arith.constant 1 : i32
    scf.for %scan3A_231 = %scan3A_225 to %scan3A_227 step %scan3A_228  : i32 {
      %mul3A_232 = arith.constant 2 : i32
      %mul3A_233 = arith.muli %scan3A_231, %mul3A_232 : i32
      %dma_wait3A_234 = arith.constant 0 : i32
      %dma_wait3A_235 = tpu.memref_slice %arg6[%mul3A_233, %dma_wait3A_234] : memref<32x128xi32, #tpu.memory_space<vmem>> -> memref<1x128xi32, #tpu.memory_space<vmem>>
      %dma_wait3A_236 = tpu.memref_squeeze %dma_wait3A_235 : memref<1x128xi32, #tpu.memory_space<vmem>> -> memref<128xi32, #tpu.memory_space<vmem>>
      %dma_wait3A_237 = arith.constant 0 : i32
      %dma_wait3A_238 = arith.constant 0 : i32
      %dma_wait3A_239 = tpu.memref_slice %arg2[%dma_wait3A_237, %dma_wait3A_238] : memref<10112x128xf32, #tpu.memory_space<hbm>> -> memref<10112x128xf32, #tpu.memory_space<hbm>>
      tpu.wait_indirect_dma semaphore(%arg14 : memref<!tpu.dma_semaphore, #tpu.memory_space<semaphore_mem>>) src(%dma_wait3A_239 : memref<10112x128xf32, #tpu.memory_space<hbm>>) dst(%arg11 : memref<128x128xf32, #tpu.memory_space<vmem>>)
      %get3A = arith.index_cast %mul3A_233 : i32 to index
      %get3A_240 = arith.constant 0 : index
      %get3A_241 = tpu.vector_load %arg7[%get3A, %get3A_240] {strides = array<i32>} : memref<32x128xi32, #tpu.memory_space<vmem>>, vector<1x16xi32>,
      %get3A_242 = vector.shape_cast %get3A_241 : vector<1x16xi32> to vector<16xi32>
      %swap3A = arith.constant 0 : index
      %swap3A_243 = tpu.vector_load %arg10[%swap3A] {strides = array<i32>} : memref<128xi32, #tpu.memory_space<vmem>>, vector<16xi32>,
      %swap3A_244 = vector.shape_cast %swap3A_243 : vector<16xi32> to vector<16xi32>
      %swap3A_245 = vector.shape_cast %get3A_242 : vector<16xi32> to vector<16xi32>
      tpu.vector_store %arg10[%swap3A], %swap3A_245 {strides = array<i32>} : memref<128xi32, #tpu.memory_space<vmem>>, vector<16xi32>,
      %get3A_246 = arith.index_cast %mul3A_233 : i32 to index
      %get3A_247 = arith.constant 16 : index
      %get3A_248 = tpu.vector_load %arg7[%get3A_246, %get3A_247] {strides = array<i32>} : memref<32x128xi32, #tpu.memory_space<vmem>>, vector<1x16xi32>,
      %get3A_249 = vector.shape_cast %get3A_248 : vector<1x16xi32> to vector<16xi32>
      %swap3A_250 = arith.constant 16 : index
      %swap3A_251 = tpu.vector_load %arg10[%swap3A_250] {strides = array<i32>} : memref<128xi32, #tpu.memory_space<vmem>>, vector<16xi32>,
      %swap3A_252 = vector.shape_cast %swap3A_251 : vector<16xi32> to vector<16xi32>
      %swap3A_253 = vector.shape_cast %get3A_249 : vector<16xi32> to vector<16xi32>
      tpu.vector_store %arg10[%swap3A_250], %swap3A_253 {strides = array<i32>} : memref<128xi32, #tpu.memory_space<vmem>>, vector<16xi32>,
      %get3A_254 = arith.index_cast %mul3A_233 : i32 to index
      %get3A_255 = arith.constant 32 : index
      %get3A_256 = tpu.vector_load %arg7[%get3A_254, %get3A_255] {strides = array<i32>} : memref<32x128xi32, #tpu.memory_space<vmem>>, vector<1x16xi32>,
      %get3A_257 = vector.shape_cast %get3A_256 : vector<1x16xi32> to vector<16xi32>
      %swap3A_258 = arith.constant 32 : index
      %swap3A_259 = tpu.vector_load %arg10[%swap3A_258] {strides = array<i32>} : memref<128xi32, #tpu.memory_space<vmem>>, vector<16xi32>,
      %swap3A_260 = vector.shape_cast %swap3A_259 : vector<16xi32> to vector<16xi32>
      %swap3A_261 = vector.shape_cast %get3A_257 : vector<16xi32> to vector<16xi32>
      tpu.vector_store %arg10[%swap3A_258], %swap3A_261 {strides = array<i32>} : memref<128xi32, #tpu.memory_space<vmem>>, vector<16xi32>,
      %get3A_262 = arith.index_cast %mul3A_233 : i32 to index
      %get3A_263 = arith.constant 48 : index
      %get3A_264 = tpu.vector_load %arg7[%get3A_262, %get3A_263] {strides = array<i32>} : memref<32x128xi32, #tpu.memory_space<vmem>>, vector<1x16xi32>,
      %get3A_265 = vector.shape_cast %get3A_264 : vector<1x16xi32> to vector<16xi32>
      %swap3A_266 = arith.constant 48 : index
      %swap3A_267 = tpu.vector_load %arg10[%swap3A_266] {strides = array<i32>} : memref<128xi32, #tpu.memory_space<vmem>>, vector<16xi32>,
      %swap3A_268 = vector.shape_cast %swap3A_267 : vector<16xi32> to vector<16xi32>
      %swap3A_269 = vector.shape_cast %get3A_265 : vector<16xi32> to vector<16xi32>
      tpu.vector_store %arg10[%swap3A_266], %swap3A_269 {strides = array<i32>} : memref<128xi32, #tpu.memory_space<vmem>>, vector<16xi32>,
      %get3A_270 = arith.index_cast %mul3A_233 : i32 to index
      %get3A_271 = arith.constant 64 : index
      %get3A_272 = tpu.vector_load %arg7[%get3A_270, %get3A_271] {strides = array<i32>} : memref<32x128xi32, #tpu.memory_space<vmem>>, vector<1x16xi32>,
      %get3A_273 = vector.shape_cast %get3A_272 : vector<1x16xi32> to vector<16xi32>
      %swap3A_274 = arith.constant 64 : index
      %swap3A_275 = tpu.vector_load %arg10[%swap3A_274] {strides = array<i32>} : memref<128xi32, #tpu.memory_space<vmem>>, vector<16xi32>,
      %swap3A_276 = vector.shape_cast %swap3A_275 : vector<16xi32> to vector<16xi32>
      %swap3A_277 = vector.shape_cast %get3A_273 : vector<16xi32> to vector<16xi32>
      tpu.vector_store %arg10[%swap3A_274], %swap3A_277 {strides = array<i32>} : memref<128xi32, #tpu.memory_space<vmem>>, vector<16xi32>,
      %get3A_278 = arith.index_cast %mul3A_233 : i32 to index
      %get3A_279 = arith.constant 80 : index
      %get3A_280 = tpu.vector_load %arg7[%get3A_278, %get3A_279] {strides = array<i32>} : memref<32x128xi32, #tpu.memory_space<vmem>>, vector<1x16xi32>,
      %get3A_281 = vector.shape_cast %get3A_280 : vector<1x16xi32> to vector<16xi32>
      %swap3A_282 = arith.constant 80 : index
      %swap3A_283 = tpu.vector_load %arg10[%swap3A_282] {strides = array<i32>} : memref<128xi32, #tpu.memory_space<vmem>>, vector<16xi32>,
      %swap3A_284 = vector.shape_cast %swap3A_283 : vector<16xi32> to vector<16xi32>
      %swap3A_285 = vector.shape_cast %get3A_281 : vector<16xi32> to vector<16xi32>
      tpu.vector_store %arg10[%swap3A_282], %swap3A_285 {strides = array<i32>} : memref<128xi32, #tpu.memory_space<vmem>>, vector<16xi32>,
      %get3A_286 = arith.index_cast %mul3A_233 : i32 to index
      %get3A_287 = arith.constant 96 : index
      %get3A_288 = tpu.vector_load %arg7[%get3A_286, %get3A_287] {strides = array<i32>} : memref<32x128xi32, #tpu.memory_space<vmem>>, vector<1x16xi32>,
      %get3A_289 = vector.shape_cast %get3A_288 : vector<1x16xi32> to vector<16xi32>
      %swap3A_290 = arith.constant 96 : index
      %swap3A_291 = tpu.vector_load %arg10[%swap3A_290] {strides = array<i32>} : memref<128xi32, #tpu.memory_space<vmem>>, vector<16xi32>,
      %swap3A_292 = vector.shape_cast %swap3A_291 : vector<16xi32> to vector<16xi32>
      %swap3A_293 = vector.shape_cast %get3A_289 : vector<16xi32> to vector<16xi32>
      tpu.vector_store %arg10[%swap3A_290], %swap3A_293 {strides = array<i32>} : memref<128xi32, #tpu.memory_space<vmem>>, vector<16xi32>,
      %get3A_294 = arith.index_cast %mul3A_233 : i32 to index
      %get3A_295 = arith.constant 112 : index
      %get3A_296 = tpu.vector_load %arg7[%get3A_294, %get3A_295] {strides = array<i32>} : memref<32x128xi32, #tpu.memory_space<vmem>>, vector<1x16xi32>,
      %get3A_297 = vector.shape_cast %get3A_296 : vector<1x16xi32> to vector<16xi32>
      %swap3A_298 = arith.constant 112 : index
      %swap3A_299 = tpu.vector_load %arg10[%swap3A_298] {strides = array<i32>} : memref<128xi32, #tpu.memory_space<vmem>>, vector<16xi32>,
      %swap3A_300 = vector.shape_cast %swap3A_299 : vector<16xi32> to vector<16xi32>
      %swap3A_301 = vector.shape_cast %get3A_297 : vector<16xi32> to vector<16xi32>
      tpu.vector_store %arg10[%swap3A_298], %swap3A_301 {strides = array<i32>} : memref<128xi32, #tpu.memory_space<vmem>>, vector<16xi32>,
      "tpu.region"() ({
        %run_scoped3A = tpu.sem_alloc : memref<!tpu.dma_semaphore, #tpu.memory_space<semaphore_mem>>
        %dma_start3A_387 = arith.constant 0 : i32
        %dma_start3A_388 = arith.constant 0 : i32
        %dma_start3A_389 = tpu.memref_slice %arg13[%dma_start3A_387, %dma_start3A_388] : memref<10112x128xf32, #tpu.memory_space<vmem_shared>> -> memref<10112x128xf32, #tpu.memory_space<vmem_shared>>
        tpu.enqueue_indirect_dma source(%arg11 : memref<128x128xf32, #tpu.memory_space<vmem>>) target(%dma_start3A_389 : memref<10112x128xf32, #tpu.memory_space<vmem_shared>>) offsets(%arg10 : memref<128xi32, #tpu.memory_space<vmem>>) semaphore(%run_scoped3A : memref<!tpu.dma_semaphore, #tpu.memory_space<semaphore_mem>>) {add = true}
        %dma_wait3A_390 = arith.constant 0 : i32
        %dma_wait3A_391 = arith.constant 0 : i32
        %dma_wait3A_392 = tpu.memref_slice %arg13[%dma_wait3A_390, %dma_wait3A_391] : memref<10112x128xf32, #tpu.memory_space<vmem_shared>> -> memref<10112x128xf32, #tpu.memory_space<vmem_shared>>
        tpu.wait_indirect_dma semaphore(%run_scoped3A : memref<!tpu.dma_semaphore, #tpu.memory_space<semaphore_mem>>) src(%arg11 : memref<128x128xf32, #tpu.memory_space<vmem>>) dst(%dma_wait3A_392 : memref<10112x128xf32, #tpu.memory_space<vmem_shared>>)
        tpu.yield
      }) : () -> ()
      %add3A_302 = arith.constant 2 : i32
      %add3A_303 = arith.addi %mul3A_233, %add3A_302 : i32
      %lt3A = arith.constant 32 : i32
      %lt3A_304 = arith.cmpi slt, %add3A_303, %lt3A : i32
      %convert_element_type3A = arith.extui %lt3A_304 : i1 to i32
      %cond3A = arith.constant 0 : i32
      %cond3A_305 = arith.cmpi ne, %convert_element_type3A, %cond3A : i32
      scf.if %cond3A_305 {
        %add3A_387 = arith.constant 2 : i32
        %add3A_388 = arith.addi %mul3A_233, %add3A_387 : i32
        %dma_start3A_389 = arith.constant 0 : i32
        %dma_start3A_390 = tpu.memref_slice %arg6[%add3A_388, %dma_start3A_389] : memref<32x128xi32, #tpu.memory_space<vmem>> -> memref<1x128xi32, #tpu.memory_space<vmem>>
        %dma_start3A_391 = tpu.memref_squeeze %dma_start3A_390 : memref<1x128xi32, #tpu.memory_space<vmem>> -> memref<128xi32, #tpu.memory_space<vmem>>
        %dma_start3A_392 = arith.constant 0 : i32
        %dma_start3A_393 = arith.constant 0 : i32
        %dma_start3A_394 = tpu.memref_slice %arg2[%dma_start3A_392, %dma_start3A_393] : memref<10112x128xf32, #tpu.memory_space<hbm>> -> memref<10112x128xf32, #tpu.memory_space<hbm>>
        tpu.enqueue_indirect_dma source(%dma_start3A_394 : memref<10112x128xf32, #tpu.memory_space<hbm>>) target(%arg11 : memref<128x128xf32, #tpu.memory_space<vmem>>) offsets(%dma_start3A_391 : memref<128xi32, #tpu.memory_space<vmem>>) semaphore(%arg14 : memref<!tpu.dma_semaphore, #tpu.memory_space<semaphore_mem>>)
      } else {
      }
      %add3A_306 = arith.constant 1 : i32
      %add3A_307 = arith.addi %mul3A_233, %add3A_306 : i32
      %dma_wait3A_308 = arith.constant 0 : i32
      %dma_wait3A_309 = tpu.memref_slice %arg6[%add3A_307, %dma_wait3A_308] : memref<32x128xi32, #tpu.memory_space<vmem>> -> memref<1x128xi32, #tpu.memory_space<vmem>>
      %dma_wait3A_310 = tpu.memref_squeeze %dma_wait3A_309 : memref<1x128xi32, #tpu.memory_space<vmem>> -> memref<128xi32, #tpu.memory_space<vmem>>
      %dma_wait3A_311 = arith.constant 0 : i32
      %dma_wait3A_312 = arith.constant 0 : i32
      %dma_wait3A_313 = tpu.memref_slice %arg2[%dma_wait3A_311, %dma_wait3A_312] : memref<10112x128xf32, #tpu.memory_space<hbm>> -> memref<10112x128xf32, #tpu.memory_space<hbm>>
      tpu.wait_indirect_dma semaphore(%arg15 : memref<!tpu.dma_semaphore, #tpu.memory_space<semaphore_mem>>) src(%dma_wait3A_313 : memref<10112x128xf32, #tpu.memory_space<hbm>>) dst(%arg12 : memref<128x128xf32, #tpu.memory_space<vmem>>)
      %add3A_314 = arith.constant 1 : i32
      %add3A_315 = arith.addi %mul3A_233, %add3A_314 : i32
      %get3A_316 = arith.index_cast %add3A_315 : i32 to index
      %get3A_317 = arith.constant 0 : index
      %get3A_318 = tpu.vector_load %arg7[%get3A_316, %get3A_317] {strides = array<i32>} : memref<32x128xi32, #tpu.memory_space<vmem>>, vector<1x16xi32>,
      %get3A_319 = vector.shape_cast %get3A_318 : vector<1x16xi32> to vector<16xi32>
      %swap3A_320 = arith.constant 0 : index
      %swap3A_321 = tpu.vector_load %arg10[%swap3A_320] {strides = array<i32>} : memref<128xi32, #tpu.memory_space<vmem>>, vector<16xi32>,
      %swap3A_322 = vector.shape_cast %swap3A_321 : vector<16xi32> to vector<16xi32>
      %swap3A_323 = vector.shape_cast %get3A_319 : vector<16xi32> to vector<16xi32>
      tpu.vector_store %arg10[%swap3A_320], %swap3A_323 {strides = array<i32>} : memref<128xi32, #tpu.memory_space<vmem>>, vector<16xi32>,
      %get3A_324 = arith.index_cast %add3A_315 : i32 to index
      %get3A_325 = arith.constant 16 : index
      %get3A_326 = tpu.vector_load %arg7[%get3A_324, %get3A_325] {strides = array<i32>} : memref<32x128xi32, #tpu.memory_space<vmem>>, vector<1x16xi32>,
      %get3A_327 = vector.shape_cast %get3A_326 : vector<1x16xi32> to vector<16xi32>
      %swap3A_328 = arith.constant 16 : index
      %swap3A_329 = tpu.vector_load %arg10[%swap3A_328] {strides = array<i32>} : memref<128xi32, #tpu.memory_space<vmem>>, vector<16xi32>,
      %swap3A_330 = vector.shape_cast %swap3A_329 : vector<16xi32> to vector<16xi32>
      %swap3A_331 = vector.shape_cast %get3A_327 : vector<16xi32> to vector<16xi32>
      tpu.vector_store %arg10[%swap3A_328], %swap3A_331 {strides = array<i32>} : memref<128xi32, #tpu.memory_space<vmem>>, vector<16xi32>,
      %get3A_332 = arith.index_cast %add3A_315 : i32 to index
      %get3A_333 = arith.constant 32 : index
      %get3A_334 = tpu.vector_load %arg7[%get3A_332, %get3A_333] {strides = array<i32>} : memref<32x128xi32, #tpu.memory_space<vmem>>, vector<1x16xi32>,
      %get3A_335 = vector.shape_cast %get3A_334 : vector<1x16xi32> to vector<16xi32>
      %swap3A_336 = arith.constant 32 : index
      %swap3A_337 = tpu.vector_load %arg10[%swap3A_336] {strides = array<i32>} : memref<128xi32, #tpu.memory_space<vmem>>, vector<16xi32>,
      %swap3A_338 = vector.shape_cast %swap3A_337 : vector<16xi32> to vector<16xi32>
      %swap3A_339 = vector.shape_cast %get3A_335 : vector<16xi32> to vector<16xi32>
      tpu.vector_store %arg10[%swap3A_336], %swap3A_339 {strides = array<i32>} : memref<128xi32, #tpu.memory_space<vmem>>, vector<16xi32>,
      %get3A_340 = arith.index_cast %add3A_315 : i32 to index
      %get3A_341 = arith.constant 48 : index
      %get3A_342 = tpu.vector_load %arg7[%get3A_340, %get3A_341] {strides = array<i32>} : memref<32x128xi32, #tpu.memory_space<vmem>>, vector<1x16xi32>,
      %get3A_343 = vector.shape_cast %get3A_342 : vector<1x16xi32> to vector<16xi32>
      %swap3A_344 = arith.constant 48 : index
      %swap3A_345 = tpu.vector_load %arg10[%swap3A_344] {strides = array<i32>} : memref<128xi32, #tpu.memory_space<vmem>>, vector<16xi32>,
      %swap3A_346 = vector.shape_cast %swap3A_345 : vector<16xi32> to vector<16xi32>
      %swap3A_347 = vector.shape_cast %get3A_343 : vector<16xi32> to vector<16xi32>
      tpu.vector_store %arg10[%swap3A_344], %swap3A_347 {strides = array<i32>} : memref<128xi32, #tpu.memory_space<vmem>>, vector<16xi32>,
      %get3A_348 = arith.index_cast %add3A_315 : i32 to index
      %get3A_349 = arith.constant 64 : index
      %get3A_350 = tpu.vector_load %arg7[%get3A_348, %get3A_349] {strides = array<i32>} : memref<32x128xi32, #tpu.memory_space<vmem>>, vector<1x16xi32>,
      %get3A_351 = vector.shape_cast %get3A_350 : vector<1x16xi32> to vector<16xi32>
      %swap3A_352 = arith.constant 64 : index
      %swap3A_353 = tpu.vector_load %arg10[%swap3A_352] {strides = array<i32>} : memref<128xi32, #tpu.memory_space<vmem>>, vector<16xi32>,
      %swap3A_354 = vector.shape_cast %swap3A_353 : vector<16xi32> to vector<16xi32>
      %swap3A_355 = vector.shape_cast %get3A_351 : vector<16xi32> to vector<16xi32>
      tpu.vector_store %arg10[%swap3A_352], %swap3A_355 {strides = array<i32>} : memref<128xi32, #tpu.memory_space<vmem>>, vector<16xi32>,
      %get3A_356 = arith.index_cast %add3A_315 : i32 to index
      %get3A_357 = arith.constant 80 : index
      %get3A_358 = tpu.vector_load %arg7[%get3A_356, %get3A_357] {strides = array<i32>} : memref<32x128xi32, #tpu.memory_space<vmem>>, vector<1x16xi32>,
      %get3A_359 = vector.shape_cast %get3A_358 : vector<1x16xi32> to vector<16xi32>
      %swap3A_360 = arith.constant 80 : index
      %swap3A_361 = tpu.vector_load %arg10[%swap3A_360] {strides = array<i32>} : memref<128xi32, #tpu.memory_space<vmem>>, vector<16xi32>,
      %swap3A_362 = vector.shape_cast %swap3A_361 : vector<16xi32> to vector<16xi32>
      %swap3A_363 = vector.shape_cast %get3A_359 : vector<16xi32> to vector<16xi32>
      tpu.vector_store %arg10[%swap3A_360], %swap3A_363 {strides = array<i32>} : memref<128xi32, #tpu.memory_space<vmem>>, vector<16xi32>,
      %get3A_364 = arith.index_cast %add3A_315 : i32 to index
      %get3A_365 = arith.constant 96 : index
      %get3A_366 = tpu.vector_load %arg7[%get3A_364, %get3A_365] {strides = array<i32>} : memref<32x128xi32, #tpu.memory_space<vmem>>, vector<1x16xi32>,
      %get3A_367 = vector.shape_cast %get3A_366 : vector<1x16xi32> to vector<16xi32>
      %swap3A_368 = arith.constant 96 : index
      %swap3A_369 = tpu.vector_load %arg10[%swap3A_368] {strides = array<i32>} : memref<128xi32, #tpu.memory_space<vmem>>, vector<16xi32>,
      %swap3A_370 = vector.shape_cast %swap3A_369 : vector<16xi32> to vector<16xi32>
      %swap3A_371 = vector.shape_cast %get3A_367 : vector<16xi32> to vector<16xi32>
      tpu.vector_store %arg10[%swap3A_368], %swap3A_371 {strides = array<i32>} : memref<128xi32, #tpu.memory_space<vmem>>, vector<16xi32>,
      %get3A_372 = arith.index_cast %add3A_315 : i32 to index
      %get3A_373 = arith.constant 112 : index
      %get3A_374 = tpu.vector_load %arg7[%get3A_372, %get3A_373] {strides = array<i32>} : memref<32x128xi32, #tpu.memory_space<vmem>>, vector<1x16xi32>,
      %get3A_375 = vector.shape_cast %get3A_374 : vector<1x16xi32> to vector<16xi32>
      %swap3A_376 = arith.constant 112 : index
      %swap3A_377 = tpu.vector_load %arg10[%swap3A_376] {strides = array<i32>} : memref<128xi32, #tpu.memory_space<vmem>>, vector<16xi32>,
      %swap3A_378 = vector.shape_cast %swap3A_377 : vector<16xi32> to vector<16xi32>
      %swap3A_379 = vector.shape_cast %get3A_375 : vector<16xi32> to vector<16xi32>
      tpu.vector_store %arg10[%swap3A_376], %swap3A_379 {strides = array<i32>} : memref<128xi32, #tpu.memory_space<vmem>>, vector<16xi32>,
      "tpu.region"() ({
        %run_scoped3A = tpu.sem_alloc : memref<!tpu.dma_semaphore, #tpu.memory_space<semaphore_mem>>
        %dma_start3A_387 = arith.constant 0 : i32
        %dma_start3A_388 = arith.constant 0 : i32
        %dma_start3A_389 = tpu.memref_slice %arg13[%dma_start3A_387, %dma_start3A_388] : memref<10112x128xf32, #tpu.memory_space<vmem_shared>> -> memref<10112x128xf32, #tpu.memory_space<vmem_shared>>
        tpu.enqueue_indirect_dma source(%arg12 : memref<128x128xf32, #tpu.memory_space<vmem>>) target(%dma_start3A_389 : memref<10112x128xf32, #tpu.memory_space<vmem_shared>>) offsets(%arg10 : memref<128xi32, #tpu.memory_space<vmem>>) semaphore(%run_scoped3A : memref<!tpu.dma_semaphore, #tpu.memory_space<semaphore_mem>>) {add = true}
        %dma_wait3A_390 = arith.constant 0 : i32
        %dma_wait3A_391 = arith.constant 0 : i32
        %dma_wait3A_392 = tpu.memref_slice %arg13[%dma_wait3A_390, %dma_wait3A_391] : memref<10112x128xf32, #tpu.memory_space<vmem_shared>> -> memref<10112x128xf32, #tpu.memory_space<vmem_shared>>
        tpu.wait_indirect_dma semaphore(%run_scoped3A : memref<!tpu.dma_semaphore, #tpu.memory_space<semaphore_mem>>) src(%arg12 : memref<128x128xf32, #tpu.memory_space<vmem>>) dst(%dma_wait3A_392 : memref<10112x128xf32, #tpu.memory_space<vmem_shared>>)
        tpu.yield
      }) : () -> ()
      %add3A_380 = arith.constant 3 : i32
      %add3A_381 = arith.addi %mul3A_233, %add3A_380 : i32
      %lt3A_382 = arith.constant 32 : i32
      %lt3A_383 = arith.cmpi slt, %add3A_381, %lt3A_382 : i32
      %convert_element_type3A_384 = arith.extui %lt3A_383 : i1 to i32
      %cond3A_385 = arith.constant 0 : i32
      %cond3A_386 = arith.cmpi ne, %convert_element_type3A_384, %cond3A_385 : i32
      scf.if %cond3A_386 {
        %add3A_387 = arith.constant 3 : i32
        %add3A_388 = arith.addi %mul3A_233, %add3A_387 : i32
        %dma_start3A_389 = arith.constant 0 : i32
        %dma_start3A_390 = tpu.memref_slice %arg6[%add3A_388, %dma_start3A_389] : memref<32x128xi32, #tpu.memory_space<vmem>> -> memref<1x128xi32, #tpu.memory_space<vmem>>
        %dma_start3A_391 = tpu.memref_squeeze %dma_start3A_390 : memref<1x128xi32, #tpu.memory_space<vmem>> -> memref<128xi32, #tpu.memory_space<vmem>>
        %dma_start3A_392 = arith.constant 0 : i32
        %dma_start3A_393 = arith.constant 0 : i32
        %dma_start3A_394 = tpu.memref_slice %arg2[%dma_start3A_392, %dma_start3A_393] : memref<10112x128xf32, #tpu.memory_space<hbm>> -> memref<10112x128xf32, #tpu.memory_space<hbm>>
        tpu.enqueue_indirect_dma source(%dma_start3A_394 : memref<10112x128xf32, #tpu.memory_space<hbm>>) target(%arg12 : memref<128x128xf32, #tpu.memory_space<vmem>>) offsets(%dma_start3A_391 : memref<128xi32, #tpu.memory_space<vmem>>) semaphore(%arg15 : memref<!tpu.dma_semaphore, #tpu.memory_space<semaphore_mem>>)
      } else {
      }
    }
    %scan3A_229 = arith.constant 16 : i32
    %barrier3A_230 = arith.constant 0 : index
    tpu.barrier barrier_id(%barrier3A_230)
    "tpu.region"() ({
      %run_scoped3A = tpu.sem_alloc : memref<!tpu.dma_semaphore, #tpu.memory_space<semaphore_mem>>
      %dma_start3A_231 = arith.constant 0 : i32
      %dma_start3A_232 = tpu.memref_slice %arg5[%arg0, %multiple_of3A_14, %dma_start3A_231] : memref<2x10112x128xf32, #tpu.memory_space<hbm>> -> memref<1x632x128xf32, #tpu.memory_space<hbm>>
      %dma_start3A_233 = tpu.memref_squeeze %dma_start3A_232 : memref<1x632x128xf32, #tpu.memory_space<hbm>> -> memref<632x128xf32, #tpu.memory_space<hbm>>
      %dma_start3A_234 = arith.constant 0 : i32
      %dma_start3A_235 = tpu.memref_slice %arg13[%multiple_of3A_14, %dma_start3A_234] : memref<10112x128xf32, #tpu.memory_space<vmem_shared>> -> memref<632x128xf32, #tpu.memory_space<vmem_shared>>
      tpu.enqueue_dma source(%dma_start3A_235 : memref<632x128xf32, #tpu.memory_space<vmem_shared>>) target(%dma_start3A_233 : memref<632x128xf32, #tpu.memory_space<hbm>>) target_semaphore(%run_scoped3A : memref<!tpu.dma_semaphore, #tpu.memory_space<semaphore_mem>>)
      %dma_wait3A_236 = arith.constant 0 : i32
      %dma_wait3A_237 = tpu.memref_slice %arg5[%arg0, %multiple_of3A_14, %dma_wait3A_236] : memref<2x10112x128xf32, #tpu.memory_space<hbm>> -> memref<1x632x128xf32, #tpu.memory_space<hbm>>
      %dma_wait3A_238 = tpu.memref_squeeze %dma_wait3A_237 : memref<1x632x128xf32, #tpu.memory_space<hbm>> -> memref<632x128xf32, #tpu.memory_space<hbm>>
      %dma_wait3A_239 = arith.constant 0 : i32
      %dma_wait3A_240 = tpu.memref_slice %arg13[%multiple_of3A_14, %dma_wait3A_239] : memref<10112x128xf32, #tpu.memory_space<vmem_shared>> -> memref<632x128xf32, #tpu.memory_space<vmem_shared>>
      tpu.wait_dma2 semaphore(%run_scoped3A : memref<!tpu.dma_semaphore, #tpu.memory_space<semaphore_mem>>) src(%dma_wait3A_240 : memref<632x128xf32, #tpu.memory_space<vmem_shared>>) dst(%dma_wait3A_238 : memref<632x128xf32, #tpu.memory_space<hbm>>)
      tpu.yield
    }) : () -> ()
    return
  }
}

module attributes {stable_mosaic.version = 14 : i64} {
  func.func @_tail_body(%arg0: memref<2x10112x128xf32, #tpu.memory_space<vmem>>, %arg1: memref<10112x128xf32, #tpu.memory_space<vmem>>, %arg2: memref<128x64xf32, #tpu.memory_space<vmem>>, %arg3: memref<1x64xf32, #tpu.memory_space<vmem>>, %arg4: memref<64x64xf32, #tpu.memory_space<vmem>>, %arg5: memref<1x64xf32, #tpu.memory_space<vmem>>, %arg6: memref<1x64xf32, #tpu.memory_space<vmem>>, %arg7: memref<1x64xf32, #tpu.memory_space<vmem>>, %arg8: memref<10112x1xi32, #tpu.memory_space<vmem>>, %arg9: memref<64x2xf32, #tpu.memory_space<vmem>>, %arg10: memref<1x2xf32, #tpu.memory_space<vmem>>, %arg11: memref<86x2xf32, #tpu.memory_space<vmem>>, %arg12: memref<86x64xf32, #tpu.memory_space<vmem>>) attributes {dimension_semantics = [], scalar_prefetch = 0 : i64, scratch_operands = 0 : i64, tpu.core_type = #tpu.core_type<tc>} {
    %get3A = arith.constant 0 : index
    %get3A_0 = arith.constant 0 : index
    %get3A_1 = arith.constant 0 : index
    %get3A_2 = vector.load %arg0[%get3A, %get3A_0, %get3A_1] : memref<2x10112x128xf32, #tpu.memory_space<vmem>>, vector<1x10112x128xf32>
    %get3A_3 = vector.shape_cast %get3A_2 : vector<1x10112x128xf32> to vector<10112x128xf32>
    %get3A_4 = arith.constant 1 : index
    %get3A_5 = arith.constant 0 : index
    %get3A_6 = arith.constant 0 : index
    %get3A_7 = vector.load %arg0[%get3A_4, %get3A_5, %get3A_6] : memref<2x10112x128xf32, #tpu.memory_space<vmem>>, vector<1x10112x128xf32>
    %get3A_8 = vector.shape_cast %get3A_7 : vector<1x10112x128xf32> to vector<10112x128xf32>
    %add3A = arith.addf %get3A_3, %get3A_8 : vector<10112x128xf32>
    %get3A_9 = arith.constant 0 : index
    %get3A_10 = arith.constant 0 : index
    %get3A_11 = vector.load %arg1[%get3A_9, %get3A_10] : memref<10112x128xf32, #tpu.memory_space<vmem>>, vector<10112x128xf32>
    %sub3A = arith.subf %add3A, %get3A_11 : vector<10112x128xf32>
    %get3A_12 = arith.constant 0 : index
    %get3A_13 = arith.constant 0 : index
    %get3A_14 = vector.load %arg2[%get3A_12, %get3A_13] : memref<128x64xf32, #tpu.memory_space<vmem>>, vector<128x64xf32>
    %dot_general3A = arith.constant dense<0.000000e+00> : vector<10112x64xf32>
    %dot_general3A_15 = tpu.matmul %sub3A, %get3A_14, %dot_general3A {dimension_numbers = #tpu.dot_dimension_numbers<[1], [0], [0], [1], [0, 0, 1, 1], [], []>, transpose_lhs_hint = false} : vector<10112x128xf32>, vector<128x64xf32>, vector<10112x64xf32> -> vector<10112x64xf32>
    %get3A_16 = arith.constant 0 : index
    %get3A_17 = arith.constant 0 : index
    %get3A_18 = vector.load %arg3[%get3A_16, %get3A_17] : memref<1x64xf32, #tpu.memory_space<vmem>>, vector<1x64xf32>
    %add3A_19 = vector.broadcast %get3A_18 : vector<1x64xf32> to vector<10112x64xf32>
    %add3A_20 = arith.addf %dot_general3A_15, %add3A_19 : vector<10112x64xf32>
    %max3A = arith.constant 0.000000e+00 : f32
    %max3A_21 = vector.broadcast %max3A : f32 to vector<10112x64xf32>
    %max3A_22 = arith.maximumf %add3A_20, %max3A_21 : vector<10112x64xf32>
    %get3A_23 = arith.constant 0 : index
    %get3A_24 = arith.constant 0 : index
    %get3A_25 = vector.load %arg4[%get3A_23, %get3A_24] : memref<64x64xf32, #tpu.memory_space<vmem>>, vector<64x64xf32>
    %dot_general3A_26 = arith.constant dense<0.000000e+00> : vector<10112x64xf32>
    %dot_general3A_27 = tpu.matmul %max3A_22, %get3A_25, %dot_general3A_26 {dimension_numbers = #tpu.dot_dimension_numbers<[1], [0], [0], [1], [0, 0, 1, 1], [], []>, transpose_lhs_hint = false} : vector<10112x64xf32>, vector<64x64xf32>, vector<10112x64xf32> -> vector<10112x64xf32>
    %get3A_28 = arith.constant 0 : index
    %get3A_29 = arith.constant 0 : index
    %get3A_30 = vector.load %arg5[%get3A_28, %get3A_29] : memref<1x64xf32, #tpu.memory_space<vmem>>, vector<1x64xf32>
    %add3A_31 = vector.broadcast %get3A_30 : vector<1x64xf32> to vector<10112x64xf32>
    %add3A_32 = arith.addf %dot_general3A_27, %add3A_31 : vector<10112x64xf32>
    %max3A_33 = arith.constant 0.000000e+00 : f32
    %max3A_34 = vector.broadcast %max3A_33 : f32 to vector<10112x64xf32>
    %max3A_35 = arith.maximumf %add3A_32, %max3A_34 : vector<10112x64xf32>
    %iota3A = tpu.iota {dimensions = array<i32: 0>} : vector<10112x1xi32>
    %lt3A = arith.constant 10000 : i32
    %lt3A_36 = vector.broadcast %lt3A : i32 to vector<10112x1xi32>
    %lt3A_37 = arith.cmpi slt, %iota3A, %lt3A_36 : vector<10112x1xi32>
    %jit3A = arith.constant 0.000000e+00 : f32
    %broadcast_in_dim3A = vector.shape_cast %lt3A_37 : vector<10112x1xi1> to vector<10112x1xi1>
    %broadcast_in_dim3A_38 = vector.broadcast %broadcast_in_dim3A : vector<10112x1xi1> to vector<10112x64xi1>
    %broadcast_in_dim3A_39 = vector.broadcast %jit3A : f32 to vector<10112x64xf32>
    %select_n3A = arith.select %broadcast_in_dim3A_38, %max3A_35, %broadcast_in_dim3A_39 : vector<10112x64xi1>, vector<10112x64xf32>
    %reduce_sum3A = arith.constant dense<0.000000e+00> : vector<64xf32>
    %reduce_sum3A_40 = vector.multi_reduction <add>, %select_n3A, %reduce_sum3A [0] : vector<10112x64xf32> to vector<64xf32>
    %broadcast_in_dim3A_41 = vector.shape_cast %reduce_sum3A_40 : vector<64xf32> to vector<1x64xf32>
    %mul3A = arith.mulf %select_n3A, %select_n3A : vector<10112x64xf32>
    %reduce_sum3A_42 = arith.constant dense<0.000000e+00> : vector<64xf32>
    %reduce_sum3A_43 = vector.multi_reduction <add>, %mul3A, %reduce_sum3A_42 [0] : vector<10112x64xf32> to vector<64xf32>
    %broadcast_in_dim3A_44 = vector.shape_cast %reduce_sum3A_43 : vector<64xf32> to vector<1x64xf32>
    %div3A = arith.constant 1.000000e+04 : f32
    %div3A_45 = vector.broadcast %div3A : f32 to vector<1x64xf32>
    %div3A_46 = arith.divf %broadcast_in_dim3A_41, %div3A_45 : vector<1x64xf32>
    %div3A_47 = arith.constant 1.000000e+04 : f32
    %div3A_48 = vector.broadcast %div3A_47 : f32 to vector<1x64xf32>
    %div3A_49 = arith.divf %broadcast_in_dim3A_44, %div3A_48 : vector<1x64xf32>
    %mul3A_50 = arith.mulf %div3A_46, %div3A_46 : vector<1x64xf32>
    %sub3A_51 = arith.subf %div3A_49, %mul3A_50 : vector<1x64xf32>
    %add3A_52 = arith.constant 9.99999974E-6 : f32
    %add3A_53 = vector.broadcast %add3A_52 : f32 to vector<1x64xf32>
    %add3A_54 = arith.addf %sub3A_51, %add3A_53 : vector<1x64xf32>
    %rsqrt3A = math.rsqrt %add3A_54 : vector<1x64xf32>
    %sub3A_55 = vector.broadcast %div3A_46 : vector<1x64xf32> to vector<10112x64xf32>
    %sub3A_56 = arith.subf %select_n3A, %sub3A_55 : vector<10112x64xf32>
    %get3A_57 = arith.constant 0 : index
    %get3A_58 = arith.constant 0 : index
    %get3A_59 = vector.load %arg6[%get3A_57, %get3A_58] : memref<1x64xf32, #tpu.memory_space<vmem>>, vector<1x64xf32>
    %mul3A_60 = arith.mulf %rsqrt3A, %get3A_59 : vector<1x64xf32>
    %mul3A_61 = vector.broadcast %mul3A_60 : vector<1x64xf32> to vector<10112x64xf32>
    %mul3A_62 = arith.mulf %sub3A_56, %mul3A_61 : vector<10112x64xf32>
    %get3A_63 = arith.constant 0 : index
    %get3A_64 = arith.constant 0 : index
    %get3A_65 = vector.load %arg7[%get3A_63, %get3A_64] : memref<1x64xf32, #tpu.memory_space<vmem>>, vector<1x64xf32>
    %add3A_66 = vector.broadcast %get3A_65 : vector<1x64xf32> to vector<10112x64xf32>
    %add3A_67 = arith.addf %mul3A_62, %add3A_66 : vector<10112x64xf32>
    %max3A_68 = arith.constant 0.000000e+00 : f32
    %max3A_69 = vector.broadcast %max3A_68 : f32 to vector<10112x64xf32>
    %max3A_70 = arith.maximumf %add3A_67, %max3A_69 : vector<10112x64xf32>
    %get3A_71 = arith.constant 0 : index
    %get3A_72 = arith.constant 0 : index
    %get3A_73 = vector.load %arg8[%get3A_71, %get3A_72] : memref<10112x1xi32, #tpu.memory_space<vmem>>, vector<10112x1xi32>
    %iota3A_74 = tpu.iota {dimensions = array<i32: 1>} : vector<1x86xi32>
    %eq3A = vector.broadcast %get3A_73 : vector<10112x1xi32> to vector<10112x86xi32>
    %eq3A_75 = vector.broadcast %iota3A_74 : vector<1x86xi32> to vector<10112x86xi32>
    %eq3A_76 = arith.cmpi eq, %eq3A, %eq3A_75 : vector<10112x86xi32>
    %convert_element_type3A = arith.extui %eq3A_76 : vector<10112x86xi1> to vector<10112x86xi32>
    %convert_element_type3A_77 = arith.sitofp %convert_element_type3A : vector<10112x86xi32> to vector<10112x86xf32>
    %dot_general3A_78 = arith.constant dense<0.000000e+00> : vector<86x64xf32>
    %dot_general3A_79 = tpu.matmul %convert_element_type3A_77, %max3A_70, %dot_general3A_78 {dimension_numbers = #tpu.dot_dimension_numbers<[0], [0], [1], [1], [0, 1, 1, 1], [], []>, transpose_lhs_hint = false} : vector<10112x86xf32>, vector<10112x64xf32>, vector<86x64xf32> -> vector<86x64xf32>
    %broadcast_in_dim3A_80 = arith.constant 1.000000e+00 : f32
    %broadcast_in_dim3A_81 = vector.broadcast %broadcast_in_dim3A_80 : f32 to vector<10112x1xf32>
    %dot_general3A_82 = arith.constant dense<0.000000e+00> : vector<86x1xf32>
    %dot_general3A_83 = tpu.matmul %convert_element_type3A_77, %broadcast_in_dim3A_81, %dot_general3A_82 {dimension_numbers = #tpu.dot_dimension_numbers<[0], [0], [1], [1], [0, 1, 1, 1], [], []>, transpose_lhs_hint = false} : vector<10112x86xf32>, vector<10112x1xf32>, vector<86x1xf32> -> vector<86x1xf32>
    %max3A_84 = arith.constant 1.000000e+00 : f32
    %max3A_85 = vector.broadcast %max3A_84 : f32 to vector<86x1xf32>
    %max3A_86 = arith.maximumf %dot_general3A_83, %max3A_85 : vector<86x1xf32>
    %div3A_87 = vector.broadcast %max3A_86 : vector<86x1xf32> to vector<86x64xf32>
    %div3A_88 = arith.divf %dot_general3A_79, %div3A_87 : vector<86x64xf32>
    %get3A_89 = arith.constant 0 : index
    %get3A_90 = arith.constant 0 : index
    %get3A_91 = vector.load %arg9[%get3A_89, %get3A_90] : memref<64x2xf32, #tpu.memory_space<vmem>>, vector<64x2xf32>
    %dot_general3A_92 = arith.constant dense<0.000000e+00> : vector<86x2xf32>
    %dot_general3A_93 = tpu.matmul %div3A_88, %get3A_91, %dot_general3A_92 {dimension_numbers = #tpu.dot_dimension_numbers<[1], [0], [0], [1], [0, 0, 1, 1], [], []>, transpose_lhs_hint = false} : vector<86x64xf32>, vector<64x2xf32>, vector<86x2xf32> -> vector<86x2xf32>
    %get3A_94 = arith.constant 0 : index
    %get3A_95 = arith.constant 0 : index
    %get3A_96 = vector.load %arg10[%get3A_94, %get3A_95] : memref<1x2xf32, #tpu.memory_space<vmem>>, vector<1x2xf32>
    %add3A_97 = vector.broadcast %get3A_96 : vector<1x2xf32> to vector<86x2xf32>
    %add3A_98 = arith.addf %dot_general3A_93, %add3A_97 : vector<86x2xf32>
    %swap3A = arith.constant 0 : index
    %swap3A_99 = arith.constant 0 : index
    %swap3A_100 = vector.load %arg11[%swap3A, %swap3A_99] : memref<86x2xf32, #tpu.memory_space<vmem>>, vector<86x2xf32>
    tpu.vector_store %arg11[%swap3A, %swap3A_99], %add3A_98 {strides = array<i32>} : memref<86x2xf32, #tpu.memory_space<vmem>>, vector<86x2xf32>,
    %swap3A_101 = arith.constant 0 : index
    %swap3A_102 = arith.constant 0 : index
    %swap3A_103 = vector.load %arg12[%swap3A_101, %swap3A_102] : memref<86x64xf32, #tpu.memory_space<vmem>>, vector<86x64xf32>
    tpu.vector_store %arg12[%swap3A_101, %swap3A_102], %div3A_88 {strides = array<i32>} : memref<86x64xf32, #tpu.memory_space<vmem>>, vector<86x64xf32>,
    return
  }
}

</mosaic_0001>

<sc_bundles>
// kernel: kernel.4.cloned.1.call-start
scs
__scs_entry_jumppad:
0x0: {  	(pc) =	sbr.rel $0x88, $3  }
0x1: {  	(tag) =	ssettag $0x0;
	lr =	simm.s32 $0x1  }
0x2: {  	[smem:$0x3F96] =	sst lr;
	_ =	strace $0xD0000000  }
0x3: {  	_ = 	snop  }
0x4: {  	_ = 	snop  }
0x5: {  	_ = 	snop  }
0x6: {  	_ = 	snop  }
0x7: {  	_ = 	snop  }
__scs_overlays_trampoline_lowered:
0x8: {  	[smem:$0x3FA5] =	sst s0  }
0x9: {  	[smem:$0x3FA6] =	sst s1  }
0xa: {  	[smem:$0x3FA7] =	sst s2  }
0xb: {  	[smem:$0x3FA8] =	sst s3  }
0xc: {  	[smem:$0x3FA9] =	sst s4  }
0xd: {  	[smem:$0x3FAA] =	sst s5  }
0xe: {  	[smem:$0x3FAB] =	sst s6  }
0xf: {  	[smem:$0x3FAC] =	sst s7  }
0x10: {  	[smem:$0x3FAD] =	sst s8  }
0x11: {  	[smem:$0x3FAE] =	sst s9;
	s0 =	simm.s32 @!p0 $0x0  }
0x12: {  	s1 =	sld [smem:$0x3F94];
	s0 =	simm.s32 @p0 $0x1  }
0x13: {  	[smem:$0x3FAF] =	sst s0;
	s0 =	simm.s32 @!p1 $0x0  }
0x14: {  	s2 =	sld [smem:$0x3F93];
	s0 =	simm.s32 @p1 $0x1  }
0x15: {  	[smem:$0x3FB0] =	sst s0;
	s0 =	simm.s32 @!p2 $0x0  }
0x16: {  	s3 =	sld [smem:$0x3FDB];
	s0 =	simm.s32 @p2 $0x1  }
0x17: {  	s4 =	simm.s32 $0x1BF5;
	[smem:$0x3FB2] =	sst s0  }
0x18: {  	s0 =	sld [smem:$0x3F95];
	_ =	swait.ge [sflag:s4], $0x0  }
0x19: {  	s7 =	sld [smem:$0x3F96]  }
0x1a: {  	s8 =	sadd.s32 $0xFFFFE003, lr  }
0x1b: {  	s9 =	sadd.s32 $0xFFFFFEF7, lr;
	s5 =	simm.s32 $0xFFFFFFFF;
	p2 =	slt.u32 s8, $0xFFFFF086  }
0x1c: {  	p1 =	slt.u32 s9, $0xF7A;
	s5 =	simm.s32 @!p2 $0x0  }
0x1d: {  	s5 =	simm.s32 @p1 $0x1;
	p0 =	seq.s32 s7, s2  }
0x1e: {  	s7 =	smul.u32 @!p0 $0xF7A, s2;
	p2 =	seq.s32 @!p0 s5, $0x0  }
0x1f: {  	s9 =	smul.u32 $0xF7A, s1;
	s8 =	simm.s32 @!p0 $0x1BF5;
	p2 =	por !p2, p0  }
0x20: {  	[sflag:s8] =	ssyncset.s32 @!p0 $0xFFFFF086;
	s6 =	sadd.s32 @!p0 s3, s7;
	s7 =	simm.s32 @!p0 $0x108  }
0x21: {  	s3 =	sadd.s32 s3, s9;
	s6 =	sadd.s32 @!p0 $0x88, s6;
	s7 =	simm.s32 @p2 $0x1082  }
0x22: {  	[simem:s7], [sflag:s8] =	dma.local @!p0 [hbm:s6], $0xF7A  }
0x23: {  	s9 =	sor.u32 $0xD0000000, s2;
	s6 =	simm.s32 $0x108;
	_ =	swait.ge @!p0 [sflag:s8], $0x0  }
0x24: {  	s3 =	sadd.s32 $0x88, s3;
	s6 =	simm.s32 @!p1 $0x1082;
	[sflag:s4] =	ssyncset.s32 $0xFFFFF086  }
0x25: {  	[simem:s6], [sflag:s4] =	dma.local [hbm:s3], $0xF7A  }
0x26: {  	[smem:$0x3F96] =	sst s1;
	(tag) =	ssettag s2;
	_ =	strace s9  }
0x27: {  	s1 =	sld [smem:$0x3FA6]  }
0x28: {  	s2 =	sld [smem:$0x3FA7]  }
0x29: {  	s4 =	sld [smem:$0x3FA9]  }
0x2a: {  	p0 =	seq.s32 s5, $0x0;
	s5 =	sld [smem:$0x3FAA]  }
0x2b: {  	s6 =	sld [smem:$0x3FAB]  }
0x2c: {  	s7 =	sld [smem:$0x3FAC]  }
0x2d: {  	s3 =	simm.s32 $0x108;
	s8 =	sld [smem:$0x3FAD]  }
0x2e: {  	s3 =	simm.s32 @!p0 $0x1082;
	s9 =	sld [smem:$0x3FAE]  }
0x2f: {  	lr =	sadd.s32 s0, s3;
	s0 =	sld [smem:$0x3FA5]  }
0x30: {  	s3 =	sld [smem:$0x3FA8]  }
0x31: {  	[smem:$0x3FB1] =	sst s10  }
0x32: {  	s10 =	sld [smem:$0x3FAF];
	_ =	sdelay $0x3  }
0x33: {  	p0 =	seq.s32 s10, $0x1;
	s10 =	sld [smem:$0x3FB1];
	_ =	sdelay $0x3  }
0x34: {  	[smem:$0x3FB1] =	sst s10  }
0x35: {  	s10 =	sld [smem:$0x3FB0];
	_ =	sdelay $0x3  }
0x36: {  	p1 =	seq.s32 s10, $0x1;
	s10 =	sld [smem:$0x3FB1];
	_ =	sdelay $0x3  }
0x37: {  	[smem:$0x3FB1] =	sst s10  }
0x38: {  	s10 =	sld [smem:$0x3FB2]  }
0x39: {  	_ = 	snop;
	(pc) =	sbr.ind lr, $3  }
0x3a: {  	_ = 	snop  }
0x3b: {  	_ = 	snop  }
0x3c: {  	p2 =	seq.s32 s10, $0x1;
	s10 =	sld [smem:$0x3FB1]  }
0x3d: {  	_ =	shalt  }
0x3e: {  	_ =	shalt  }
0x3f: {  	_ =	shalt  }
0x40: {  	_ =	shalt  }
0x41: {  	_ =	shalt  }
0x42: {  	_ =	shalt  }
0x43: {  	_ =	shalt  }
0x44: {  	_ =	shalt  }
0x45: {  	_ =	shalt  }
0x46: {  	_ =	shalt  }
0x47: {  	_ =	shalt  }
0x48: {  	_ =	shalt  }
0x49: {  	_ =	shalt  }
0x4a: {  	_ =	shalt  }
0x4b: {  	_ =	shalt  }
0x4c: {  	_ =	shalt  }
0x4d: {  	_ =	shalt  }
0x4e: {  	_ =	shalt  }
0x4f: {  	_ =	shalt  }
0x50: {  	_ =	shalt  }
0x51: {  	_ =	shalt  }
0x52: {  	_ =	shalt  }
0x53: {  	_ =	shalt  }
0x54: {  	_ =	shalt  }
0x55: {  	_ =	shalt  }
0x56: {  	_ =	shalt  }
0x57: {  	_ =	shalt  }
0x58: {  	_ =	shalt  }
0x59: {  	_ =	shalt  }
0x5a: {  	_ =	shalt  }
0x5b: {  	_ =	shalt  }
0x5c: {  	_ =	shalt  }
0x5d: {  	_ =	shalt  }
0x5e: {  	_ =	shalt  }
0x5f: {  	_ =	shalt  }
0x60: {  	_ =	shalt  }
0x61: {  	_ =	shalt  }
0x62: {  	_ =	shalt  }
0x63: {  	_ =	shalt  }
0x64: {  	_ =	shalt  }
0x65: {  	_ =	shalt  }
0x66: {  	_ =	shalt  }
0x67: {  	_ =	shalt  }
0x68: {  	_ =	shalt  }
0x69: {  	_ =	shalt  }
0x6a: {  	_ =	shalt  }
0x6b: {  	_ =	shalt  }
0x6c: {  	_ =	shalt  }
0x6d: {  	_ =	shalt  }
0x6e: {  	_ =	shalt  }
0x6f: {  	_ =	shalt  }
0x70: {  	_ =	shalt  }
0x71: {  	_ =	shalt  }
0x72: {  	_ =	shalt  }
0x73: {  	_ =	shalt  }
0x74: {  	_ =	shalt  }
0x75: {  	_ =	shalt  }
0x76: {  	_ =	shalt  }
0x77: {  	_ =	shalt  }
0x78: {  	_ =	shalt  }
0x79: {  	_ =	shalt  }
0x7a: {  	_ =	shalt  }
0x7b: {  	_ =	shalt  }
0x7c: {  	_ =	shalt  }
0x7d: {  	_ =	shalt  }
0x7e: {  	_ =	shalt  }
0x7f: {  	_ =	shalt  }
0x80: {  	_ =	shalt  }
0x81: {  	_ =	shalt  }
0x82: {  	_ =	shalt  }
0x83: {  	_ =	shalt  }
0x84: {  	_ =	shalt  }
0x85: {  	_ =	shalt  }
0x86: {  	_ =	shalt  }
0x87: {  	_ =	shalt  }
.Lfunc_end0:
.L_simem_size_0:
called_computation_lowered:
.L_overlay_start_0:
0x88: {  	s2 =	sld [smem:$0x3FD9]  }
0x89: {  	s3 =	sld [smem:$0x3FFE];
	_ =	sdelay $0x1  }
0x8a: {  	s1 =	srdreg.scid  }
0x8b: {  	s0 =	sand.u32 $0x1, s1  }
0x8c: {  	s16 =	sshll.u32 s0, $0xA;
	s2 =	sadd.s32 s3, s2  }
0x8d: {  	s2 =	sadd.s32 s2, s16  }
0x8e: {  	[smem:$0x3FBD] =	sst s2  }
0x8f: {  	_ = 	snop  }
0x90: {  	(tm) =	ssettm $0x1  }
0x91: {  	s17 =	sld [smem:$0x3FFB];
	_ =	sdelay $0x3  }
0x92: {  	_ =	strace s17  }
0x93: {  	s2 =	sld [smem:$0x3FFC];
	_ =	sdelay $0x3  }
0x94: {  	_ =	strace s2  }
0x95: {  	s2 =	sld [smem:$0x3FFD];
	_ =	sdelay $0x3  }
0x96: {  	_ =	strace s2  }
0x97: {  	_ =	strace $0x8FFFFFFF  }
0x98: {  	s18 =	sld [smem:$0x3FDB];
	_ =	sdelay $0x1  }
0x99: {  	s19 =	simm.s32 $_scs_section_size  }
0x9a: {  	s4 =	simm.s32 $_size__tile_overlayer_lowered;
	s5 =	simm.s32 $_tile_overlayer_lowered  }
0x9b: {  	s22 =	simm.s32 $0x1BFF;
	s21 =	sshll.u32 s5, $0x1;
	s2 =	sadd.s32 s19, s18  }
0x9c: {  	s6 =	simm.s32 $0x0;
	s20 =	sshll.u32 s4, $0x1;
	s4 =	sadd.s32 s21, s2  }
0x9d: {  	[timem:s6], [sflag:s22] =	dma.local [hbm:s4], s20  }
0x9e: {  	_ =	swait.ge [sflag:s22], s20  }
0x9f: {  	s3 =	ssub.s32 $0x0, s20;
	[sflag:s22] =	ssyncset.done $0x0  }
0xa0: {  	[sflag:s22] =	ssyncadd.s32 s3;
	_ =	sdelay $0x1  }
0xa1: {  	s23 =	simm.s32 $0x1B8B  }
0xa2: {  	_ =	swait.ge [sflag:s23], $0x1  }
0xa3: {  	[sflag:s23] =	ssyncset.done $0x0  }
0xa4: {  	s25 =	simm.s32 $0x1B8E;
	s24 =	sld [smem:$0x3FFE];
	[sflag:s23] =	ssyncadd.s32 $0xFFFFFFFF  }
0xa5: {  	s26 =	simm.s32 $execute0_lowered;
	[smem:$0x3FD2] =	sst s25  }
0xa6: {  	s4 =	sshll.u32 s26, $0x1;
	_ =	strace $0x80000046;
	[dreg:$0x1] =	wrdreg $0xFFFFFFFF  }
0xa7: {  	s28 =	simm.s32 $_size_execute0_lowered;
	s2 =	sadd.s32 s2, s4;
	[dreg:$0x0] =	wrdreg $0x0  }
0xa8: {  	s4 =	sshll.u32 s28, $0x1;
	[dreg:$0x2] =	wrdreg s2  }
0xa9: {  	[dreg:$0x3] =	wrdreg s4  }
0xaa: {  	[dreg:$0x4] =	wrdreg $0xC0  }
0xab: {  	_ =	task [dreg:s6], $0x5FFFF  }
0xac: {  	[dreg:$0x1] =	wrdreg $0xFFFFFFFF  }
0xad: {  	[dreg:$0x0] =	wrdreg $0x60  }
0xae: {  	[dreg:$0x2] =	wrdreg s24  }
0xaf: {  	[dreg:$0x3] =	wrdreg $0xC0800  }
0xb0: {  	[dreg:$0x4] =	wrdreg $0x9  }
0xb1: {  	_ =	task.clear_ibuf [dreg:s6], $0x5FFFF;
	_ =	strace $0x90000046  }
0xb2: {  	s29 =	simm.s32 $0x9;
	_ =	strace $0x80000048  }
0xb3: {  	_ =	swait.ge [sflag:s29], $0x1  }
0xb4: {  	[sflag:s29] =	ssyncadd.s32 $0xFFFFFFFF  }
0xb5: {  	_ =	strace $0x90000048  }
0xb6: {  	_ =	sfence  }
0xb7: {  	s30 =	sld [smem:$0x0];
	_ =	sdelay $0x2  }
0xb8: {  	s31 =	sshll.u32 s1, $0xD;
	s1 =	sshrl.u32 s1, $0x2  }
0xb9: {  	s3 =	sand.u32 $0x4000, s31;
	s1 =	sadd.s32 s1, s30  }
0xba: {  	s0 =	sor.u32 s3, s0;
	s1 =	sshll.u32 s1, $0x11  }
0xbb: {  	s0 =	sor.u32 s1, s0  }
0xbc: {  	s0 =	sadd.s32 $0x8F2B, s0  }
0xbd: {  	[sflag:s0] =	ssyncadd.remote.s32 $0x1  }
0xbe: {  	_ =	sfence.sel $0xFFFF  }
0xbf: {  	[dreg:$0x0] =	wrdreg $0xFFFFFFFF;
	(pc) =	sbr.abs _section_cstart, $3  }
0xc0: {  	[dreg:$0x1] =	wrdreg $0xFFFFFFFF  }
0xc1: {  	_ =	task.clear_ibuf [dreg:s6], $0x2FFFF;
	_ =	strace $0x9FFFFFFF  }
0xc2: {  	(tm) =	ssettm $0x7FFFFFFF  }
0xc3: {  	_ =	shalt  }
tec
execute0_lowered:
.L_overlay_start_1:
0x0: {  	(tag) =	ssettag $0x1  }
0x1: {  	s0 =	rddreg [dreg:$0x0]  }
0x2: {  	s1 =	rddreg [dreg:$0x1]  }
0x3: {  	s3 =	simm.s32 $0x0;
	s2 =	srdreg.scid;
	s11 =	stileid.u32  }
0x4: {  	s28 =	simm.s32 $0x8080;
	s29 =	simm.s32 $0x1;
	s30 =	simm.s32 $0x4000  }
0x5: {  	s31 =	simm.s32 $0x2;
	[smem:$0x7FF] =	sst s3;
	s2 =	sand.u32 $0x1, s2  }
0x6: {  	s5 =	smul.u32 $0x13C00, s11;
	s4 =	sadd.s32 $0x2E00, s0;
	s7 =	sshll.u32 s11, $0x1  }
0x7: {  	s16 =	sadd.s32 $0x3E600, s0;
	s17 =	sadd.s32 $0x2A600, s0;
	s10 =	smul.u32 $0x4F000, s11  }
0x8: {  	s22 =	sshll.u32 s11, $0x6;
	s6 =	smul.u32 $0x13C000, s2;
	s7 =	sor.u32 s2, s7  }
0x9: {  	_ =	strace $0x80000047;
	s2 =	ssub.s32 $0x2, s2;
	s8 =	smul.u32 $0xA00, s7  }
0xa: {  	s9 =	sshrl.u32 s2, $0x1;
	s18 =	smul.u32 $0x5000, s7;
	s21 =	sshrl.u32 s10, $0x2  }
0xb: {  	s6 =	sadd.s32 s5, s6;
	s2 =	ssub.s32 s2, s9;
	s7 =	sadd.s32 s21, s1  }
0xc: {  	s5 =	sshrl.u32 s5, $0x3;
	s9 =	sor.u32 $0x1C04, s22;
	s21 =	simm.s32 $0x4  }
0xd: {  	s22 =	simm.s32 $0x3;
	s19 =	sadd.s32 s16, s8;
	[dreg:$0x5] =	wrdreg s7  }
0xe: {  	s6 =	sshrl.u32 s6, $0x3;
	s20 =	sadd.s32 s17, s8;
	[dreg:$0x3] =	wrdreg s19  }
0xf: {  	s8 =	sadd.s32 s4, s5;
	s0 =	sadd.s32 s6, s0;
	[dreg:$0x4] =	wrdreg s20  }
0x10: {  	s6 =	sshrl.u32 s18, $0x3;
	s19 =	smax.u32 s2, $0x1;
	s20 =	simm.s32 $0x1000  }
0x11: {  	s2 =	simm.s32 $0x0;
	s23 =	sadd.s32 $0x200, s6;
	s24 =	sadd.s32 $0x400, s6  }
0x12: {  	s25 =	sadd.s32 $0x600, s6;
	s26 =	sadd.s32 $0x800, s6;
	s18 =	sadd.s32 $0x52600, s0  }
0x13: {  	s0 =	simm.s32 $0x2080;
	s10 =	sadd.s32 s16, s23;
	s11 =	sadd.s32 s17, s23  }
0x14: {  	s12 =	sadd.s32 s16, s24;
	s13 =	sadd.s32 s17, s24;
	s14 =	sadd.s32 s16, s25  }
0x15: {  	s15 =	sadd.s32 s17, s25;
	s16 =	sadd.s32 s16, s26;
	s17 =	sadd.s32 s17, s26  }
0x16: {  	s23 =	simm.s32 $0x2000;
	s25 =	simm.s32 $0x80;
	s26 =	simm.s32 $0x4080  }
.LBB2_1:
0x17: {  	s5 =	rddreg [dreg:$0x3]  }
0x18: {  	s7 =	rddreg [dreg:$0x5]  }
0x19: {  	[tilespmem:s3], [sflag:$0x3] =	stream.linear.gather [hbm4b:s5+s3], $0x1000, $0x38;
	[tilespmem:$0x1FC80] =	vst v63  }
0x1a: {  	s6 =	rddreg [dreg:$0x4];
	s5 =	sshrl.u32 s7, $0x3  }
0x1b: {  	[tilespmem:s20], [sflag:$0x3] =	stream.linear.gather [hbm4b:s6+s3], $0x1000, $0x38;
	[tilespmem:$0x1FC80] =	vst v63  }
0x1c: {  	[spmem:s5], [sflag:s9] =	dma.local [hbm:s8], $0x2780  }
0x1d: {  	_ =	swait.ge [sflag:s21], $0x2780  }
0x1e: {  	[sflag:s21] =	ssyncset.done $0x0  }
0x1f: {  	[sflag:s21] =	ssyncadd.s32 $0xFFFFD880  }
0x20: {  	[bflag:$0x0] =	sbarrier.arrive $0xFFFF  }
0x21: {  	_ =	swait.ge [sflag:s22], $0x1000  }
0x22: {  	[sflag:s22] =	ssyncset.done $0x0  }
0x23: {  	[sflag:s22] =	ssyncadd.s32 $0xFFFFF000  }
0x24: {  	_ =	swait.ge [sflag:s22], $0x1000  }
0x25: {  	[sflag:s22] =	ssyncset.done $0x0  }
0x26: {  	[sflag:s22] =	ssyncadd.s32 $0xFFFFF000  }
0x27: {  	[tilespmem:s23], [sflag:$0x3] =	stream.linear.gather [hbm4b:s10+s3], $0x1000, $0x38;
	[tilespmem:$0x1FC80] =	vst v63  }
0x28: {  	s6 =	simm.s32 $0x3000  }
0x29: {  	[tilespmem:s6], [sflag:$0x3] =	stream.linear.gather [hbm4b:s11+s3], $0x1000, $0x38;
	[tilespmem:$0x1FC80] =	vst v63  }
0x2a: {  	_ = 	snop  }
0x2b: {  	[tilespmem:s26], [sflag:$0x1] =	stream.indirect.gather [hbm4b:s4+s25], $0x80, s3, s25, $0xb8;
	[tilespmem:$0x1FC80] =	vst v63  }
0x2c: {  	_ = 	snop  }
0x2d: {  	[tilespmem:s28], [sflag:$0x2] =	stream.indirect.gather [hbm4b:s4+s25], $0x80, s25, s25, $0xb8;
	[tilespmem:$0x1FC80] =	vst v63  }
0x2e: {  	_ =	swait.ge [sflag:s29], $0x4000  }
0x2f: {  	[sflag:s29] =	ssyncset.done $0x0  }
0x30: {  	s24 =	simm.s32 $0x0;
	[sflag:s29] =	ssyncadd.s32 $0xFFFFC000  }
0x31: {  	v0 =	vld [tilespmem:s24+$0x1000];
	_ =	sdelay $0x4  }
0x32: {  	[tilespmem:$0x4000] =	vst v0  }
0x33: {  	v0 =	vld [tilespmem:s24+$0x1010];
	_ =	sdelay $0x4  }
0x34: {  	[tilespmem:$0x4010] =	vst v0  }
0x35: {  	v0 =	vld [tilespmem:s24+$0x1020];
	_ =	sdelay $0x4  }
0x36: {  	[tilespmem:$0x4020] =	vst v0  }
0x37: {  	v0 =	vld [tilespmem:s24+$0x1030];
	_ =	sdelay $0x4  }
0x38: {  	[tilespmem:$0x4030] =	vst v0  }
0x39: {  	v0 =	vld [tilespmem:s24+$0x1040];
	_ =	sdelay $0x4  }
0x3a: {  	[tilespmem:$0x4040] =	vst v0  }
0x3b: {  	v0 =	vld [tilespmem:s24+$0x1050];
	_ =	sdelay $0x4  }
0x3c: {  	[tilespmem:$0x4050] =	vst v0  }
0x3d: {  	v0 =	vld [tilespmem:s24+$0x1060];
	_ =	sdelay $0x4  }
0x3e: {  	[tilespmem:$0x4060] =	vst v0  }
0x3f: {  	v0 =	vld [tilespmem:s24+$0x1070];
	_ =	sdelay $0x4  }
0x40: {  	[tilespmem:$0x4070] =	vst v0  }
0x41: {  	[spmem:s1] =	stream.indirect.scatter.add.f32 [tilespmem:s26], [sflag:$0x4], $0x80, s30, s25, $0xb8;
	[tilespmem:$0x1FC80] =	vst v63  }
0x42: {  	_ =	swait.ge [sflag:s21], $0x4000  }
0x43: {  	[sflag:s21] =	ssyncset.done $0x0  }
0x44: {  	s7 =	simm.s32 $0x100;
	[sflag:s21] =	ssyncadd.s32 $0xFFFFC000  }
0x45: {  	[tilespmem:s26], [sflag:$0x1] =	stream.indirect.gather [hbm4b:s4+s25], $0x80, s7, s25, $0xb8;
	[tilespmem:$0x1FC80] =	vst v63  }
0x46: {  	_ =	swait.ge [sflag:s31], $0x4000  }
0x47: {  	[sflag:s31] =	ssyncset.done $0x0  }
0x48: {  	[sflag:s31] =	ssyncadd.s32 $0xFFFFC000  }
0x49: {  	v63 =	vld [tilespmem:s24+$0x1080];
	_ =	sdelay $0x4  }
0x4a: {  	[tilespmem:$0x4000] =	vst v63  }
0x4b: {  	v0 =	vld [tilespmem:s24+$0x1090];
	_ =	sdelay $0x4  }
0x4c: {  	[tilespmem:$0x4010] =	vst v0  }
0x4d: {  	v0 =	vld [tilespmem:s24+$0x10A0];
	_ =	sdelay $0x4  }
0x4e: {  	[tilespmem:$0x4020] =	vst v0  }
0x4f: {  	v0 =	vld [tilespmem:s24+$0x10B0];
	_ =	sdelay $0x4  }
0x50: {  	[tilespmem:$0x4030] =	vst v0  }
0x51: {  	v0 =	vld [tilespmem:s24+$0x10C0];
	_ =	sdelay $0x4  }
0x52: {  	[tilespmem:$0x4040] =	vst v0  }
0x53: {  	v0 =	vld [tilespmem:s24+$0x10D0];
	_ =	sdelay $0x4  }
0x54: {  	[tilespmem:$0x4050] =	vst v0  }
0x55: {  	v0 =	vld [tilespmem:s24+$0x10E0];
	_ =	sdelay $0x4  }
0x56: {  	[tilespmem:$0x4060] =	vst v0  }
0x57: {  	v0 =	vld [tilespmem:s24+$0x10F0];
	_ =	sdelay $0x4  }
0x58: {  	[tilespmem:$0x4070] =	vst v0  }
0x59: {  	[spmem:s1] =	stream.indirect.scatter.add.f32 [tilespmem:s28], [sflag:$0x4], $0x80, s30, s25, $0xb8;
	[tilespmem:$0x1FC80] =	vst v63  }
0x5a: {  	_ =	swait.ge [sflag:s21], $0x4000  }
0x5b: {  	[sflag:s21] =	ssyncset.done $0x0  }
0x5c: {  	s6 =	simm.s32 $0x400;
	s7 =	simm.s32 $0x180;
	[sflag:s21] =	ssyncadd.s32 $0xFFFFC000  }
.LBB2_2:
0x5d: {  	[tilespmem:s28], [sflag:$0x2] =	stream.indirect.gather [hbm4b:s4+s25], $0x80, s7, s25, $0xb8;
	[tilespmem:$0x1FC80] =	vst v63  }
0x5e: {  	s7 =	smov.u32 s6  }
0x5f: {  	p0 =	sne.s32 s6, $0x3800;
	s6 =	sadd.s32 $0x400, s6;
	_ =	swait.ge [sflag:s29], $0x4000  }
0x60: {  	[sflag:s29] =	ssyncset.done $0x0  }
0x61: {  	s7 =	sshra.s32 s7, $0x2;
	[sflag:s29] =	ssyncadd.s32 $0xFFFFC000  }
0x62: {  	v0 =	vld [tilespmem:s7+$0x1000];
	_ =	sdelay $0x4  }
0x63: {  	[tilespmem:$0x4000] =	vst v0  }
0x64: {  	v0 =	vld [tilespmem:s7+$0x1010];
	_ =	sdelay $0x4  }
0x65: {  	[tilespmem:$0x4010] =	vst v0  }
0x66: {  	v0 =	vld [tilespmem:s7+$0x1020];
	_ =	sdelay $0x4  }
0x67: {  	[tilespmem:$0x4020] =	vst v0  }
0x68: {  	v0 =	vld [tilespmem:s7+$0x1030];
	_ =	sdelay $0x4  }
0x69: {  	[tilespmem:$0x4030] =	vst v0  }
0x6a: {  	v0 =	vld [tilespmem:s7+$0x1040];
	_ =	sdelay $0x4  }
0x6b: {  	[tilespmem:$0x4040] =	vst v0  }
0x6c: {  	v0 =	vld [tilespmem:s7+$0x1050];
	_ =	sdelay $0x4  }
0x6d: {  	[tilespmem:$0x4050] =	vst v0  }
0x6e: {  	v0 =	vld [tilespmem:s7+$0x1060];
	_ =	sdelay $0x4  }
0x6f: {  	[tilespmem:$0x4060] =	vst v0  }
0x70: {  	v0 =	vld [tilespmem:s7+$0x1070];
	_ =	sdelay $0x4  }
0x71: {  	[tilespmem:$0x4070] =	vst v0  }
0x72: {  	[spmem:s1] =	stream.indirect.scatter.add.f32 [tilespmem:s26], [sflag:$0x4], $0x80, s30, s25, $0xb8;
	[tilespmem:$0x1FC80] =	vst v63  }
0x73: {  	_ =	swait.ge [sflag:s21], $0x4000  }
0x74: {  	[sflag:s21] =	ssyncset.done $0x0  }
0x75: {  	s24 =	sadd.s32 $0x100, s7;
	[sflag:s21] =	ssyncadd.s32 $0xFFFFC000  }
0x76: {  	[tilespmem:s26], [sflag:$0x1] =	stream.indirect.gather [hbm4b:s4+s25], $0x80, s24, s25, $0xb8;
	[tilespmem:$0x1FC80] =	vst v63  }
0x77: {  	_ =	swait.ge [sflag:s31], $0x4000  }
0x78: {  	[sflag:s31] =	ssyncset.done $0x0  }
0x79: {  	[sflag:s31] =	ssyncadd.s32 $0xFFFFC000  }
0x7a: {  	v0 =	vld [tilespmem:s7+$0x1080];
	_ =	sdelay $0x4  }
0x7b: {  	[tilespmem:$0x4000] =	vst v0  }
0x7c: {  	v0 =	vld [tilespmem:s7+$0x1090];
	_ =	sdelay $0x4  }
0x7d: {  	[tilespmem:$0x4010] =	vst v0  }
0x7e: {  	v0 =	vld [tilespmem:s7+$0x10A0];
	_ =	sdelay $0x4  }
0x7f: {  	[tilespmem:$0x4020] =	vst v0  }
0x80: {  	v0 =	vld [tilespmem:s7+$0x10B0];
	_ =	sdelay $0x4  }
0x81: {  	[tilespmem:$0x4030] =	vst v0  }
0x82: {  	v0 =	vld [tilespmem:s7+$0x10C0];
	_ =	sdelay $0x4  }
0x83: {  	[tilespmem:$0x4040] =	vst v0  }
0x84: {  	v0 =	vld [tilespmem:s7+$0x10D0];
	_ =	sdelay $0x4  }
0x85: {  	[tilespmem:$0x4050] =	vst v0  }
0x86: {  	v0 =	vld [tilespmem:s7+$0x10E0];
	_ =	sdelay $0x4  }
0x87: {  	[tilespmem:$0x4060] =	vst v0  }
0x88: {  	v0 =	vld [tilespmem:s7+$0x10F0];
	_ =	sdelay $0x4  }
.Ltmp0:
0x89: {  	[tilespmem:$0x4070] =	vst v0;
	(pc) =	sbr.rel @p0 .LBB2_2-.Ltmp0, $4  }
0x8a: {  	[spmem:s1] =	stream.indirect.scatter.add.f32 [tilespmem:s28], [sflag:$0x4], $0x80, s30, s25, $0xb8;
	[tilespmem:$0x1FC80] =	vst v63  }
0x8b: {  	_ =	swait.ge [sflag:s21], $0x4000  }
0x8c: {  	[sflag:s21] =	ssyncset.done $0x0  }
0x8d: {  	s7 =	sadd.s32 $0x180, s7;
	[sflag:s21] =	ssyncadd.s32 $0xFFFFC000  }
0x8e: {  	[tilespmem:s28], [sflag:$0x2] =	stream.indirect.gather [hbm4b:s4+s25], $0x80, s7, s25, $0xb8;
	[tilespmem:$0x1FC80] =	vst v63  }
0x8f: {  	_ =	swait.ge [sflag:s29], $0x4000  }
0x90: {  	[sflag:s29] =	ssyncset.done $0x0  }
0x91: {  	[sflag:s29] =	ssyncadd.s32 $0xFFFFC000  }
0x92: {  	v0 =	vld [tilespmem:$0x1F00]  }
0x93: {  	v1 =	vld [tilespmem:$0x1F10]  }
0x94: {  	v2 =	vld [tilespmem:$0x1F20]  }
0x95: {  	v3 =	vld [tilespmem:$0x1F30]  }
0x96: {  	v4 =	vld [tilespmem:$0x1F40]  }
0x97: {  	v51 =	vld [tilespmem:$0x1F50];
	[tilespmem:$0x4000] =	vst v0  }
0x98: {  	v52 =	vld [tilespmem:$0x1F60];
	[tilespmem:$0x4010] =	vst v1  }
0x99: {  	v53 =	vld [tilespmem:$0x1F70];
	[tilespmem:$0x4020] =	vst v2  }
0x9a: {  	[tilespmem:$0x4030] =	vst v3  }
0x9b: {  	[tilespmem:$0x4040] =	vst v4  }
0x9c: {  	[tilespmem:$0x4050] =	vst v51  }
0x9d: {  	[tilespmem:$0x4060] =	vst v52  }
0x9e: {  	[tilespmem:$0x4070] =	vst v53  }
0x9f: {  	[spmem:s1] =	stream.indirect.scatter.add.f32 [tilespmem:s26], [sflag:$0x4], $0x80, s30, s25, $0xb8;
	[tilespmem:$0x1FC80] =	vst v63  }
0xa0: {  	_ =	swait.ge [sflag:s21], $0x4000  }
0xa1: {  	[sflag:s21] =	ssyncset.done $0x0  }
0xa2: {  	[sflag:s21] =	ssyncadd.s32 $0xFFFFC000  }
0xa3: {  	_ =	swait.ge [sflag:s31], $0x4000  }
0xa4: {  	[sflag:s31] =	ssyncset.done $0x0  }
0xa5: {  	[sflag:s31] =	ssyncadd.s32 $0xFFFFC000  }
0xa6: {  	v54 =	vld [tilespmem:$0x1F80]  }
0xa7: {  	v55 =	vld [tilespmem:$0x1F90]  }
0xa8: {  	v56 =	vld [tilespmem:$0x1FA0]  }
0xa9: {  	v57 =	vld [tilespmem:$0x1FB0]  }
0xaa: {  	v58 =	vld [tilespmem:$0x1FC0]  }
0xab: {  	v59 =	vld [tilespmem:$0x1FD0];
	[tilespmem:$0x4000] =	vst v54  }
0xac: {  	v60 =	vld [tilespmem:$0x1FE0];
	[tilespmem:$0x4010] =	vst v55  }
0xad: {  	v61 =	vld [tilespmem:$0x1FF0];
	[tilespmem:$0x4020] =	vst v56  }
0xae: {  	[tilespmem:$0x4030] =	vst v57  }
0xaf: {  	[tilespmem:$0x4040] =	vst v58  }
0xb0: {  	[tilespmem:$0x4050] =	vst v59  }
0xb1: {  	[tilespmem:$0x4060] =	vst v60  }
0xb2: {  	[tilespmem:$0x4070] =	vst v61  }
0xb3: {  	[spmem:s1] =	stream.indirect.scatter.add.f32 [tilespmem:s28], [sflag:$0x4], $0x80, s30, s25, $0xb8;
	[tilespmem:$0x1FC80] =	vst v63  }
0xb4: {  	_ =	swait.ge [sflag:s21], $0x4000  }
0xb5: {  	[sflag:s21] =	ssyncset.done $0x0  }
0xb6: {  	[sflag:s21] =	ssyncadd.s32 $0xFFFFC000  }
0xb7: {  	_ =	swait.ge [sflag:s22], $0x1000  }
0xb8: {  	[sflag:s22] =	ssyncset.done $0x0  }
0xb9: {  	[sflag:s22] =	ssyncadd.s32 $0xFFFFF000  }
0xba: {  	_ =	swait.ge [sflag:s22], $0x1000  }
0xbb: {  	[sflag:s22] =	ssyncset.done $0x0  }
0xbc: {  	s6 =	simm.s32 $0x0;
	[sflag:s22] =	ssyncadd.s32 $0xFFFFF000  }
0xbd: {  	[tilespmem:s6], [sflag:$0x3] =	stream.linear.gather [hbm4b:s12+s6], $0x1000, $0x38;
	[tilespmem:$0x1FC80] =	vst v63  }
0xbe: {  	_ = 	snop  }
0xbf: {  	[tilespmem:s20], [sflag:$0x3] =	stream.linear.gather [hbm4b:s13+s6], $0x1000, $0x38;
	[tilespmem:$0x1FC80] =	vst v63  }
0xc0: {  	_ = 	snop  }
0xc1: {  	[tilespmem:s26], [sflag:$0x1] =	stream.indirect.gather [hbm4b:s4+s25], $0x80, s23, s25, $0xb8;
	[tilespmem:$0x1FC80] =	vst v63  }
0xc2: {  	_ = 	snop  }
0xc3: {  	[tilespmem:s28], [sflag:$0x2] =	stream.indirect.gather [hbm4b:s4+s25], $0x80, s0, s25, $0xb8;
	[tilespmem:$0x1FC80] =	vst v63  }
0xc4: {  	_ =	swait.ge [sflag:s29], $0x4000  }
0xc5: {  	[sflag:s29] =	ssyncset.done $0x0  }
0xc6: {  	s6 =	simm.s32 $0x0;
	[sflag:s29] =	ssyncadd.s32 $0xFFFFC000  }
0xc7: {  	v62 =	vld [tilespmem:s6+$0x3000];
	_ =	sdelay $0x4  }
0xc8: {  	[tilespmem:$0x4000] =	vst v62  }
0xc9: {  	v0 =	vld [tilespmem:s6+$0x3010];
	_ =	sdelay $0x4  }
0xca: {  	[tilespmem:$0x4010] =	vst v0  }
0xcb: {  	v0 =	vld [tilespmem:s6+$0x3020];
	_ =	sdelay $0x4  }
0xcc: {  	[tilespmem:$0x4020] =	vst v0  }
0xcd: {  	v0 =	vld [tilespmem:s6+$0x3030];
	_ =	sdelay $0x4  }
0xce: {  	[tilespmem:$0x4030] =	vst v0  }
0xcf: {  	v0 =	vld [tilespmem:s6+$0x3040];
	_ =	sdelay $0x4  }
0xd0: {  	[tilespmem:$0x4040] =	vst v0  }
0xd1: {  	v0 =	vld [tilespmem:s6+$0x3050];
	_ =	sdelay $0x4  }
0xd2: {  	[tilespmem:$0x4050] =	vst v0  }
0xd3: {  	v0 =	vld [tilespmem:s6+$0x3060];
	_ =	sdelay $0x4  }
0xd4: {  	[tilespmem:$0x4060] =	vst v0  }
0xd5: {  	v0 =	vld [tilespmem:s6+$0x3070];
	_ =	sdelay $0x4  }
0xd6: {  	[tilespmem:$0x4070] =	vst v0  }
0xd7: {  	[spmem:s1] =	stream.indirect.scatter.add.f32 [tilespmem:s26], [sflag:$0x4], $0x80, s30, s25, $0xb8;
	[tilespmem:$0x1FC80] =	vst v63  }
0xd8: {  	_ =	swait.ge [sflag:s21], $0x4000  }
0xd9: {  	[sflag:s21] =	ssyncset.done $0x0  }
0xda: {  	s24 =	simm.s32 $0x2100;
	[sflag:s21] =	ssyncadd.s32 $0xFFFFC000  }
0xdb: {  	[tilespmem:s26], [sflag:$0x1] =	stream.indirect.gather [hbm4b:s4+s25], $0x80, s24, s25, $0xb8;
	[tilespmem:$0x1FC80] =	vst v63  }
0xdc: {  	_ =	swait.ge [sflag:s31], $0x4000  }
0xdd: {  	[sflag:s31] =	ssyncset.done $0x0  }
0xde: {  	[sflag:s31] =	ssyncadd.s32 $0xFFFFC000  }
0xdf: {  	v63 =	vld [tilespmem:s6+$0x3080];
	_ =	sdelay $0x4  }
0xe0: {  	[tilespmem:$0x4000] =	vst v63  }
0xe1: {  	v0 =	vld [tilespmem:s6+$0x3090];
	_ =	sdelay $0x4  }
0xe2: {  	[tilespmem:$0x4010] =	vst v0  }
0xe3: {  	v0 =	vld [tilespmem:s6+$0x30A0];
	_ =	sdelay $0x4  }
0xe4: {  	[tilespmem:$0x4020] =	vst v0  }
0xe5: {  	v0 =	vld [tilespmem:s6+$0x30B0];
	_ =	sdelay $0x4  }
0xe6: {  	[tilespmem:$0x4030] =	vst v0  }
0xe7: {  	v0 =	vld [tilespmem:s6+$0x30C0];
	_ =	sdelay $0x4  }
0xe8: {  	[tilespmem:$0x4040] =	vst v0  }
0xe9: {  	v0 =	vld [tilespmem:s6+$0x30D0];
	_ =	sdelay $0x4  }
0xea: {  	[tilespmem:$0x4050] =	vst v0  }
0xeb: {  	v0 =	vld [tilespmem:s6+$0x30E0];
	_ =	sdelay $0x4  }
0xec: {  	[tilespmem:$0x4060] =	vst v0  }
0xed: {  	v0 =	vld [tilespmem:s6+$0x30F0];
	_ =	sdelay $0x4  }
0xee: {  	[tilespmem:$0x4070] =	vst v0  }
0xef: {  	[spmem:s1] =	stream.indirect.scatter.add.f32 [tilespmem:s28], [sflag:$0x4], $0x80, s30, s25, $0xb8;
	[tilespmem:$0x1FC80] =	vst v63  }
0xf0: {  	_ =	swait.ge [sflag:s21], $0x4000  }
0xf1: {  	[sflag:s21] =	ssyncset.done $0x0  }
0xf2: {  	s7 =	simm.s32 $0x2180;
	s6 =	simm.s32 $0x400;
	[sflag:s21] =	ssyncadd.s32 $0xFFFFC000  }
.LBB2_4:
0xf3: {  	[tilespmem:s28], [sflag:$0x2] =	stream.indirect.gather [hbm4b:s4+s25], $0x80, s7, s25, $0xb8;
	[tilespmem:$0x1FC80] =	vst v63  }
0xf4: {  	s7 =	smov.u32 s6  }
0xf5: {  	p0 =	sne.s32 s6, $0x3800;
	s6 =	sadd.s32 $0x400, s6;
	_ =	swait.ge [sflag:s29], $0x4000  }
0xf6: {  	[sflag:s29] =	ssyncset.done $0x0  }
0xf7: {  	s7 =	sshra.s32 s7, $0x2;
	[sflag:s29] =	ssyncadd.s32 $0xFFFFC000  }
0xf8: {  	v0 =	vld [tilespmem:s7+$0x3000];
	_ =	sdelay $0x4  }
0xf9: {  	[tilespmem:$0x4000] =	vst v0  }
0xfa: {  	v0 =	vld [tilespmem:s7+$0x3010];
	_ =	sdelay $0x4  }
0xfb: {  	[tilespmem:$0x4010] =	vst v0  }
0xfc: {  	v0 =	vld [tilespmem:s7+$0x3020];
	_ =	sdelay $0x4  }
0xfd: {  	[tilespmem:$0x4020] =	vst v0  }
0xfe: {  	v0 =	vld [tilespmem:s7+$0x3030];
	_ =	sdelay $0x4  }
0xff: {  	[tilespmem:$0x4030] =	vst v0  }
0x100: {  	v0 =	vld [tilespmem:s7+$0x3040];
	_ =	sdelay $0x4  }
0x101: {  	[tilespmem:$0x4040] =	vst v0  }
0x102: {  	v0 =	vld [tilespmem:s7+$0x3050];
	_ =	sdelay $0x4  }
0x103: {  	[tilespmem:$0x4050] =	vst v0  }
0x104: {  	v0 =	vld [tilespmem:s7+$0x3060];
	_ =	sdelay $0x4  }
0x105: {  	[tilespmem:$0x4060] =	vst v0  }
0x106: {  	v0 =	vld [tilespmem:s7+$0x3070];
	_ =	sdelay $0x4  }
0x107: {  	[tilespmem:$0x4070] =	vst v0  }
0x108: {  	[spmem:s1] =	stream.indirect.scatter.add.f32 [tilespmem:s26], [sflag:$0x4], $0x80, s30, s25, $0xb8;
	[tilespmem:$0x1FC80] =	vst v63  }
0x109: {  	_ =	swait.ge [sflag:s21], $0x4000  }
0x10a: {  	[sflag:s21] =	ssyncset.done $0x0  }
0x10b: {  	s24 =	sadd.s32 $0x2100, s7;
	[sflag:s21] =	ssyncadd.s32 $0xFFFFC000  }
0x10c: {  	[tilespmem:s26], [sflag:$0x1] =	stream.indirect.gather [hbm4b:s4+s25], $0x80, s24, s25, $0xb8;
	[tilespmem:$0x1FC80] =	vst v63  }
0x10d: {  	_ =	swait.ge [sflag:s31], $0x4000  }
0x10e: {  	[sflag:s31] =	ssyncset.done $0x0  }
0x10f: {  	[sflag:s31] =	ssyncadd.s32 $0xFFFFC000  }
0x110: {  	v0 =	vld [tilespmem:s7+$0x3080];
	_ =	sdelay $0x4  }
0x111: {  	[tilespmem:$0x4000] =	vst v0  }
0x112: {  	v0 =	vld [tilespmem:s7+$0x3090];
	_ =	sdelay $0x4  }
0x113: {  	[tilespmem:$0x4010] =	vst v0  }
0x114: {  	v0 =	vld [tilespmem:s7+$0x30A0];
	_ =	sdelay $0x4  }
0x115: {  	[tilespmem:$0x4020] =	vst v0  }
0x116: {  	v0 =	vld [tilespmem:s7+$0x30B0];
	_ =	sdelay $0x4  }
0x117: {  	[tilespmem:$0x4030] =	vst v0  }
0x118: {  	v0 =	vld [tilespmem:s7+$0x30C0];
	_ =	sdelay $0x4  }
0x119: {  	[tilespmem:$0x4040] =	vst v0  }
0x11a: {  	v0 =	vld [tilespmem:s7+$0x30D0];
	_ =	sdelay $0x4  }
0x11b: {  	[tilespmem:$0x4050] =	vst v0  }
0x11c: {  	v0 =	vld [tilespmem:s7+$0x30E0];
	_ =	sdelay $0x4  }
0x11d: {  	[tilespmem:$0x4060] =	vst v0  }
0x11e: {  	v0 =	vld [tilespmem:s7+$0x30F0];
	_ =	sdelay $0x4  }
.Ltmp1:
0x11f: {  	[tilespmem:$0x4070] =	vst v0;
	(pc) =	sbr.rel @p0 .LBB2_4-.Ltmp1, $4  }
0x120: {  	[spmem:s1] =	stream.indirect.scatter.add.f32 [tilespmem:s28], [sflag:$0x4], $0x80, s30, s25, $0xb8;
	[tilespmem:$0x1FC80] =	vst v63  }
0x121: {  	_ =	swait.ge [sflag:s21], $0x4000  }
0x122: {  	[sflag:s21] =	ssyncset.done $0x0  }
0x123: {  	s7 =	sadd.s32 $0x2180, s7;
	[sflag:s21] =	ssyncadd.s32 $0xFFFFC000  }
0x124: {  	[tilespmem:s28], [sflag:$0x2] =	stream.indirect.gather [hbm4b:s4+s25], $0x80, s7, s25, $0xb8;
	[tilespmem:$0x1FC80] =	vst v63  }
0x125: {  	_ =	swait.ge [sflag:s29], $0x4000  }
0x126: {  	[sflag:s29] =	ssyncset.done $0x0  }
0x127: {  	[sflag:s29] =	ssyncadd.s32 $0xFFFFC000  }
0x128: {  	v0 =	vld [tilespmem:$0x3F00]  }
0x129: {  	v1 =	vld [tilespmem:$0x3F10]  }
0x12a: {  	v2 =	vld [tilespmem:$0x3F20]  }
0x12b: {  	v3 =	vld [tilespmem:$0x3F30]  }
0x12c: {  	v4 =	vld [tilespmem:$0x3F40]  }
0x12d: {  	v51 =	vld [tilespmem:$0x3F50];
	[tilespmem:$0x4000] =	vst v0  }
0x12e: {  	v52 =	vld [tilespmem:$0x3F60];
	[tilespmem:$0x4010] =	vst v1  }
0x12f: {  	v53 =	vld [tilespmem:$0x3F70];
	[tilespmem:$0x4020] =	vst v2  }
0x130: {  	[tilespmem:$0x4030] =	vst v3  }
0x131: {  	[tilespmem:$0x4040] =	vst v4  }
0x132: {  	[tilespmem:$0x4050] =	vst v51  }
0x133: {  	[tilespmem:$0x4060] =	vst v52  }
0x134: {  	[tilespmem:$0x4070] =	vst v53  }
0x135: {  	[spmem:s1] =	stream.indirect.scatter.add.f32 [tilespmem:s26], [sflag:$0x4], $0x80, s30, s25, $0xb8;
	[tilespmem:$0x1FC80] =	vst v63  }
0x136: {  	_ =	swait.ge [sflag:s21], $0x4000  }
0x137: {  	[sflag:s21] =	ssyncset.done $0x0  }
0x138: {  	[sflag:s21] =	ssyncadd.s32 $0xFFFFC000  }
0x139: {  	_ =	swait.ge [sflag:s31], $0x4000  }
0x13a: {  	[sflag:s31] =	ssyncset.done $0x0  }
0x13b: {  	[sflag:s31] =	ssyncadd.s32 $0xFFFFC000  }
0x13c: {  	v54 =	vld [tilespmem:$0x3F80]  }
0x13d: {  	v55 =	vld [tilespmem:$0x3F90]  }
0x13e: {  	v56 =	vld [tilespmem:$0x3FA0]  }
0x13f: {  	v57 =	vld [tilespmem:$0x3FB0]  }
0x140: {  	v58 =	vld [tilespmem:$0x3FC0]  }
0x141: {  	v59 =	vld [tilespmem:$0x3FD0];
	[tilespmem:$0x4000] =	vst v54  }
0x142: {  	v60 =	vld [tilespmem:$0x3FE0];
	[tilespmem:$0x4010] =	vst v55  }
0x143: {  	v61 =	vld [tilespmem:$0x3FF0];
	[tilespmem:$0x4020] =	vst v56  }
0x144: {  	[tilespmem:$0x4030] =	vst v57  }
0x145: {  	[tilespmem:$0x4040] =	vst v58  }
0x146: {  	[tilespmem:$0x4050] =	vst v59  }
0x147: {  	[tilespmem:$0x4060] =	vst v60  }
0x148: {  	[tilespmem:$0x4070] =	vst v61  }
0x149: {  	[spmem:s1] =	stream.indirect.scatter.add.f32 [tilespmem:s28], [sflag:$0x4], $0x80, s30, s25, $0xb8;
	[tilespmem:$0x1FC80] =	vst v63  }
0x14a: {  	_ =	swait.ge [sflag:s21], $0x4000  }
0x14b: {  	[sflag:s21] =	ssyncset.done $0x0  }
0x14c: {  	[sflag:s21] =	ssyncadd.s32 $0xFFFFC000  }
0x14d: {  	_ =	swait.ge [sflag:s22], $0x1000  }
0x14e: {  	[sflag:s22] =	ssyncset.done $0x0  }
0x14f: {  	[sflag:s22] =	ssyncadd.s32 $0xFFFFF000  }
0x150: {  	_ =	swait.ge [sflag:s22], $0x1000  }
0x151: {  	[sflag:s22] =	ssyncset.done $0x0  }
0x152: {  	s6 =	simm.s32 $0x0;
	[sflag:s22] =	ssyncadd.s32 $0xFFFFF000  }
0x153: {  	[tilespmem:s23], [sflag:$0x3] =	stream.linear.gather [hbm4b:s14+s6], $0x1000, $0x38;
	[tilespmem:$0x1FC80] =	vst v63  }
0x154: {  	s24 =	simm.s32 $0x3000  }
0x155: {  	[tilespmem:s24], [sflag:$0x3] =	stream.linear.gather [hbm4b:s15+s6], $0x1000, $0x38;
	[tilespmem:$0x1FC80] =	vst v63  }
0x156: {  	_ = 	snop  }
0x157: {  	[tilespmem:s26], [sflag:$0x1] =	stream.indirect.gather [hbm4b:s4+s25], $0x80, s6, s25, $0xb8;
	[tilespmem:$0x1FC80] =	vst v63  }
0x158: {  	_ = 	snop  }
0x159: {  	[tilespmem:s28], [sflag:$0x2] =	stream.indirect.gather [hbm4b:s4+s25], $0x80, s25, s25, $0xb8;
	[tilespmem:$0x1FC80] =	vst v63  }
0x15a: {  	_ =	swait.ge [sflag:s29], $0x4000  }
0x15b: {  	[sflag:s29] =	ssyncset.done $0x0  }
0x15c: {  	s6 =	simm.s32 $0x0;
	[sflag:s29] =	ssyncadd.s32 $0xFFFFC000  }
0x15d: {  	v62 =	vld [tilespmem:s6+$0x1000];
	_ =	sdelay $0x4  }
0x15e: {  	[tilespmem:$0x4000] =	vst v62  }
0x15f: {  	v0 =	vld [tilespmem:s6+$0x1010];
	_ =	sdelay $0x4  }
0x160: {  	[tilespmem:$0x4010] =	vst v0  }
0x161: {  	v0 =	vld [tilespmem:s6+$0x1020];
	_ =	sdelay $0x4  }
0x162: {  	[tilespmem:$0x4020] =	vst v0  }
0x163: {  	v0 =	vld [tilespmem:s6+$0x1030];
	_ =	sdelay $0x4  }
0x164: {  	[tilespmem:$0x4030] =	vst v0  }
0x165: {  	v0 =	vld [tilespmem:s6+$0x1040];
	_ =	sdelay $0x4  }
0x166: {  	[tilespmem:$0x4040] =	vst v0  }
0x167: {  	v0 =	vld [tilespmem:s6+$0x1050];
	_ =	sdelay $0x4  }
0x168: {  	[tilespmem:$0x4050] =	vst v0  }
0x169: {  	v0 =	vld [tilespmem:s6+$0x1060];
	_ =	sdelay $0x4  }
0x16a: {  	[tilespmem:$0x4060] =	vst v0  }
0x16b: {  	v0 =	vld [tilespmem:s6+$0x1070];
	_ =	sdelay $0x4  }
0x16c: {  	[tilespmem:$0x4070] =	vst v0  }
0x16d: {  	[spmem:s1] =	stream.indirect.scatter.add.f32 [tilespmem:s26], [sflag:$0x4], $0x80, s30, s25, $0xb8;
	[tilespmem:$0x1FC80] =	vst v63  }
0x16e: {  	_ =	swait.ge [sflag:s21], $0x4000  }
0x16f: {  	[sflag:s21] =	ssyncset.done $0x0  }
0x170: {  	s24 =	simm.s32 $0x100;
	[sflag:s21] =	ssyncadd.s32 $0xFFFFC000  }
0x171: {  	[tilespmem:s26], [sflag:$0x1] =	stream.indirect.gather [hbm4b:s4+s25], $0x80, s24, s25, $0xb8;
	[tilespmem:$0x1FC80] =	vst v63  }
0x172: {  	_ =	swait.ge [sflag:s31], $0x4000  }
0x173: {  	[sflag:s31] =	ssyncset.done $0x0  }
0x174: {  	[sflag:s31] =	ssyncadd.s32 $0xFFFFC000  }
0x175: {  	v63 =	vld [tilespmem:s6+$0x1080];
	_ =	sdelay $0x4  }
0x176: {  	[tilespmem:$0x4000] =	vst v63  }
0x177: {  	v0 =	vld [tilespmem:s6+$0x1090];
	_ =	sdelay $0x4  }
0x178: {  	[tilespmem:$0x4010] =	vst v0  }
0x179: {  	v0 =	vld [tilespmem:s6+$0x10A0];
	_ =	sdelay $0x4  }
0x17a: {  	[tilespmem:$0x4020] =	vst v0  }
0x17b: {  	v0 =	vld [tilespmem:s6+$0x10B0];
	_ =	sdelay $0x4  }
0x17c: {  	[tilespmem:$0x4030] =	vst v0  }
0x17d: {  	v0 =	vld [tilespmem:s6+$0x10C0];
	_ =	sdelay $0x4  }
0x17e: {  	[tilespmem:$0x4040] =	vst v0  }
0x17f: {  	v0 =	vld [tilespmem:s6+$0x10D0];
	_ =	sdelay $0x4  }
0x180: {  	[tilespmem:$0x4050] =	vst v0  }
0x181: {  	v0 =	vld [tilespmem:s6+$0x10E0];
	_ =	sdelay $0x4  }
0x182: {  	[tilespmem:$0x4060] =	vst v0  }
0x183: {  	v0 =	vld [tilespmem:s6+$0x10F0];
	_ =	sdelay $0x4  }
0x184: {  	[tilespmem:$0x4070] =	vst v0  }
0x185: {  	[spmem:s1] =	stream.indirect.scatter.add.f32 [tilespmem:s28], [sflag:$0x4], $0x80, s30, s25, $0xb8;
	[tilespmem:$0x1FC80] =	vst v63  }
0x186: {  	_ =	swait.ge [sflag:s21], $0x4000  }
0x187: {  	[sflag:s21] =	ssyncset.done $0x0  }
0x188: {  	s7 =	simm.s32 $0x180;
	s6 =	simm.s32 $0x400;
	[sflag:s21] =	ssyncadd.s32 $0xFFFFC000  }
.LBB2_6:
0x189: {  	[tilespmem:s28], [sflag:$0x2] =	stream.indirect.gather [hbm4b:s4+s25], $0x80, s7, s25, $0xb8;
	[tilespmem:$0x1FC80] =	vst v63  }
0x18a: {  	s7 =	smov.u32 s6  }
0x18b: {  	p0 =	sne.s32 s6, $0x3800;
	s6 =	sadd.s32 $0x400, s6;
	_ =	swait.ge [sflag:s29], $0x4000  }
0x18c: {  	[sflag:s29] =	ssyncset.done $0x0  }
0x18d: {  	s7 =	sshra.s32 s7, $0x2;
	[sflag:s29] =	ssyncadd.s32 $0xFFFFC000  }
0x18e: {  	v0 =	vld [tilespmem:s7+$0x1000];
	_ =	sdelay $0x4  }
0x18f: {  	[tilespmem:$0x4000] =	vst v0  }
0x190: {  	v0 =	vld [tilespmem:s7+$0x1010];
	_ =	sdelay $0x4  }
0x191: {  	[tilespmem:$0x4010] =	vst v0  }
0x192: {  	v0 =	vld [tilespmem:s7+$0x1020];
	_ =	sdelay $0x4  }
0x193: {  	[tilespmem:$0x4020] =	vst v0  }
0x194: {  	v0 =	vld [tilespmem:s7+$0x1030];
	_ =	sdelay $0x4  }
0x195: {  	[tilespmem:$0x4030] =	vst v0  }
0x196: {  	v0 =	vld [tilespmem:s7+$0x1040];
	_ =	sdelay $0x4  }
0x197: {  	[tilespmem:$0x4040] =	vst v0  }
0x198: {  	v0 =	vld [tilespmem:s7+$0x1050];
	_ =	sdelay $0x4  }
0x199: {  	[tilespmem:$0x4050] =	vst v0  }
0x19a: {  	v0 =	vld [tilespmem:s7+$0x1060];
	_ =	sdelay $0x4  }
0x19b: {  	[tilespmem:$0x4060] =	vst v0  }
0x19c: {  	v0 =	vld [tilespmem:s7+$0x1070];
	_ =	sdelay $0x4  }
0x19d: {  	[tilespmem:$0x4070] =	vst v0  }
0x19e: {  	[spmem:s1] =	stream.indirect.scatter.add.f32 [tilespmem:s26], [sflag:$0x4], $0x80, s30, s25, $0xb8;
	[tilespmem:$0x1FC80] =	vst v63  }
0x19f: {  	_ =	swait.ge [sflag:s21], $0x4000  }
0x1a0: {  	[sflag:s21] =	ssyncset.done $0x0  }
0x1a1: {  	s24 =	sadd.s32 $0x100, s7;
	[sflag:s21] =	ssyncadd.s32 $0xFFFFC000  }
0x1a2: {  	[tilespmem:s26], [sflag:$0x1] =	stream.indirect.gather [hbm4b:s4+s25], $0x80, s24, s25, $0xb8;
	[tilespmem:$0x1FC80] =	vst v63  }
0x1a3: {  	_ =	swait.ge [sflag:s31], $0x4000  }
0x1a4: {  	[sflag:s31] =	ssyncset.done $0x0  }
0x1a5: {  	[sflag:s31] =	ssyncadd.s32 $0xFFFFC000  }
0x1a6: {  	v0 =	vld [tilespmem:s7+$0x1080];
	_ =	sdelay $0x4  }
0x1a7: {  	[tilespmem:$0x4000] =	vst v0  }
0x1a8: {  	v0 =	vld [tilespmem:s7+$0x1090];
	_ =	sdelay $0x4  }
0x1a9: {  	[tilespmem:$0x4010] =	vst v0  }
0x1aa: {  	v0 =	vld [tilespmem:s7+$0x10A0];
	_ =	sdelay $0x4  }
0x1ab: {  	[tilespmem:$0x4020] =	vst v0  }
0x1ac: {  	v0 =	vld [tilespmem:s7+$0x10B0];
	_ =	sdelay $0x4  }
0x1ad: {  	[tilespmem:$0x4030] =	vst v0  }
0x1ae: {  	v0 =	vld [tilespmem:s7+$0x10C0];
	_ =	sdelay $0x4  }
0x1af: {  	[tilespmem:$0x4040] =	vst v0  }
0x1b0: {  	v0 =	vld [tilespmem:s7+$0x10D0];
	_ =	sdelay $0x4  }
0x1b1: {  	[tilespmem:$0x4050] =	vst v0  }
0x1b2: {  	v0 =	vld [tilespmem:s7+$0x10E0];
	_ =	sdelay $0x4  }
0x1b3: {  	[tilespmem:$0x4060] =	vst v0  }
0x1b4: {  	v0 =	vld [tilespmem:s7+$0x10F0];
	_ =	sdelay $0x4  }
.Ltmp2:
0x1b5: {  	[tilespmem:$0x4070] =	vst v0;
	(pc) =	sbr.rel @p0 .LBB2_6-.Ltmp2, $4  }
0x1b6: {  	[spmem:s1] =	stream.indirect.scatter.add.f32 [tilespmem:s28], [sflag:$0x4], $0x80, s30, s25, $0xb8;
	[tilespmem:$0x1FC80] =	vst v63  }
0x1b7: {  	_ =	swait.ge [sflag:s21], $0x4000  }
0x1b8: {  	[sflag:s21] =	ssyncset.done $0x0  }
0x1b9: {  	s7 =	sadd.s32 $0x180, s7;
	[sflag:s21] =	ssyncadd.s32 $0xFFFFC000  }
0x1ba: {  	[tilespmem:s28], [sflag:$0x2] =	stream.indirect.gather [hbm4b:s4+s25], $0x80, s7, s25, $0xb8;
	[tilespmem:$0x1FC80] =	vst v63  }
0x1bb: {  	_ =	swait.ge [sflag:s29], $0x4000  }
0x1bc: {  	[sflag:s29] =	ssyncset.done $0x0  }
0x1bd: {  	[sflag:s29] =	ssyncadd.s32 $0xFFFFC000  }
0x1be: {  	v0 =	vld [tilespmem:$0x1F00]  }
0x1bf: {  	v1 =	vld [tilespmem:$0x1F10]  }
0x1c0: {  	v2 =	vld [tilespmem:$0x1F20]  }
0x1c1: {  	v3 =	vld [tilespmem:$0x1F30]  }
0x1c2: {  	v4 =	vld [tilespmem:$0x1F40]  }
0x1c3: {  	v51 =	vld [tilespmem:$0x1F50];
	[tilespmem:$0x4000] =	vst v0  }
0x1c4: {  	v52 =	vld [tilespmem:$0x1F60];
	[tilespmem:$0x4010] =	vst v1  }
0x1c5: {  	v53 =	vld [tilespmem:$0x1F70];
	[tilespmem:$0x4020] =	vst v2  }
0x1c6: {  	[tilespmem:$0x4030] =	vst v3  }
0x1c7: {  	[tilespmem:$0x4040] =	vst v4  }
0x1c8: {  	[tilespmem:$0x4050] =	vst v51  }
0x1c9: {  	[tilespmem:$0x4060] =	vst v52  }
0x1ca: {  	[tilespmem:$0x4070] =	vst v53  }
0x1cb: {  	[spmem:s1] =	stream.indirect.scatter.add.f32 [tilespmem:s26], [sflag:$0x4], $0x80, s30, s25, $0xb8;
	[tilespmem:$0x1FC80] =	vst v63  }
0x1cc: {  	_ =	swait.ge [sflag:s21], $0x4000  }
0x1cd: {  	[sflag:s21] =	ssyncset.done $0x0  }
0x1ce: {  	[sflag:s21] =	ssyncadd.s32 $0xFFFFC000  }
0x1cf: {  	_ =	swait.ge [sflag:s31], $0x4000  }
0x1d0: {  	[sflag:s31] =	ssyncset.done $0x0  }
0x1d1: {  	[sflag:s31] =	ssyncadd.s32 $0xFFFFC000  }
0x1d2: {  	v54 =	vld [tilespmem:$0x1F80]  }
0x1d3: {  	v55 =	vld [tilespmem:$0x1F90]  }
0x1d4: {  	v56 =	vld [tilespmem:$0x1FA0]  }
0x1d5: {  	v57 =	vld [tilespmem:$0x1FB0]  }
0x1d6: {  	v58 =	vld [tilespmem:$0x1FC0]  }
0x1d7: {  	v59 =	vld [tilespmem:$0x1FD0];
	[tilespmem:$0x4000] =	vst v54  }
0x1d8: {  	v60 =	vld [tilespmem:$0x1FE0];
	[tilespmem:$0x4010] =	vst v55  }
0x1d9: {  	v61 =	vld [tilespmem:$0x1FF0];
	[tilespmem:$0x4020] =	vst v56  }
0x1da: {  	[tilespmem:$0x4030] =	vst v57  }
0x1db: {  	[tilespmem:$0x4040] =	vst v58  }
0x1dc: {  	[tilespmem:$0x4050] =	vst v59  }
0x1dd: {  	[tilespmem:$0x4060] =	vst v60  }
0x1de: {  	[tilespmem:$0x4070] =	vst v61  }
0x1df: {  	[spmem:s1] =	stream.indirect.scatter.add.f32 [tilespmem:s28], [sflag:$0x4], $0x80, s30, s25, $0xb8;
	[tilespmem:$0x1FC80] =	vst v63  }
0x1e0: {  	_ =	swait.ge [sflag:s21], $0x4000  }
0x1e1: {  	[sflag:s21] =	ssyncset.done $0x0  }
0x1e2: {  	[sflag:s21] =	ssyncadd.s32 $0xFFFFC000  }
0x1e3: {  	_ =	swait.ge [sflag:s22], $0x1000  }
0x1e4: {  	[sflag:s22] =	ssyncset.done $0x0  }
0x1e5: {  	[sflag:s22] =	ssyncadd.s32 $0xFFFFF000  }
0x1e6: {  	_ =	swait.ge [sflag:s22], $0x1000  }
0x1e7: {  	[sflag:s22] =	ssyncset.done $0x0  }
0x1e8: {  	s6 =	simm.s32 $0x0;
	[sflag:s22] =	ssyncadd.s32 $0xFFFFF000  }
0x1e9: {  	[tilespmem:s6], [sflag:$0x3] =	stream.linear.gather [hbm4b:s16+s6], $0x1000, $0x38;
	[tilespmem:$0x1FC80] =	vst v63  }
0x1ea: {  	_ = 	snop  }
0x1eb: {  	[tilespmem:s20], [sflag:$0x3] =	stream.linear.gather [hbm4b:s17+s6], $0x1000, $0x38;
	[tilespmem:$0x1FC80] =	vst v63  }
0x1ec: {  	_ = 	snop  }
0x1ed: {  	[tilespmem:s26], [sflag:$0x1] =	stream.indirect.gather [hbm4b:s4+s25], $0x80, s23, s25, $0xb8;
	[tilespmem:$0x1FC80] =	vst v63  }
0x1ee: {  	_ = 	snop  }
0x1ef: {  	[tilespmem:s28], [sflag:$0x2] =	stream.indirect.gather [hbm4b:s4+s25], $0x80, s0, s25, $0xb8;
	[tilespmem:$0x1FC80] =	vst v63  }
0x1f0: {  	_ =	swait.ge [sflag:s29], $0x4000  }
0x1f1: {  	[sflag:s29] =	ssyncset.done $0x0  }
0x1f2: {  	s6 =	simm.s32 $0x0;
	[sflag:s29] =	ssyncadd.s32 $0xFFFFC000  }
0x1f3: {  	v62 =	vld [tilespmem:s6+$0x3000];
	_ =	sdelay $0x4  }
0x1f4: {  	[tilespmem:$0x4000] =	vst v62  }
0x1f5: {  	v0 =	vld [tilespmem:s6+$0x3010];
	_ =	sdelay $0x4  }
0x1f6: {  	[tilespmem:$0x4010] =	vst v0  }
0x1f7: {  	v0 =	vld [tilespmem:s6+$0x3020];
	_ =	sdelay $0x4  }
0x1f8: {  	[tilespmem:$0x4020] =	vst v0  }
0x1f9: {  	v0 =	vld [tilespmem:s6+$0x3030];
	_ =	sdelay $0x4  }
0x1fa: {  	[tilespmem:$0x4030] =	vst v0  }
0x1fb: {  	v0 =	vld [tilespmem:s6+$0x3040];
	_ =	sdelay $0x4  }
0x1fc: {  	[tilespmem:$0x4040] =	vst v0  }
0x1fd: {  	v0 =	vld [tilespmem:s6+$0x3050];
	_ =	sdelay $0x4  }
0x1fe: {  	[tilespmem:$0x4050] =	vst v0  }
0x1ff: {  	v0 =	vld [tilespmem:s6+$0x3060];
	_ =	sdelay $0x4  }
0x200: {  	[tilespmem:$0x4060] =	vst v0  }
0x201: {  	v0 =	vld [tilespmem:s6+$0x3070];
	_ =	sdelay $0x4  }
0x202: {  	[tilespmem:$0x4070] =	vst v0  }
0x203: {  	[spmem:s1] =	stream.indirect.scatter.add.f32 [tilespmem:s26], [sflag:$0x4], $0x80, s30, s25, $0xb8;
	[tilespmem:$0x1FC80] =	vst v63  }
0x204: {  	_ =	swait.ge [sflag:s21], $0x4000  }
0x205: {  	[sflag:s21] =	ssyncset.done $0x0  }
0x206: {  	s24 =	simm.s32 $0x2100;
	[sflag:s21] =	ssyncadd.s32 $0xFFFFC000  }
0x207: {  	[tilespmem:s26], [sflag:$0x1] =	stream.indirect.gather [hbm4b:s4+s25], $0x80, s24, s25, $0xb8;
	[tilespmem:$0x1FC80] =	vst v63  }
0x208: {  	_ =	swait.ge [sflag:s31], $0x4000  }
0x209: {  	[sflag:s31] =	ssyncset.done $0x0  }
0x20a: {  	[sflag:s31] =	ssyncadd.s32 $0xFFFFC000  }
0x20b: {  	v63 =	vld [tilespmem:s6+$0x3080];
	_ =	sdelay $0x4  }
0x20c: {  	[tilespmem:$0x4000] =	vst v63  }
0x20d: {  	v0 =	vld [tilespmem:s6+$0x3090];
	_ =	sdelay $0x4  }
0x20e: {  	[tilespmem:$0x4010] =	vst v0  }
0x20f: {  	v0 =	vld [tilespmem:s6+$0x30A0];
	_ =	sdelay $0x4  }
0x210: {  	[tilespmem:$0x4020] =	vst v0  }
0x211: {  	v0 =	vld [tilespmem:s6+$0x30B0];
	_ =	sdelay $0x4  }
0x212: {  	[tilespmem:$0x4030] =	vst v0  }
0x213: {  	v0 =	vld [tilespmem:s6+$0x30C0];
	_ =	sdelay $0x4  }
0x214: {  	[tilespmem:$0x4040] =	vst v0  }
0x215: {  	v0 =	vld [tilespmem:s6+$0x30D0];
	_ =	sdelay $0x4  }
0x216: {  	[tilespmem:$0x4050] =	vst v0  }
0x217: {  	v0 =	vld [tilespmem:s6+$0x30E0];
	_ =	sdelay $0x4  }
0x218: {  	[tilespmem:$0x4060] =	vst v0  }
0x219: {  	v0 =	vld [tilespmem:s6+$0x30F0];
	_ =	sdelay $0x4  }
0x21a: {  	[tilespmem:$0x4070] =	vst v0  }
0x21b: {  	[spmem:s1] =	stream.indirect.scatter.add.f32 [tilespmem:s28], [sflag:$0x4], $0x80, s30, s25, $0xb8;
	[tilespmem:$0x1FC80] =	vst v63  }
0x21c: {  	_ =	swait.ge [sflag:s21], $0x4000  }
0x21d: {  	[sflag:s21] =	ssyncset.done $0x0  }
0x21e: {  	s7 =	simm.s32 $0x2180;
	s6 =	simm.s32 $0x400;
	[sflag:s21] =	ssyncadd.s32 $0xFFFFC000  }
.LBB2_8:
0x21f: {  	[tilespmem:s28], [sflag:$0x2] =	stream.indirect.gather [hbm4b:s4+s25], $0x80, s7, s25, $0xb8;
	[tilespmem:$0x1FC80] =	vst v63  }
0x220: {  	s7 =	smov.u32 s6  }
0x221: {  	p0 =	sne.s32 s6, $0x3800;
	s6 =	sadd.s32 $0x400, s6;
	_ =	swait.ge [sflag:s29], $0x4000  }
0x222: {  	[sflag:s29] =	ssyncset.done $0x0  }
0x223: {  	s7 =	sshra.s32 s7, $0x2;
	[sflag:s29] =	ssyncadd.s32 $0xFFFFC000  }
0x224: {  	v0 =	vld [tilespmem:s7+$0x3000];
	_ =	sdelay $0x4  }
0x225: {  	[tilespmem:$0x4000] =	vst v0  }
0x226: {  	v0 =	vld [tilespmem:s7+$0x3010];
	_ =	sdelay $0x4  }
0x227: {  	[tilespmem:$0x4010] =	vst v0  }
0x228: {  	v0 =	vld [tilespmem:s7+$0x3020];
	_ =	sdelay $0x4  }
0x229: {  	[tilespmem:$0x4020] =	vst v0  }
0x22a: {  	v0 =	vld [tilespmem:s7+$0x3030];
	_ =	sdelay $0x4  }
0x22b: {  	[tilespmem:$0x4030] =	vst v0  }
0x22c: {  	v0 =	vld [tilespmem:s7+$0x3040];
	_ =	sdelay $0x4  }
0x22d: {  	[tilespmem:$0x4040] =	vst v0  }
0x22e: {  	v0 =	vld [tilespmem:s7+$0x3050];
	_ =	sdelay $0x4  }
0x22f: {  	[tilespmem:$0x4050] =	vst v0  }
0x230: {  	v0 =	vld [tilespmem:s7+$0x3060];
	_ =	sdelay $0x4  }
0x231: {  	[tilespmem:$0x4060] =	vst v0  }
0x232: {  	v0 =	vld [tilespmem:s7+$0x3070];
	_ =	sdelay $0x4  }
0x233: {  	[tilespmem:$0x4070] =	vst v0  }
0x234: {  	[spmem:s1] =	stream.indirect.scatter.add.f32 [tilespmem:s26], [sflag:$0x4], $0x80, s30, s25, $0xb8;
	[tilespmem:$0x1FC80] =	vst v63  }
0x235: {  	_ =	swait.ge [sflag:s21], $0x4000  }
0x236: {  	[sflag:s21] =	ssyncset.done $0x0  }
0x237: {  	s24 =	sadd.s32 $0x2100, s7;
	[sflag:s21] =	ssyncadd.s32 $0xFFFFC000  }
0x238: {  	[tilespmem:s26], [sflag:$0x1] =	stream.indirect.gather [hbm4b:s4+s25], $0x80, s24, s25, $0xb8;
	[tilespmem:$0x1FC80] =	vst v63  }
0x239: {  	_ =	swait.ge [sflag:s31], $0x4000  }
0x23a: {  	[sflag:s31] =	ssyncset.done $0x0  }
0x23b: {  	[sflag:s31] =	ssyncadd.s32 $0xFFFFC000  }
0x23c: {  	v0 =	vld [tilespmem:s7+$0x3080];
	_ =	sdelay $0x4  }
0x23d: {  	[tilespmem:$0x4000] =	vst v0  }
0x23e: {  	v0 =	vld [tilespmem:s7+$0x3090];
	_ =	sdelay $0x4  }
0x23f: {  	[tilespmem:$0x4010] =	vst v0  }
0x240: {  	v0 =	vld [tilespmem:s7+$0x30A0];
	_ =	sdelay $0x4  }
0x241: {  	[tilespmem:$0x4020] =	vst v0  }
0x242: {  	v0 =	vld [tilespmem:s7+$0x30B0];
	_ =	sdelay $0x4  }
0x243: {  	[tilespmem:$0x4030] =	vst v0  }
0x244: {  	v0 =	vld [tilespmem:s7+$0x30C0];
	_ =	sdelay $0x4  }
0x245: {  	[tilespmem:$0x4040] =	vst v0  }
0x246: {  	v0 =	vld [tilespmem:s7+$0x30D0];
	_ =	sdelay $0x4  }
0x247: {  	[tilespmem:$0x4050] =	vst v0  }
0x248: {  	v0 =	vld [tilespmem:s7+$0x30E0];
	_ =	sdelay $0x4  }
0x249: {  	[tilespmem:$0x4060] =	vst v0  }
0x24a: {  	v0 =	vld [tilespmem:s7+$0x30F0];
	_ =	sdelay $0x4  }
.Ltmp3:
0x24b: {  	[tilespmem:$0x4070] =	vst v0;
	(pc) =	sbr.rel @p0 .LBB2_8-.Ltmp3, $4  }
0x24c: {  	[spmem:s1] =	stream.indirect.scatter.add.f32 [tilespmem:s28], [sflag:$0x4], $0x80, s30, s25, $0xb8;
	[tilespmem:$0x1FC80] =	vst v63  }
0x24d: {  	_ =	swait.ge [sflag:s21], $0x4000  }
0x24e: {  	[sflag:s21] =	ssyncset.done $0x0  }
0x24f: {  	s7 =	sadd.s32 $0x2180, s7;
	[sflag:s21] =	ssyncadd.s32 $0xFFFFC000  }
0x250: {  	[tilespmem:s28], [sflag:$0x2] =	stream.indirect.gather [hbm4b:s4+s25], $0x80, s7, s25, $0xb8;
	[tilespmem:$0x1FC80] =	vst v63  }
0x251: {  	_ =	swait.ge [sflag:s29], $0x4000  }
0x252: {  	[sflag:s29] =	ssyncset.done $0x0  }
0x253: {  	[sflag:s29] =	ssyncadd.s32 $0xFFFFC000  }
0x254: {  	v0 =	vld [tilespmem:$0x3F00]  }
0x255: {  	v1 =	vld [tilespmem:$0x3F10]  }
0x256: {  	v2 =	vld [tilespmem:$0x3F20]  }
0x257: {  	v3 =	vld [tilespmem:$0x3F30]  }
0x258: {  	v4 =	vld [tilespmem:$0x3F40]  }
0x259: {  	v51 =	vld [tilespmem:$0x3F50];
	[tilespmem:$0x4000] =	vst v0  }
0x25a: {  	v52 =	vld [tilespmem:$0x3F60];
	[tilespmem:$0x4010] =	vst v1  }
0x25b: {  	v53 =	vld [tilespmem:$0x3F70];
	[tilespmem:$0x4020] =	vst v2  }
0x25c: {  	[tilespmem:$0x4030] =	vst v3  }
0x25d: {  	[tilespmem:$0x4040] =	vst v4  }
0x25e: {  	[tilespmem:$0x4050] =	vst v51  }
0x25f: {  	[tilespmem:$0x4060] =	vst v52  }
0x260: {  	[tilespmem:$0x4070] =	vst v53  }
0x261: {  	[spmem:s1] =	stream.indirect.scatter.add.f32 [tilespmem:s26], [sflag:$0x4], $0x80, s30, s25, $0xb8;
	[tilespmem:$0x1FC80] =	vst v63  }
0x262: {  	_ =	swait.ge [sflag:s21], $0x4000  }
0x263: {  	[sflag:s21] =	ssyncset.done $0x0  }
0x264: {  	[sflag:s21] =	ssyncadd.s32 $0xFFFFC000  }
0x265: {  	_ =	swait.ge [sflag:s31], $0x4000  }
0x266: {  	[sflag:s31] =	ssyncset.done $0x0  }
0x267: {  	[sflag:s31] =	ssyncadd.s32 $0xFFFFC000  }
0x268: {  	v54 =	vld [tilespmem:$0x3F80]  }
0x269: {  	v55 =	vld [tilespmem:$0x3F90]  }
0x26a: {  	v56 =	vld [tilespmem:$0x3FA0]  }
0x26b: {  	v57 =	vld [tilespmem:$0x3FB0]  }
0x26c: {  	v58 =	vld [tilespmem:$0x3FC0]  }
0x26d: {  	v59 =	vld [tilespmem:$0x3FD0];
	[tilespmem:$0x4000] =	vst v54  }
0x26e: {  	v60 =	vld [tilespmem:$0x3FE0];
	[tilespmem:$0x4010] =	vst v55  }
0x26f: {  	v61 =	vld [tilespmem:$0x3FF0];
	[tilespmem:$0x4020] =	vst v56  }
0x270: {  	[tilespmem:$0x4030] =	vst v57  }
0x271: {  	[tilespmem:$0x4040] =	vst v58  }
0x272: {  	[tilespmem:$0x4050] =	vst v59  }
0x273: {  	[tilespmem:$0x4060] =	vst v60  }
0x274: {  	[tilespmem:$0x4070] =	vst v61  }
0x275: {  	[spmem:s1] =	stream.indirect.scatter.add.f32 [tilespmem:s28], [sflag:$0x4], $0x80, s30, s25, $0xb8;
	[tilespmem:$0x1FC80] =	vst v63  }
0x276: {  	_ =	swait.ge [sflag:s21], $0x4000  }
0x277: {  	[sflag:s21] =	ssyncset.done $0x0  }
0x278: {  	[sflag:s21] =	ssyncadd.s32 $0xFFFFC000  }
0x279: {  	_ =	swait.ge [sflag:s22], $0x1000  }
0x27a: {  	[sflag:s22] =	ssyncset.done $0x0  }
0x27b: {  	[sflag:s22] =	ssyncadd.s32 $0xFFFFF000  }
0x27c: {  	_ =	swait.ge [sflag:s22], $0x1000  }
0x27d: {  	[sflag:s22] =	ssyncset.done $0x0  }
0x27e: {  	s6 =	simm.s32 $0x0;
	[sflag:s22] =	ssyncadd.s32 $0xFFFFF000  }
0x27f: {  	[tilespmem:s26], [sflag:$0x1] =	stream.indirect.gather [hbm4b:s4+s25], $0x80, s6, s25, $0xb8;
	[tilespmem:$0x1FC80] =	vst v63  }
0x280: {  	_ = 	snop  }
0x281: {  	[tilespmem:s28], [sflag:$0x2] =	stream.indirect.gather [hbm4b:s4+s25], $0x80, s25, s25, $0xb8;
	[tilespmem:$0x1FC80] =	vst v63  }
0x282: {  	_ =	swait.ge [sflag:s29], $0x4000  }
0x283: {  	[sflag:s29] =	ssyncset.done $0x0  }
0x284: {  	s6 =	simm.s32 $0x0;
	[sflag:s29] =	ssyncadd.s32 $0xFFFFC000  }
0x285: {  	v62 =	vld [tilespmem:s6+$0x1000];
	_ =	sdelay $0x4  }
0x286: {  	[tilespmem:$0x4000] =	vst v62  }
0x287: {  	v0 =	vld [tilespmem:s6+$0x1010];
	_ =	sdelay $0x4  }
0x288: {  	[tilespmem:$0x4010] =	vst v0  }
0x289: {  	v0 =	vld [tilespmem:s6+$0x1020];
	_ =	sdelay $0x4  }
0x28a: {  	[tilespmem:$0x4020] =	vst v0  }
0x28b: {  	v0 =	vld [tilespmem:s6+$0x1030];
	_ =	sdelay $0x4  }
0x28c: {  	[tilespmem:$0x4030] =	vst v0  }
0x28d: {  	v0 =	vld [tilespmem:s6+$0x1040];
	_ =	sdelay $0x4  }
0x28e: {  	[tilespmem:$0x4040] =	vst v0  }
0x28f: {  	v0 =	vld [tilespmem:s6+$0x1050];
	_ =	sdelay $0x4  }
0x290: {  	[tilespmem:$0x4050] =	vst v0  }
0x291: {  	v0 =	vld [tilespmem:s6+$0x1060];
	_ =	sdelay $0x4  }
0x292: {  	[tilespmem:$0x4060] =	vst v0  }
0x293: {  	v0 =	vld [tilespmem:s6+$0x1070];
	_ =	sdelay $0x4  }
0x294: {  	[tilespmem:$0x4070] =	vst v0  }
0x295: {  	[spmem:s1] =	stream.indirect.scatter.add.f32 [tilespmem:s26], [sflag:$0x4], $0x80, s30, s25, $0xb8;
	[tilespmem:$0x1FC80] =	vst v63  }
0x296: {  	_ =	swait.ge [sflag:s21], $0x4000  }
0x297: {  	[sflag:s21] =	ssyncset.done $0x0  }
0x298: {  	s24 =	simm.s32 $0x100;
	[sflag:s21] =	ssyncadd.s32 $0xFFFFC000  }
0x299: {  	[tilespmem:s26], [sflag:$0x1] =	stream.indirect.gather [hbm4b:s4+s25], $0x80, s24, s25, $0xb8;
	[tilespmem:$0x1FC80] =	vst v63  }
0x29a: {  	_ =	swait.ge [sflag:s31], $0x4000  }
0x29b: {  	[sflag:s31] =	ssyncset.done $0x0  }
0x29c: {  	[sflag:s31] =	ssyncadd.s32 $0xFFFFC000  }
0x29d: {  	v63 =	vld [tilespmem:s6+$0x1080];
	_ =	sdelay $0x4  }
0x29e: {  	[tilespmem:$0x4000] =	vst v63  }
0x29f: {  	v0 =	vld [tilespmem:s6+$0x1090];
	_ =	sdelay $0x4  }
0x2a0: {  	[tilespmem:$0x4010] =	vst v0  }
0x2a1: {  	v0 =	vld [tilespmem:s6+$0x10A0];
	_ =	sdelay $0x4  }
0x2a2: {  	[tilespmem:$0x4020] =	vst v0  }
0x2a3: {  	v0 =	vld [tilespmem:s6+$0x10B0];
	_ =	sdelay $0x4  }
0x2a4: {  	[tilespmem:$0x4030] =	vst v0  }
0x2a5: {  	v0 =	vld [tilespmem:s6+$0x10C0];
	_ =	sdelay $0x4  }
0x2a6: {  	[tilespmem:$0x4040] =	vst v0  }
0x2a7: {  	v0 =	vld [tilespmem:s6+$0x10D0];
	_ =	sdelay $0x4  }
0x2a8: {  	[tilespmem:$0x4050] =	vst v0  }
0x2a9: {  	v0 =	vld [tilespmem:s6+$0x10E0];
	_ =	sdelay $0x4  }
0x2aa: {  	[tilespmem:$0x4060] =	vst v0  }
0x2ab: {  	v0 =	vld [tilespmem:s6+$0x10F0];
	_ =	sdelay $0x4  }
0x2ac: {  	[tilespmem:$0x4070] =	vst v0  }
0x2ad: {  	[spmem:s1] =	stream.indirect.scatter.add.f32 [tilespmem:s28], [sflag:$0x4], $0x80, s30, s25, $0xb8;
	[tilespmem:$0x1FC80] =	vst v63  }
0x2ae: {  	_ =	swait.ge [sflag:s21], $0x4000  }
0x2af: {  	[sflag:s21] =	ssyncset.done $0x0  }
0x2b0: {  	s7 =	simm.s32 $0x180;
	s6 =	simm.s32 $0x400;
	[sflag:s21] =	ssyncadd.s32 $0xFFFFC000  }
.LBB2_10:
0x2b1: {  	[tilespmem:s28], [sflag:$0x2] =	stream.indirect.gather [hbm4b:s4+s25], $0x80, s7, s25, $0xb8;
	[tilespmem:$0x1FC80] =	vst v63  }
0x2b2: {  	s7 =	smov.u32 s6  }
0x2b3: {  	p0 =	sne.s32 s6, $0x3800;
	s6 =	sadd.s32 $0x400, s6;
	_ =	swait.ge [sflag:s29], $0x4000  }
0x2b4: {  	[sflag:s29] =	ssyncset.done $0x0  }
0x2b5: {  	s7 =	sshra.s32 s7, $0x2;
	[sflag:s29] =	ssyncadd.s32 $0xFFFFC000  }
0x2b6: {  	v0 =	vld [tilespmem:s7+$0x1000];
	_ =	sdelay $0x4  }
0x2b7: {  	[tilespmem:$0x4000] =	vst v0  }
0x2b8: {  	v0 =	vld [tilespmem:s7+$0x1010];
	_ =	sdelay $0x4  }
0x2b9: {  	[tilespmem:$0x4010] =	vst v0  }
0x2ba: {  	v0 =	vld [tilespmem:s7+$0x1020];
	_ =	sdelay $0x4  }
0x2bb: {  	[tilespmem:$0x4020] =	vst v0  }
0x2bc: {  	v0 =	vld [tilespmem:s7+$0x1030];
	_ =	sdelay $0x4  }
0x2bd: {  	[tilespmem:$0x4030] =	vst v0  }
0x2be: {  	v0 =	vld [tilespmem:s7+$0x1040];
	_ =	sdelay $0x4  }
0x2bf: {  	[tilespmem:$0x4040] =	vst v0  }
0x2c0: {  	v0 =	vld [tilespmem:s7+$0x1050];
	_ =	sdelay $0x4  }
0x2c1: {  	[tilespmem:$0x4050] =	vst v0  }
0x2c2: {  	v0 =	vld [tilespmem:s7+$0x1060];
	_ =	sdelay $0x4  }
0x2c3: {  	[tilespmem:$0x4060] =	vst v0  }
0x2c4: {  	v0 =	vld [tilespmem:s7+$0x1070];
	_ =	sdelay $0x4  }
0x2c5: {  	[tilespmem:$0x4070] =	vst v0  }
0x2c6: {  	[spmem:s1] =	stream.indirect.scatter.add.f32 [tilespmem:s26], [sflag:$0x4], $0x80, s30, s25, $0xb8;
	[tilespmem:$0x1FC80] =	vst v63  }
0x2c7: {  	_ =	swait.ge [sflag:s21], $0x4000  }
0x2c8: {  	[sflag:s21] =	ssyncset.done $0x0  }
0x2c9: {  	s24 =	sadd.s32 $0x100, s7;
	[sflag:s21] =	ssyncadd.s32 $0xFFFFC000  }
0x2ca: {  	[tilespmem:s26], [sflag:$0x1] =	stream.indirect.gather [hbm4b:s4+s25], $0x80, s24, s25, $0xb8;
	[tilespmem:$0x1FC80] =	vst v63  }
0x2cb: {  	_ =	swait.ge [sflag:s31], $0x4000  }
0x2cc: {  	[sflag:s31] =	ssyncset.done $0x0  }
0x2cd: {  	[sflag:s31] =	ssyncadd.s32 $0xFFFFC000  }
0x2ce: {  	v0 =	vld [tilespmem:s7+$0x1080];
	_ =	sdelay $0x4  }
0x2cf: {  	[tilespmem:$0x4000] =	vst v0  }
0x2d0: {  	v0 =	vld [tilespmem:s7+$0x1090];
	_ =	sdelay $0x4  }
0x2d1: {  	[tilespmem:$0x4010] =	vst v0  }
0x2d2: {  	v0 =	vld [tilespmem:s7+$0x10A0];
	_ =	sdelay $0x4  }
0x2d3: {  	[tilespmem:$0x4020] =	vst v0  }
0x2d4: {  	v0 =	vld [tilespmem:s7+$0x10B0];
	_ =	sdelay $0x4  }
0x2d5: {  	[tilespmem:$0x4030] =	vst v0  }
0x2d6: {  	v0 =	vld [tilespmem:s7+$0x10C0];
	_ =	sdelay $0x4  }
0x2d7: {  	[tilespmem:$0x4040] =	vst v0  }
0x2d8: {  	v0 =	vld [tilespmem:s7+$0x10D0];
	_ =	sdelay $0x4  }
0x2d9: {  	[tilespmem:$0x4050] =	vst v0  }
0x2da: {  	v0 =	vld [tilespmem:s7+$0x10E0];
	_ =	sdelay $0x4  }
0x2db: {  	[tilespmem:$0x4060] =	vst v0  }
0x2dc: {  	v0 =	vld [tilespmem:s7+$0x10F0];
	_ =	sdelay $0x4  }
.Ltmp4:
0x2dd: {  	[tilespmem:$0x4070] =	vst v0;
	(pc) =	sbr.rel @p0 .LBB2_10-.Ltmp4, $4  }
0x2de: {  	[spmem:s1] =	stream.indirect.scatter.add.f32 [tilespmem:s28], [sflag:$0x4], $0x80, s30, s25, $0xb8;
	[tilespmem:$0x1FC80] =	vst v63  }
0x2df: {  	_ =	swait.ge [sflag:s21], $0x4000  }
0x2e0: {  	[sflag:s21] =	ssyncset.done $0x0  }
0x2e1: {  	s7 =	sadd.s32 $0x180, s7;
	[sflag:s21] =	ssyncadd.s32 $0xFFFFC000  }
0x2e2: {  	[tilespmem:s28], [sflag:$0x2] =	stream.indirect.gather [hbm4b:s4+s25], $0x80, s7, s25, $0xb8;
	[tilespmem:$0x1FC80] =	vst v63  }
0x2e3: {  	_ =	swait.ge [sflag:s29], $0x4000  }
0x2e4: {  	[sflag:s29] =	ssyncset.done $0x0  }
0x2e5: {  	[sflag:s29] =	ssyncadd.s32 $0xFFFFC000  }
0x2e6: {  	v0 =	vld [tilespmem:$0x1F00]  }
0x2e7: {  	v1 =	vld [tilespmem:$0x1F10]  }
0x2e8: {  	v2 =	vld [tilespmem:$0x1F20]  }
0x2e9: {  	v3 =	vld [tilespmem:$0x1F30]  }
0x2ea: {  	v4 =	vld [tilespmem:$0x1F40]  }
0x2eb: {  	v53 =	vld [tilespmem:$0x1F50];
	[tilespmem:$0x4000] =	vst v0  }
0x2ec: {  	v54 =	vld [tilespmem:$0x1F60];
	[tilespmem:$0x4010] =	vst v1  }
0x2ed: {  	v55 =	vld [tilespmem:$0x1F70];
	[tilespmem:$0x4020] =	vst v2  }
0x2ee: {  	[tilespmem:$0x4030] =	vst v3  }
0x2ef: {  	[tilespmem:$0x4040] =	vst v4  }
0x2f0: {  	[tilespmem:$0x4050] =	vst v53  }
0x2f1: {  	[tilespmem:$0x4060] =	vst v54  }
0x2f2: {  	[tilespmem:$0x4070] =	vst v55  }
0x2f3: {  	[spmem:s1] =	stream.indirect.scatter.add.f32 [tilespmem:s26], [sflag:$0x4], $0x80, s30, s25, $0xb8;
	[tilespmem:$0x1FC80] =	vst v63  }
0x2f4: {  	_ =	swait.ge [sflag:s21], $0x4000  }
0x2f5: {  	[sflag:s21] =	ssyncset.done $0x0  }
0x2f6: {  	[sflag:s21] =	ssyncadd.s32 $0xFFFFC000  }
0x2f7: {  	_ =	swait.ge [sflag:s31], $0x4000  }
0x2f8: {  	[sflag:s31] =	ssyncset.done $0x0  }
0x2f9: {  	[sflag:s31] =	ssyncadd.s32 $0xFFFFC000  }
0x2fa: {  	v56 =	vld [tilespmem:$0x1F80]  }
0x2fb: {  	v57 =	vld [tilespmem:$0x1F90]  }
0x2fc: {  	v58 =	vld [tilespmem:$0x1FA0]  }
0x2fd: {  	v59 =	vld [tilespmem:$0x1FB0]  }
0x2fe: {  	v60 =	vld [tilespmem:$0x1FC0]  }
0x2ff: {  	v61 =	vld [tilespmem:$0x1FD0];
	[tilespmem:$0x4000] =	vst v56  }
0x300: {  	v62 =	vld [tilespmem:$0x1FE0];
	[tilespmem:$0x4010] =	vst v57  }
0x301: {  	v63 =	vld [tilespmem:$0x1FF0];
	[tilespmem:$0x4020] =	vst v58  }
0x302: {  	[tilespmem:$0x4030] =	vst v59  }
0x303: {  	[tilespmem:$0x4040] =	vst v60  }
0x304: {  	[tilespmem:$0x4050] =	vst v61  }
0x305: {  	[tilespmem:$0x4060] =	vst v62  }
0x306: {  	[tilespmem:$0x4070] =	vst v63  }
0x307: {  	[spmem:s1] =	stream.indirect.scatter.add.f32 [tilespmem:s28], [sflag:$0x4], $0x80, s30, s25, $0xb8;
	[tilespmem:$0x1FC80] =	vst v63  }
0x308: {  	_ =	swait.ge [sflag:s21], $0x4000  }
0x309: {  	s2 =	sadd.s32 $0x1, s2;
	[sflag:s21] =	ssyncset.done $0x0  }
0x30a: {  	p0 =	sne.s32 s2, s19;
	[sflag:s21] =	ssyncadd.s32 $0xFFFFC000  }
.Ltmp5:
0x30b: {  	[bflag:$0x0] =	sbarrier.arrive $0xFFFF;
	(pc) =	sbr.rel @p0 .LBB2_1-.Ltmp5, $4  }
0x30c: {  	[hbm:s18], [sflag:s9] =	dma.local [spmem:s5], $0x2780  }
0x30d: {  	_ =	swait.ge [sflag:s21], $0x2780  }
0x30e: {  	[sflag:s21] =	ssyncset.done $0x0  }
0x30f: {  	[sflag:s21] =	ssyncadd.s32 $0xFFFFD880  }
0x310: {  	_ =	sfence.sel $0x180000  }
0x311: {  	[bflag:$0x0] =	sbarrier.arrive $0xFFFF  }
0x312: {  	_ =	strace $0x90000047  }
0x313: {  	s0 =	stileid.u32;
	[bflag:$0x2] =	sbarrier.arrive $0xFFFF  }
0x314: {  	p0 =	sne.s32 s0, $0x0;
	s0 =	rddreg [dreg:$0x2]  }
0x315: {  	s0 =	sadd.s32 @!p0 $0x100000, s0  }
0x316: {  	[sflag:s0] =	ssyncadd.tile.s32 @!p0 $0x1;
	_ =	shalt  }
.Lfunc_end2:
_tile_overlayer_lowered:
.L_overlay_start_2:
0x317: {  	(tag) =	ssettag $0x2  }
0x318: {  	s0 =	rddreg [dreg:$0x0];
	s2 =	stileid.u32  }
0x319: {  	s1 =	rddreg [dreg:$0x1];
	p0 =	sne.s32 s2, $0x0  }
0x31a: {  	s3 =	rddreg [dreg:$0x2];
	[bflag:$0x3] =	sbarrier.arrive $0xFFFF;
	s2 =	simm.s32 @!p0 $0x1C04  }
0x31b: {  	[timem:s3], [sflag:s2] =	dma.local @!p0 [hbm:s0], s1  }
0x31c: {  	s0 =	simm.s32 @!p0 $0x4  }
0x31d: {  	_ =	swait.ge @!p0 [sflag:s0], s1  }
0x31e: {  	s1 =	ssub.s32 @!p0 $0x0, s1;
	[sflag:s0] =	ssyncset.done @!p0 $0x0  }
0x31f: {  	[sflag:s0] =	ssyncadd.s32 @!p0 s1  }
0x320: {  	[bflag:$0x3] =	sbarrier.arrive $0xFFFF  }
0x321: {  	_ =	shalt  }

</sc_bundles>
